<compile_context>
chip_gen: v7x
topology: tpu7x:2x2x1
jax: 0.10.2.dev20260603
libtpu: 0.0.44.dev20260713+nightly
codegen_flags: <defaults>
</compile_context>

<pallas_src>
import functools

import jax
import jax.numpy as jnp
from jax import lax
from jax.experimental import pallas as pl
from jax.experimental.pallas import tpu as pltpu
from jax.experimental.pallas import tpu_sc as plsc

N = 10000
E = 320000
D = 128
NPAD = 10240
BLK = 1024

NC = 2
NS = 16
NW = NC * NS
EPW = E // NW
CHUNK = 40
NCHUNK = EPW // CHUNK
NBUF = 5
GA = 4
SD = 1
RPT = NPAD // NS
CHD = 80
NCHD = EPW // CHD

_mesh = plsc.VectorSubcoreMesh(core_axis_name="c", subcore_axis_name="s")
_sc_params = pltpu.CompilerParams(use_tc_tiling_on_sc=False)


def _memset_zero(ref, rows, cols):
    z = jnp.zeros((16,), jnp.float32)

    def body(i, _):
        for k in range(cols // 16):
            ref[i, pl.ds(16 * k, 16)] = z
        return 0

    lax.fori_loop(0, rows, body, 0)


@functools.partial(
    pl.kernel,
    out_type=jax.ShapeDtypeStruct((NC, 2, NPAD), jnp.float32),
    mesh=_mesh,
    compiler_params=_sc_params,
    scratch_types=[
        pltpu.VMEM((NCHD, CHD), jnp.int32),
        pltpu.VMEM((NCHD, CHD), jnp.int32),
        pltpu.VMEM((CHD,), jnp.float32),
        pltpu.VMEM((RPT,), jnp.float32),
        pltpu.VMEM_SHARED((NPAD,), jnp.float32),
        pltpu.VMEM_SHARED((NPAD,), jnp.float32),
        pltpu.SemaphoreType.DMA,
        pltpu.SemaphoreType.DMA,
    ],
)
def _deg_kernel(edge3d, out, srcb, dstb, onesb, zb, degs_sh, degd_sh, sem1, sem2):
    c = lax.axis_index("c")
    s = lax.axis_index("s")
    wid = c * NS + s

    pltpu.sync_copy(edge3d.at[0, pl.ds(wid * NCHD, NCHD), :], srcb)
    pltpu.sync_copy(edge3d.at[1, pl.ds(wid * NCHD, NCHD), :], dstb)

    one16 = jnp.ones((16,), jnp.float32)
    z16 = jnp.zeros((16,), jnp.float32)
    for k in range(CHD // 16):
        onesb[pl.ds(16 * k, 16)] = one16

    def zbody(i, _):
        zb[pl.ds(16 * i, 16)] = z16
        return 0

    lax.fori_loop(0, RPT // 16, zbody, 0)

    pltpu.sync_copy(zb, degs_sh.at[pl.ds(s * RPT, RPT)])
    pltpu.sync_copy(zb, degd_sh.at[pl.ds(s * RPT, RPT)])
    plsc.subcore_barrier()

    def fire(j, _):
        pltpu.async_copy(onesb, degs_sh.at[srcb.at[j]], sem1, add=True)
        pltpu.async_copy(onesb, degd_sh.at[dstb.at[j]], sem2, add=True)
        return 0

    lax.fori_loop(0, NCHD, fire, 0)

    def drain(j, _):
        pltpu.make_async_copy(onesb, degs_sh.at[srcb.at[0]], sem1).wait()
        pltpu.make_async_copy(onesb, degd_sh.at[dstb.at[0]], sem2).wait()
        return 0

    lax.fori_loop(0, NCHD, drain, 0)
    plsc.subcore_barrier()

    pltpu.sync_copy(degs_sh.at[pl.ds(s * RPT, RPT)], out.at[c, 0, pl.ds(s * RPT, RPT)])
    pltpu.sync_copy(degd_sh.at[pl.ds(s * RPT, RPT)], out.at[c, 1, pl.ds(s * RPT, RPT)])


def _scale_body(degp_ref, feat_ref, fs_ref, ddi_ref):
    ds_ = degp_ref[0, 0] + degp_ref[1, 0]
    dd_ = degp_ref[0, 1] + degp_ref[1, 1]
    dsi = lax.rsqrt(jnp.maximum(ds_, 1.0))
    fs_ref[...] = feat_ref[...] * dsi
    ddi_ref[...] = lax.rsqrt(jnp.maximum(dd_, 1.0))


def _scale_stage(degp4, feat_p):
    grid = NPAD // BLK
    return pl.pallas_call(
        _scale_body,
        grid=(grid,),
        in_specs=[
            pl.BlockSpec((NC, 2, BLK, 1), lambda j: (0, 0, j, 0)),
            pl.BlockSpec((BLK, D), lambda j: (j, 0)),
        ],
        out_specs=[
            pl.BlockSpec((BLK, D), lambda j: (j, 0)),
            pl.BlockSpec((BLK, 1), lambda j: (j, 0)),
        ],
        out_shape=[
            jax.ShapeDtypeStruct((NPAD, D), jnp.float32),
            jax.ShapeDtypeStruct((NPAD, 1), jnp.float32),
        ],
    )(degp4, feat_p)


@functools.partial(
    pl.kernel,
    out_type=jax.ShapeDtypeStruct((NC, NPAD, D), jnp.float32),
    mesh=_mesh,
    compiler_params=_sc_params,
    scratch_types=[
        pltpu.VMEM((NCHUNK, CHUNK), jnp.int32),
        pltpu.VMEM((NCHUNK, CHUNK), jnp.int32),
        pltpu.VMEM((NBUF, CHUNK, D), jnp.float32),
        pltpu.VMEM_SHARED((NPAD, D), jnp.float32),
        [pltpu.SemaphoreType.DMA] * NBUF,
        [pltpu.SemaphoreType.DMA] * NBUF,
    ],
)
def _agg_kernel(fs_hbm, edge3, out, srcb, dstb, bufs, agg_sh, gsems, ssems):
    c = lax.axis_index("c")
    s = lax.axis_index("s")
    wid = c * NS + s

    pltpu.sync_copy(edge3.at[0, pl.ds(wid * NCHUNK, NCHUNK), :], srcb)
    pltpu.sync_copy(edge3.at[1, pl.ds(wid * NCHUNK, NCHUNK), :], dstb)

    _memset_zero(bufs.at[0], CHUNK, D)
    for k in range(RPT // CHUNK):
        pltpu.sync_copy(bufs.at[0], agg_sh.at[pl.ds(s * RPT + k * CHUNK, CHUNK), :])
    plsc.subcore_barrier()

    def wait_gather(p):
        pltpu.make_async_copy(fs_hbm.at[srcb.at[0]], bufs.at[p], gsems[p]).wait()

    def wait_scatter(p):
        pltpu.make_async_copy(bufs.at[p], agg_sh.at[dstb.at[0]], ssems[p]).wait()

    for p in range(GA):
        pltpu.async_copy(fs_hbm.at[srcb.at[p]], bufs.at[p], gsems[p])

    def outer(i, _):
        base = i * NBUF
        for p in range(NBUF):
            j = base + p
            wait_gather(p)
            pltpu.async_copy(bufs.at[p], agg_sh.at[dstb.at[j]], ssems[p], add=True)

            @pl.when(j >= SD)
            def _():
                wait_scatter((p - SD) % NBUF)

            @pl.when(j + GA < NCHUNK)
            def _():
                pltpu.async_copy(
                    fs_hbm.at[srcb.at[j + GA]], bufs.at[(p + GA) % NBUF],
                    gsems[(p + GA) % NBUF])
        return 0

    lax.fori_loop(0, NCHUNK // NBUF, outer, 0)
    for j in range(NCHUNK - SD, NCHUNK):
        wait_scatter(j % NBUF)
    plsc.subcore_barrier()

    pltpu.sync_copy(agg_sh.at[pl.ds(s * RPT, RPT), :], out.at[c, pl.ds(s * RPT, RPT), :])


def _final_body(aggp_ref, feat_ref, ddi_ref, w1_ref, w2_ref, b1_ref, b2_ref, out_ref):
    agg = (aggp_ref[0] + aggp_ref[1]) * ddi_ref[...]
    x1 = feat_ref[...] * agg
    h1 = jnp.dot(x1, w1_ref[...], preferred_element_type=jnp.float32) + b1_ref[...]
    h1 = jnp.where(h1 >= 0, h1, 0.2 * h1)
    h2 = jnp.dot(agg, w2_ref[...], preferred_element_type=jnp.float32) + b2_ref[...]
    h2 = jnp.where(h2 >= 0, h2, 0.2 * h2)
    out = h1 + h2
    sq = jnp.sum(out * out, axis=1, keepdims=True)
    out_ref[...] = out * lax.rsqrt(jnp.maximum(sq, 1e-12))


def _final_stage(aggp, feat_p, ddi_p, W1, W2, b1, b2):
    grid = NPAD // BLK
    return pl.pallas_call(
        _final_body,
        grid=(grid,),
        in_specs=[
            pl.BlockSpec((NC, BLK, D), lambda j: (0, j, 0)),
            pl.BlockSpec((BLK, D), lambda j: (j, 0)),
            pl.BlockSpec((BLK, 1), lambda j: (j, 0)),
            pl.BlockSpec((D, D), lambda j: (0, 0)),
            pl.BlockSpec((D, D), lambda j: (0, 0)),
            pl.BlockSpec((1, D), lambda j: (0, 0)),
            pl.BlockSpec((1, D), lambda j: (0, 0)),
        ],
        out_specs=pl.BlockSpec((BLK, D), lambda j: (j, 0)),
        out_shape=jax.ShapeDtypeStruct((NPAD, D), jnp.float32),
    )(aggp, feat_p, ddi_p, W1, W2, b1, b2)


def kernel(features, edge_index, W1, W2, b1, b2):
    edge3 = edge_index.reshape(2, E // CHUNK, CHUNK)
    edge3d = edge_index.reshape(2, E // CHD, CHD)
    feat_p = jnp.pad(features, ((0, NPAD - N), (0, 0)))

    degp = _deg_kernel(edge3d)
    degp4 = degp.reshape(NC, 2, NPAD, 1)
    fs_p, ddi_p = _scale_stage(degp4, feat_p)
    aggp = _agg_kernel(fs_p, edge3)
    out = _final_stage(aggp, feat_p, ddi_p, W1, W2, b1, b2)
    return out[:N]

# --- scband reference (transcript-rebuilt; emitter-appended) ---
"""Pipeline reference for scband-ngcflayer-73289321939137 (READ-ONLY COPY).

The authoritative reference and input builder live on the scoring server;
editing this copy changes nothing except your own understanding.
"""

import jax, jax.numpy as jnp
import numpy as np

N = 10000
E = 320000
D = 128

def setup_inputs(seed: int = 0) -> dict:
    key = jax.random.key(seed)
    k1, k2, k3, k4, k5, k6 = jax.random.split(key, 6)
    features = jax.random.normal(k1, (N, D), dtype=jnp.float32)
    edge_index = jax.random.randint(k2, (2, E), 0, N, dtype=jnp.int32)
    scale = 1.0 / np.sqrt(D)
    W1 = jax.random.normal(k3, (D, D), dtype=jnp.float32) * scale
    W2 = jax.random.normal(k4, (D, D), dtype=jnp.float32) * scale
    b1 = jax.random.normal(k5, (1, D), dtype=jnp.float32) * scale
    b2 = jax.random.normal(k6, (1, D), dtype=jnp.float32) * scale
    return {"features": features, "edge_index": edge_index, "W1": W1, "W2": W2, "b1": b1, "b2": b2}

def reference(features, edge_index, W1, W2, b1, b2):
    src = edge_index[0]
    dst = edge_index[1]
    ones = jnp.ones((E,), dtype=jnp.float32)
    deg_src = jnp.zeros((N,), dtype=jnp.float32).at[src].add(ones)
    deg_dst = jnp.zeros((N,), dtype=jnp.float32).at[dst].add(ones)
    # bipartite (symmetric) normalization: 1/sqrt(deg_src * deg_dst)
    dsi = jax.lax.rsqrt(jnp.maximum(deg_src, 1.0))
    ddi = jax.lax.rsqrt(jnp.maximum(deg_dst, 1.0))
    norm = dsi[src] * ddi[dst]
    # sparse adjacency @ features  ==  gather + scale + scatter-add
    messages = features[src] * norm[:, None]
    agg = jnp.zeros((N, D), dtype=jnp.float32).at[dst].add(messages)
    act = lambda x: jax.nn.leaky_relu(x, negative_slope=0.2)
    out = act(jnp.matmul(features * agg, W1) + b1) + act(jnp.matmul(agg, W2) + b2)
    # tf.math.l2_normalize(out, axis=1)
    sq = jnp.sum(out * out, axis=1, keepdims=True)
    out = out * jax.lax.rsqrt(jnp.maximum(sq, 1e-12))
    return out

if __name__ == "__main__":
    import jax
    _d = setup_inputs()
    print(jax.jit(kernel)(*tuple(_d.values())))

</pallas_src>

<mosaic_0001>
#map = affine_map<(d0, d1) -> (0, 0)>
#map1 = affine_map<(d0, d1) -> (0, 0, 0)>
module attributes {stable_mosaic.version = 14 : i64} {
  func.func @_agg_kernel(%arg0: i32, %arg1: i32, %arg2: memref<10240x128xf32, #tpu.memory_space<hbm>>, %arg3: memref<2x8000x40xi32, #tpu.memory_space<hbm>>, %arg4: memref<2x10240x128xf32, #tpu.memory_space<hbm>>, %arg5: memref<250x40xi32, #tpu.memory_space<vmem>>, %arg6: memref<250x40xi32, #tpu.memory_space<vmem>>, %arg7: memref<5x40x128xf32, #tpu.memory_space<vmem>>, %arg8: memref<10240x128xf32, #tpu.memory_space<vmem_shared>>, %arg9: memref<!tpu.dma_semaphore, #tpu.memory_space<semaphore_mem>>, %arg10: memref<!tpu.dma_semaphore, #tpu.memory_space<semaphore_mem>>, %arg11: memref<!tpu.dma_semaphore, #tpu.memory_space<semaphore_mem>>, %arg12: memref<!tpu.dma_semaphore, #tpu.memory_space<semaphore_mem>>, %arg13: memref<!tpu.dma_semaphore, #tpu.memory_space<semaphore_mem>>, %arg14: memref<!tpu.dma_semaphore, #tpu.memory_space<semaphore_mem>>, %arg15: memref<!tpu.dma_semaphore, #tpu.memory_space<semaphore_mem>>, %arg16: memref<!tpu.dma_semaphore, #tpu.memory_space<semaphore_mem>>, %arg17: memref<!tpu.dma_semaphore, #tpu.memory_space<semaphore_mem>>, %arg18: memref<!tpu.dma_semaphore, #tpu.memory_space<semaphore_mem>>) attributes {dimension_semantics = [#tpu.dimension_semantics<core_parallel>, #tpu.dimension_semantics<subcore_parallel>], iteration_bounds = array<i64: 2, 16>, scalar_prefetch = 0 : i64, scratch_operands = 14 : i64, tpu.core_type = #tpu.core_type<sc_vector_subcore>, window_params = [{transform_indices = #map}, {transform_indices = #map1}, {transform_indices = #map1}]} {
    %mul3A = arith.constant 16 : i32
    %mul3A_0 = arith.muli %arg0, %mul3A : i32
    %add3A = arith.addi %mul3A_0, %arg1 : i32
    %mul3A_1 = arith.constant 250 : i32
    %mul3A_2 = arith.muli %add3A, %mul3A_1 : i32
    %run_scoped3A = arith.constant 0 : i32
    "tpu.region"() ({
      %run_scoped3A_164 = tpu.sem_alloc : memref<!tpu.dma_semaphore, #tpu.memory_space<semaphore_mem>>
      %dma_start3A_165 = arith.constant 0 : i32
      %dma_start3A_166 = tpu.memref_slice %arg3[%run_scoped3A, %mul3A_2, %dma_start3A_165] : memref<2x8000x40xi32, #tpu.memory_space<hbm>> -> memref<1x250x40xi32, #tpu.memory_space<hbm>>
      %dma_start3A_167 = tpu.memref_squeeze %dma_start3A_166 : memref<1x250x40xi32, #tpu.memory_space<hbm>> -> memref<250x40xi32, #tpu.memory_space<hbm>>
      %dma_start3A_168 = arith.constant 0 : i32
      %dma_start3A_169 = tpu.memref_slice %arg3[%run_scoped3A, %mul3A_2, %dma_start3A_168] : memref<2x8000x40xi32, #tpu.memory_space<hbm>> -> memref<1x250x40xi32, #tpu.memory_space<hbm>>
      %dma_start3A_170 = tpu.memref_squeeze %dma_start3A_169 : memref<1x250x40xi32, #tpu.memory_space<hbm>> -> memref<250x40xi32, #tpu.memory_space<hbm>>
      tpu.enqueue_dma source(%dma_start3A_170 : memref<250x40xi32, #tpu.memory_space<hbm>>) target(%arg5 : memref<250x40xi32, #tpu.memory_space<vmem>>) target_semaphore(%run_scoped3A_164 : memref<!tpu.dma_semaphore, #tpu.memory_space<semaphore_mem>>)
      %dma_wait3A_171 = arith.constant 0 : i32
      %dma_wait3A_172 = tpu.memref_slice %arg3[%run_scoped3A, %mul3A_2, %dma_wait3A_171] : memref<2x8000x40xi32, #tpu.memory_space<hbm>> -> memref<1x250x40xi32, #tpu.memory_space<hbm>>
      %dma_wait3A_173 = tpu.memref_squeeze %dma_wait3A_172 : memref<1x250x40xi32, #tpu.memory_space<hbm>> -> memref<250x40xi32, #tpu.memory_space<hbm>>
      %dma_wait3A_174 = arith.constant 0 : i32
      %dma_wait3A_175 = tpu.memref_slice %arg3[%run_scoped3A, %mul3A_2, %dma_wait3A_174] : memref<2x8000x40xi32, #tpu.memory_space<hbm>> -> memref<1x250x40xi32, #tpu.memory_space<hbm>>
      %dma_wait3A_176 = tpu.memref_squeeze %dma_wait3A_175 : memref<1x250x40xi32, #tpu.memory_space<hbm>> -> memref<250x40xi32, #tpu.memory_space<hbm>>
      tpu.wait_dma2 semaphore(%run_scoped3A_164 : memref<!tpu.dma_semaphore, #tpu.memory_space<semaphore_mem>>) src(%dma_wait3A_176 : memref<250x40xi32, #tpu.memory_space<hbm>>) dst(%arg5 : memref<250x40xi32, #tpu.memory_space<vmem>>)
      tpu.yield
    }) : () -> ()
    %mul3A_3 = arith.constant 250 : i32
    %mul3A_4 = arith.muli %add3A, %mul3A_3 : i32
    %run_scoped3A_5 = arith.constant 1 : i32
    "tpu.region"() ({
      %run_scoped3A_164 = tpu.sem_alloc : memref<!tpu.dma_semaphore, #tpu.memory_space<semaphore_mem>>
      %dma_start3A_165 = arith.constant 0 : i32
      %dma_start3A_166 = tpu.memref_slice %arg3[%run_scoped3A_5, %mul3A_4, %dma_start3A_165] : memref<2x8000x40xi32, #tpu.memory_space<hbm>> -> memref<1x250x40xi32, #tpu.memory_space<hbm>>
      %dma_start3A_167 = tpu.memref_squeeze %dma_start3A_166 : memref<1x250x40xi32, #tpu.memory_space<hbm>> -> memref<250x40xi32, #tpu.memory_space<hbm>>
      %dma_start3A_168 = arith.constant 0 : i32
      %dma_start3A_169 = tpu.memref_slice %arg3[%run_scoped3A_5, %mul3A_4, %dma_start3A_168] : memref<2x8000x40xi32, #tpu.memory_space<hbm>> -> memref<1x250x40xi32, #tpu.memory_space<hbm>>
      %dma_start3A_170 = tpu.memref_squeeze %dma_start3A_169 : memref<1x250x40xi32, #tpu.memory_space<hbm>> -> memref<250x40xi32, #tpu.memory_space<hbm>>
      tpu.enqueue_dma source(%dma_start3A_170 : memref<250x40xi32, #tpu.memory_space<hbm>>) target(%arg6 : memref<250x40xi32, #tpu.memory_space<vmem>>) target_semaphore(%run_scoped3A_164 : memref<!tpu.dma_semaphore, #tpu.memory_space<semaphore_mem>>)
      %dma_wait3A_171 = arith.constant 0 : i32
      %dma_wait3A_172 = tpu.memref_slice %arg3[%run_scoped3A_5, %mul3A_4, %dma_wait3A_171] : memref<2x8000x40xi32, #tpu.memory_space<hbm>> -> memref<1x250x40xi32, #tpu.memory_space<hbm>>
      %dma_wait3A_173 = tpu.memref_squeeze %dma_wait3A_172 : memref<1x250x40xi32, #tpu.memory_space<hbm>> -> memref<250x40xi32, #tpu.memory_space<hbm>>
      %dma_wait3A_174 = arith.constant 0 : i32
      %dma_wait3A_175 = tpu.memref_slice %arg3[%run_scoped3A_5, %mul3A_4, %dma_wait3A_174] : memref<2x8000x40xi32, #tpu.memory_space<hbm>> -> memref<1x250x40xi32, #tpu.memory_space<hbm>>
      %dma_wait3A_176 = tpu.memref_squeeze %dma_wait3A_175 : memref<1x250x40xi32, #tpu.memory_space<hbm>> -> memref<250x40xi32, #tpu.memory_space<hbm>>
      tpu.wait_dma2 semaphore(%run_scoped3A_164 : memref<!tpu.dma_semaphore, #tpu.memory_space<semaphore_mem>>) src(%dma_wait3A_176 : memref<250x40xi32, #tpu.memory_space<hbm>>) dst(%arg6 : memref<250x40xi32, #tpu.memory_space<vmem>>)
      tpu.yield
    }) : () -> ()
    %broadcast_in_dim3A = arith.constant 0.000000e+00 : f32
    %broadcast_in_dim3A_6 = vector.broadcast %broadcast_in_dim3A : f32 to vector<16xf32>
    %scan3A = arith.constant 0 : i32
    %scan3A_7 = arith.constant 0 : i32
    %scan3A_8 = arith.constant 0 : i32
    %scan3A_9 = arith.constant 40 : i32
    %scan3A_10 = arith.addi %scan3A_8, %scan3A_9 : i32
    %scan3A_11 = arith.constant 1 : i32
    %scan3A_12 = scf.for %scan3A_164 = %scan3A_8 to %scan3A_10 step %scan3A_11 iter_args(%scan3A_165 = %scan3A_7) -> (i32)  : i32 {
      %swap3A = arith.constant 0 : i32
      %swap3A_166 = arith.constant 0 : i32
      %swap3A_167 = tpu.memref_slice %arg7[%scan3A, %swap3A, %swap3A_166] : memref<5x40x128xf32, #tpu.memory_space<vmem>> -> memref<1x40x128xf32, #tpu.memory_space<vmem>>
      %swap3A_168 = tpu.memref_squeeze %swap3A_167 : memref<1x40x128xf32, #tpu.memory_space<vmem>> -> memref<40x128xf32, #tpu.memory_space<vmem>>
      %swap3A_169 = arith.index_cast %scan3A_164 : i32 to index
      %swap3A_170 = arith.constant 0 : index
      %swap3A_171 = tpu.vector_load %swap3A_168[%swap3A_169, %swap3A_170] {strides = array<i32>} : memref<40x128xf32, #tpu.memory_space<vmem>>, vector<1x16xf32>,
      %swap3A_172 = vector.shape_cast %swap3A_171 : vector<1x16xf32> to vector<16xf32>
      %swap3A_173 = vector.shape_cast %broadcast_in_dim3A_6 : vector<16xf32> to vector<1x16xf32>
      tpu.vector_store %swap3A_168[%swap3A_169, %swap3A_170], %swap3A_173 {strides = array<i32>} : memref<40x128xf32, #tpu.memory_space<vmem>>, vector<1x16xf32>,
      %swap3A_174 = arith.constant 0 : i32
      %swap3A_175 = arith.constant 0 : i32
      %swap3A_176 = tpu.memref_slice %arg7[%scan3A, %swap3A_174, %swap3A_175] : memref<5x40x128xf32, #tpu.memory_space<vmem>> -> memref<1x40x128xf32, #tpu.memory_space<vmem>>
      %swap3A_177 = tpu.memref_squeeze %swap3A_176 : memref<1x40x128xf32, #tpu.memory_space<vmem>> -> memref<40x128xf32, #tpu.memory_space<vmem>>
      %swap3A_178 = arith.index_cast %scan3A_164 : i32 to index
      %swap3A_179 = arith.constant 16 : index
      %swap3A_180 = tpu.vector_load %swap3A_177[%swap3A_178, %swap3A_179] {strides = array<i32>} : memref<40x128xf32, #tpu.memory_space<vmem>>, vector<1x16xf32>,
      %swap3A_181 = vector.shape_cast %swap3A_180 : vector<1x16xf32> to vector<16xf32>
      %swap3A_182 = vector.shape_cast %broadcast_in_dim3A_6 : vector<16xf32> to vector<1x16xf32>
      tpu.vector_store %swap3A_177[%swap3A_178, %swap3A_179], %swap3A_182 {strides = array<i32>} : memref<40x128xf32, #tpu.memory_space<vmem>>, vector<1x16xf32>,
      %swap3A_183 = arith.constant 0 : i32
      %swap3A_184 = arith.constant 0 : i32
      %swap3A_185 = tpu.memref_slice %arg7[%scan3A, %swap3A_183, %swap3A_184] : memref<5x40x128xf32, #tpu.memory_space<vmem>> -> memref<1x40x128xf32, #tpu.memory_space<vmem>>
      %swap3A_186 = tpu.memref_squeeze %swap3A_185 : memref<1x40x128xf32, #tpu.memory_space<vmem>> -> memref<40x128xf32, #tpu.memory_space<vmem>>
      %swap3A_187 = arith.index_cast %scan3A_164 : i32 to index
      %swap3A_188 = arith.constant 32 : index
      %swap3A_189 = tpu.vector_load %swap3A_186[%swap3A_187, %swap3A_188] {strides = array<i32>} : memref<40x128xf32, #tpu.memory_space<vmem>>, vector<1x16xf32>,
      %swap3A_190 = vector.shape_cast %swap3A_189 : vector<1x16xf32> to vector<16xf32>
      %swap3A_191 = vector.shape_cast %broadcast_in_dim3A_6 : vector<16xf32> to vector<1x16xf32>
      tpu.vector_store %swap3A_186[%swap3A_187, %swap3A_188], %swap3A_191 {strides = array<i32>} : memref<40x128xf32, #tpu.memory_space<vmem>>, vector<1x16xf32>,
      %swap3A_192 = arith.constant 0 : i32
      %swap3A_193 = arith.constant 0 : i32
      %swap3A_194 = tpu.memref_slice %arg7[%scan3A, %swap3A_192, %swap3A_193] : memref<5x40x128xf32, #tpu.memory_space<vmem>> -> memref<1x40x128xf32, #tpu.memory_space<vmem>>
      %swap3A_195 = tpu.memref_squeeze %swap3A_194 : memref<1x40x128xf32, #tpu.memory_space<vmem>> -> memref<40x128xf32, #tpu.memory_space<vmem>>
      %swap3A_196 = arith.index_cast %scan3A_164 : i32 to index
      %swap3A_197 = arith.constant 48 : index
      %swap3A_198 = tpu.vector_load %swap3A_195[%swap3A_196, %swap3A_197] {strides = array<i32>} : memref<40x128xf32, #tpu.memory_space<vmem>>, vector<1x16xf32>,
      %swap3A_199 = vector.shape_cast %swap3A_198 : vector<1x16xf32> to vector<16xf32>
      %swap3A_200 = vector.shape_cast %broadcast_in_dim3A_6 : vector<16xf32> to vector<1x16xf32>
      tpu.vector_store %swap3A_195[%swap3A_196, %swap3A_197], %swap3A_200 {strides = array<i32>} : memref<40x128xf32, #tpu.memory_space<vmem>>, vector<1x16xf32>,
      %swap3A_201 = arith.constant 0 : i32
      %swap3A_202 = arith.constant 0 : i32
      %swap3A_203 = tpu.memref_slice %arg7[%scan3A, %swap3A_201, %swap3A_202] : memref<5x40x128xf32, #tpu.memory_space<vmem>> -> memref<1x40x128xf32, #tpu.memory_space<vmem>>
      %swap3A_204 = tpu.memref_squeeze %swap3A_203 : memref<1x40x128xf32, #tpu.memory_space<vmem>> -> memref<40x128xf32, #tpu.memory_space<vmem>>
      %swap3A_205 = arith.index_cast %scan3A_164 : i32 to index
      %swap3A_206 = arith.constant 64 : index
      %swap3A_207 = tpu.vector_load %swap3A_204[%swap3A_205, %swap3A_206] {strides = array<i32>} : memref<40x128xf32, #tpu.memory_space<vmem>>, vector<1x16xf32>,
      %swap3A_208 = vector.shape_cast %swap3A_207 : vector<1x16xf32> to vector<16xf32>
      %swap3A_209 = vector.shape_cast %broadcast_in_dim3A_6 : vector<16xf32> to vector<1x16xf32>
      tpu.vector_store %swap3A_204[%swap3A_205, %swap3A_206], %swap3A_209 {strides = array<i32>} : memref<40x128xf32, #tpu.memory_space<vmem>>, vector<1x16xf32>,
      %swap3A_210 = arith.constant 0 : i32
      %swap3A_211 = arith.constant 0 : i32
      %swap3A_212 = tpu.memref_slice %arg7[%scan3A, %swap3A_210, %swap3A_211] : memref<5x40x128xf32, #tpu.memory_space<vmem>> -> memref<1x40x128xf32, #tpu.memory_space<vmem>>
      %swap3A_213 = tpu.memref_squeeze %swap3A_212 : memref<1x40x128xf32, #tpu.memory_space<vmem>> -> memref<40x128xf32, #tpu.memory_space<vmem>>
      %swap3A_214 = arith.index_cast %scan3A_164 : i32 to index
      %swap3A_215 = arith.constant 80 : index
      %swap3A_216 = tpu.vector_load %swap3A_213[%swap3A_214, %swap3A_215] {strides = array<i32>} : memref<40x128xf32, #tpu.memory_space<vmem>>, vector<1x16xf32>,
      %swap3A_217 = vector.shape_cast %swap3A_216 : vector<1x16xf32> to vector<16xf32>
      %swap3A_218 = vector.shape_cast %broadcast_in_dim3A_6 : vector<16xf32> to vector<1x16xf32>
      tpu.vector_store %swap3A_213[%swap3A_214, %swap3A_215], %swap3A_218 {strides = array<i32>} : memref<40x128xf32, #tpu.memory_space<vmem>>, vector<1x16xf32>,
      %swap3A_219 = arith.constant 0 : i32
      %swap3A_220 = arith.constant 0 : i32
      %swap3A_221 = tpu.memref_slice %arg7[%scan3A, %swap3A_219, %swap3A_220] : memref<5x40x128xf32, #tpu.memory_space<vmem>> -> memref<1x40x128xf32, #tpu.memory_space<vmem>>
      %swap3A_222 = tpu.memref_squeeze %swap3A_221 : memref<1x40x128xf32, #tpu.memory_space<vmem>> -> memref<40x128xf32, #tpu.memory_space<vmem>>
      %swap3A_223 = arith.index_cast %scan3A_164 : i32 to index
      %swap3A_224 = arith.constant 96 : index
      %swap3A_225 = tpu.vector_load %swap3A_222[%swap3A_223, %swap3A_224] {strides = array<i32>} : memref<40x128xf32, #tpu.memory_space<vmem>>, vector<1x16xf32>,
      %swap3A_226 = vector.shape_cast %swap3A_225 : vector<1x16xf32> to vector<16xf32>
      %swap3A_227 = vector.shape_cast %broadcast_in_dim3A_6 : vector<16xf32> to vector<1x16xf32>
      tpu.vector_store %swap3A_222[%swap3A_223, %swap3A_224], %swap3A_227 {strides = array<i32>} : memref<40x128xf32, #tpu.memory_space<vmem>>, vector<1x16xf32>,
      %swap3A_228 = arith.constant 0 : i32
      %swap3A_229 = arith.constant 0 : i32
      %swap3A_230 = tpu.memref_slice %arg7[%scan3A, %swap3A_228, %swap3A_229] : memref<5x40x128xf32, #tpu.memory_space<vmem>> -> memref<1x40x128xf32, #tpu.memory_space<vmem>>
      %swap3A_231 = tpu.memref_squeeze %swap3A_230 : memref<1x40x128xf32, #tpu.memory_space<vmem>> -> memref<40x128xf32, #tpu.memory_space<vmem>>
      %swap3A_232 = arith.index_cast %scan3A_164 : i32 to index
      %swap3A_233 = arith.constant 112 : index
      %swap3A_234 = tpu.vector_load %swap3A_231[%swap3A_232, %swap3A_233] {strides = array<i32>} : memref<40x128xf32, #tpu.memory_space<vmem>>, vector<1x16xf32>,
      %swap3A_235 = vector.shape_cast %swap3A_234 : vector<1x16xf32> to vector<16xf32>
      %swap3A_236 = vector.shape_cast %broadcast_in_dim3A_6 : vector<16xf32> to vector<1x16xf32>
      tpu.vector_store %swap3A_231[%swap3A_232, %swap3A_233], %swap3A_236 {strides = array<i32>} : memref<40x128xf32, #tpu.memory_space<vmem>>, vector<1x16xf32>,
      %scan3A_237 = arith.constant 0 : i32
      scf.yield %scan3A_237 : i32
    }
    %scan3A_13 = arith.constant 40 : i32
    %mul3A_14 = arith.constant 640 : i32
    %mul3A_15 = arith.muli %arg1, %mul3A_14 : i32
    %add3A_16 = arith.constant 0 : i32
    %add3A_17 = arith.addi %mul3A_15, %add3A_16 : i32
    %run_scoped3A_18 = arith.constant 0 : i32
    "tpu.region"() ({
      %run_scoped3A_164 = tpu.sem_alloc : memref<!tpu.dma_semaphore, #tpu.memory_space<semaphore_mem>>
      %dma_start3A_165 = arith.constant 0 : i32
      %dma_start3A_166 = arith.constant 0 : i32
      %dma_start3A_167 = tpu.memref_slice %arg7[%run_scoped3A_18, %dma_start3A_165, %dma_start3A_166] : memref<5x40x128xf32, #tpu.memory_space<vmem>> -> memref<1x40x128xf32, #tpu.memory_space<vmem>>
      %dma_start3A_168 = tpu.memref_squeeze %dma_start3A_167 : memref<1x40x128xf32, #tpu.memory_space<vmem>> -> memref<40x128xf32, #tpu.memory_space<vmem>>
      %dma_start3A_169 = arith.constant 0 : i32
      %dma_start3A_170 = tpu.memref_slice %arg8[%add3A_17, %dma_start3A_169] : memref<10240x128xf32, #tpu.memory_space<vmem_shared>> -> memref<40x128xf32, #tpu.memory_space<vmem_shared>>
      %dma_start3A_171 = arith.constant 0 : i32
      %dma_start3A_172 = tpu.memref_slice %arg8[%add3A_17, %dma_start3A_171] : memref<10240x128xf32, #tpu.memory_space<vmem_shared>> -> memref<40x128xf32, #tpu.memory_space<vmem_shared>>
      %dma_start3A_173 = arith.constant 0 : i32
      %dma_start3A_174 = arith.constant 0 : i32
      %dma_start3A_175 = tpu.memref_slice %arg7[%run_scoped3A_18, %dma_start3A_173, %dma_start3A_174] : memref<5x40x128xf32, #tpu.memory_space<vmem>> -> memref<1x40x128xf32, #tpu.memory_space<vmem>>
      %dma_start3A_176 = tpu.memref_squeeze %dma_start3A_175 : memref<1x40x128xf32, #tpu.memory_space<vmem>> -> memref<40x128xf32, #tpu.memory_space<vmem>>
      tpu.enqueue_dma source(%dma_start3A_176 : memref<40x128xf32, #tpu.memory_space<vmem>>) target(%dma_start3A_172 : memref<40x128xf32, #tpu.memory_space<vmem_shared>>) target_semaphore(%run_scoped3A_164 : memref<!tpu.dma_semaphore, #tpu.memory_space<semaphore_mem>>)
      %dma_wait3A_177 = arith.constant 0 : i32
      %dma_wait3A_178 = arith.constant 0 : i32
      %dma_wait3A_179 = tpu.memref_slice %arg7[%run_scoped3A_18, %dma_wait3A_177, %dma_wait3A_178] : memref<5x40x128xf32, #tpu.memory_space<vmem>> -> memref<1x40x128xf32, #tpu.memory_space<vmem>>
      %dma_wait3A_180 = tpu.memref_squeeze %dma_wait3A_179 : memref<1x40x128xf32, #tpu.memory_space<vmem>> -> memref<40x128xf32, #tpu.memory_space<vmem>>
      %dma_wait3A_181 = arith.constant 0 : i32
      %dma_wait3A_182 = tpu.memref_slice %arg8[%add3A_17, %dma_wait3A_181] : memref<10240x128xf32, #tpu.memory_space<vmem_shared>> -> memref<40x128xf32, #tpu.memory_space<vmem_shared>>
      %dma_wait3A_183 = arith.constant 0 : i32
      %dma_wait3A_184 = tpu.memref_slice %arg8[%add3A_17, %dma_wait3A_183] : memref<10240x128xf32, #tpu.memory_space<vmem_shared>> -> memref<40x128xf32, #tpu.memory_space<vmem_shared>>
      %dma_wait3A_185 = arith.constant 0 : i32
      %dma_wait3A_186 = arith.constant 0 : i32
      %dma_wait3A_187 = tpu.memref_slice %arg7[%run_scoped3A_18, %dma_wait3A_185, %dma_wait3A_186] : memref<5x40x128xf32, #tpu.memory_space<vmem>> -> memref<1x40x128xf32, #tpu.memory_space<vmem>>
      %dma_wait3A_188 = tpu.memref_squeeze %dma_wait3A_187 : memref<1x40x128xf32, #tpu.memory_space<vmem>> -> memref<40x128xf32, #tpu.memory_space<vmem>>
      tpu.wait_dma2 semaphore(%run_scoped3A_164 : memref<!tpu.dma_semaphore, #tpu.memory_space<semaphore_mem>>) src(%dma_wait3A_188 : memref<40x128xf32, #tpu.memory_space<vmem>>) dst(%dma_wait3A_184 : memref<40x128xf32, #tpu.memory_space<vmem_shared>>)
      tpu.yield
    }) : () -> ()
    %mul3A_19 = arith.constant 640 : i32
    %mul3A_20 = arith.muli %arg1, %mul3A_19 : i32
    %add3A_21 = arith.constant 40 : i32
    %add3A_22 = arith.addi %mul3A_20, %add3A_21 : i32
    %run_scoped3A_23 = arith.constant 0 : i32
    "tpu.region"() ({
      %run_scoped3A_164 = tpu.sem_alloc : memref<!tpu.dma_semaphore, #tpu.memory_space<semaphore_mem>>
      %dma_start3A_165 = arith.constant 0 : i32
      %dma_start3A_166 = arith.constant 0 : i32
      %dma_start3A_167 = tpu.memref_slice %arg7[%run_scoped3A_23, %dma_start3A_165, %dma_start3A_166] : memref<5x40x128xf32, #tpu.memory_space<vmem>> -> memref<1x40x128xf32, #tpu.memory_space<vmem>>
      %dma_start3A_168 = tpu.memref_squeeze %dma_start3A_167 : memref<1x40x128xf32, #tpu.memory_space<vmem>> -> memref<40x128xf32, #tpu.memory_space<vmem>>
      %dma_start3A_169 = arith.constant 0 : i32
      %dma_start3A_170 = tpu.memref_slice %arg8[%add3A_22, %dma_start3A_169] : memref<10240x128xf32, #tpu.memory_space<vmem_shared>> -> memref<40x128xf32, #tpu.memory_space<vmem_shared>>
      %dma_start3A_171 = arith.constant 0 : i32
      %dma_start3A_172 = tpu.memref_slice %arg8[%add3A_22, %dma_start3A_171] : memref<10240x128xf32, #tpu.memory_space<vmem_shared>> -> memref<40x128xf32, #tpu.memory_space<vmem_shared>>
      %dma_start3A_173 = arith.constant 0 : i32
      %dma_start3A_174 = arith.constant 0 : i32
      %dma_start3A_175 = tpu.memref_slice %arg7[%run_scoped3A_23, %dma_start3A_173, %dma_start3A_174] : memref<5x40x128xf32, #tpu.memory_space<vmem>> -> memref<1x40x128xf32, #tpu.memory_space<vmem>>
      %dma_start3A_176 = tpu.memref_squeeze %dma_start3A_175 : memref<1x40x128xf32, #tpu.memory_space<vmem>> -> memref<40x128xf32, #tpu.memory_space<vmem>>
      tpu.enqueue_dma source(%dma_start3A_176 : memref<40x128xf32, #tpu.memory_space<vmem>>) target(%dma_start3A_172 : memref<40x128xf32, #tpu.memory_space<vmem_shared>>) target_semaphore(%run_scoped3A_164 : memref<!tpu.dma_semaphore, #tpu.memory_space<semaphore_mem>>)
      %dma_wait3A_177 = arith.constant 0 : i32
      %dma_wait3A_178 = arith.constant 0 : i32
      %dma_wait3A_179 = tpu.memref_slice %arg7[%run_scoped3A_23, %dma_wait3A_177, %dma_wait3A_178] : memref<5x40x128xf32, #tpu.memory_space<vmem>> -> memref<1x40x128xf32, #tpu.memory_space<vmem>>
      %dma_wait3A_180 = tpu.memref_squeeze %dma_wait3A_179 : memref<1x40x128xf32, #tpu.memory_space<vmem>> -> memref<40x128xf32, #tpu.memory_space<vmem>>
      %dma_wait3A_181 = arith.constant 0 : i32
      %dma_wait3A_182 = tpu.memref_slice %arg8[%add3A_22, %dma_wait3A_181] : memref<10240x128xf32, #tpu.memory_space<vmem_shared>> -> memref<40x128xf32, #tpu.memory_space<vmem_shared>>
      %dma_wait3A_183 = arith.constant 0 : i32
      %dma_wait3A_184 = tpu.memref_slice %arg8[%add3A_22, %dma_wait3A_183] : memref<10240x128xf32, #tpu.memory_space<vmem_shared>> -> memref<40x128xf32, #tpu.memory_space<vmem_shared>>
      %dma_wait3A_185 = arith.constant 0 : i32
      %dma_wait3A_186 = arith.constant 0 : i32
      %dma_wait3A_187 = tpu.memref_slice %arg7[%run_scoped3A_23, %dma_wait3A_185, %dma_wait3A_186] : memref<5x40x128xf32, #tpu.memory_space<vmem>> -> memref<1x40x128xf32, #tpu.memory_space<vmem>>
      %dma_wait3A_188 = tpu.memref_squeeze %dma_wait3A_187 : memref<1x40x128xf32, #tpu.memory_space<vmem>> -> memref<40x128xf32, #tpu.memory_space<vmem>>
      tpu.wait_dma2 semaphore(%run_scoped3A_164 : memref<!tpu.dma_semaphore, #tpu.memory_space<semaphore_mem>>) src(%dma_wait3A_188 : memref<40x128xf32, #tpu.memory_space<vmem>>) dst(%dma_wait3A_184 : memref<40x128xf32, #tpu.memory_space<vmem_shared>>)
      tpu.yield
    }) : () -> ()
    %mul3A_24 = arith.constant 640 : i32
    %mul3A_25 = arith.muli %arg1, %mul3A_24 : i32
    %add3A_26 = arith.constant 80 : i32
    %add3A_27 = arith.addi %mul3A_25, %add3A_26 : i32
    %run_scoped3A_28 = arith.constant 0 : i32
    "tpu.region"() ({
      %run_scoped3A_164 = tpu.sem_alloc : memref<!tpu.dma_semaphore, #tpu.memory_space<semaphore_mem>>
      %dma_start3A_165 = arith.constant 0 : i32
      %dma_start3A_166 = arith.constant 0 : i32
      %dma_start3A_167 = tpu.memref_slice %arg7[%run_scoped3A_28, %dma_start3A_165, %dma_start3A_166] : memref<5x40x128xf32, #tpu.memory_space<vmem>> -> memref<1x40x128xf32, #tpu.memory_space<vmem>>
      %dma_start3A_168 = tpu.memref_squeeze %dma_start3A_167 : memref<1x40x128xf32, #tpu.memory_space<vmem>> -> memref<40x128xf32, #tpu.memory_space<vmem>>
      %dma_start3A_169 = arith.constant 0 : i32
      %dma_start3A_170 = tpu.memref_slice %arg8[%add3A_27, %dma_start3A_169] : memref<10240x128xf32, #tpu.memory_space<vmem_shared>> -> memref<40x128xf32, #tpu.memory_space<vmem_shared>>
      %dma_start3A_171 = arith.constant 0 : i32
      %dma_start3A_172 = tpu.memref_slice %arg8[%add3A_27, %dma_start3A_171] : memref<10240x128xf32, #tpu.memory_space<vmem_shared>> -> memref<40x128xf32, #tpu.memory_space<vmem_shared>>
      %dma_start3A_173 = arith.constant 0 : i32
      %dma_start3A_174 = arith.constant 0 : i32
      %dma_start3A_175 = tpu.memref_slice %arg7[%run_scoped3A_28, %dma_start3A_173, %dma_start3A_174] : memref<5x40x128xf32, #tpu.memory_space<vmem>> -> memref<1x40x128xf32, #tpu.memory_space<vmem>>
      %dma_start3A_176 = tpu.memref_squeeze %dma_start3A_175 : memref<1x40x128xf32, #tpu.memory_space<vmem>> -> memref<40x128xf32, #tpu.memory_space<vmem>>
      tpu.enqueue_dma source(%dma_start3A_176 : memref<40x128xf32, #tpu.memory_space<vmem>>) target(%dma_start3A_172 : memref<40x128xf32, #tpu.memory_space<vmem_shared>>) target_semaphore(%run_scoped3A_164 : memref<!tpu.dma_semaphore, #tpu.memory_space<semaphore_mem>>)
      %dma_wait3A_177 = arith.constant 0 : i32
      %dma_wait3A_178 = arith.constant 0 : i32
      %dma_wait3A_179 = tpu.memref_slice %arg7[%run_scoped3A_28, %dma_wait3A_177, %dma_wait3A_178] : memref<5x40x128xf32, #tpu.memory_space<vmem>> -> memref<1x40x128xf32, #tpu.memory_space<vmem>>
      %dma_wait3A_180 = tpu.memref_squeeze %dma_wait3A_179 : memref<1x40x128xf32, #tpu.memory_space<vmem>> -> memref<40x128xf32, #tpu.memory_space<vmem>>
      %dma_wait3A_181 = arith.constant 0 : i32
      %dma_wait3A_182 = tpu.memref_slice %arg8[%add3A_27, %dma_wait3A_181] : memref<10240x128xf32, #tpu.memory_space<vmem_shared>> -> memref<40x128xf32, #tpu.memory_space<vmem_shared>>
      %dma_wait3A_183 = arith.constant 0 : i32
      %dma_wait3A_184 = tpu.memref_slice %arg8[%add3A_27, %dma_wait3A_183] : memref<10240x128xf32, #tpu.memory_space<vmem_shared>> -> memref<40x128xf32, #tpu.memory_space<vmem_shared>>
      %dma_wait3A_185 = arith.constant 0 : i32
      %dma_wait3A_186 = arith.constant 0 : i32
      %dma_wait3A_187 = tpu.memref_slice %arg7[%run_scoped3A_28, %dma_wait3A_185, %dma_wait3A_186] : memref<5x40x128xf32, #tpu.memory_space<vmem>> -> memref<1x40x128xf32, #tpu.memory_space<vmem>>
      %dma_wait3A_188 = tpu.memref_squeeze %dma_wait3A_187 : memref<1x40x128xf32, #tpu.memory_space<vmem>> -> memref<40x128xf32, #tpu.memory_space<vmem>>
      tpu.wait_dma2 semaphore(%run_scoped3A_164 : memref<!tpu.dma_semaphore, #tpu.memory_space<semaphore_mem>>) src(%dma_wait3A_188 : memref<40x128xf32, #tpu.memory_space<vmem>>) dst(%dma_wait3A_184 : memref<40x128xf32, #tpu.memory_space<vmem_shared>>)
      tpu.yield
    }) : () -> ()
    %mul3A_29 = arith.constant 640 : i32
    %mul3A_30 = arith.muli %arg1, %mul3A_29 : i32
    %add3A_31 = arith.constant 120 : i32
    %add3A_32 = arith.addi %mul3A_30, %add3A_31 : i32
    %run_scoped3A_33 = arith.constant 0 : i32
    "tpu.region"() ({
      %run_scoped3A_164 = tpu.sem_alloc : memref<!tpu.dma_semaphore, #tpu.memory_space<semaphore_mem>>
      %dma_start3A_165 = arith.constant 0 : i32
      %dma_start3A_166 = arith.constant 0 : i32
      %dma_start3A_167 = tpu.memref_slice %arg7[%run_scoped3A_33, %dma_start3A_165, %dma_start3A_166] : memref<5x40x128xf32, #tpu.memory_space<vmem>> -> memref<1x40x128xf32, #tpu.memory_space<vmem>>
      %dma_start3A_168 = tpu.memref_squeeze %dma_start3A_167 : memref<1x40x128xf32, #tpu.memory_space<vmem>> -> memref<40x128xf32, #tpu.memory_space<vmem>>
      %dma_start3A_169 = arith.constant 0 : i32
      %dma_start3A_170 = tpu.memref_slice %arg8[%add3A_32, %dma_start3A_169] : memref<10240x128xf32, #tpu.memory_space<vmem_shared>> -> memref<40x128xf32, #tpu.memory_space<vmem_shared>>
      %dma_start3A_171 = arith.constant 0 : i32
      %dma_start3A_172 = tpu.memref_slice %arg8[%add3A_32, %dma_start3A_171] : memref<10240x128xf32, #tpu.memory_space<vmem_shared>> -> memref<40x128xf32, #tpu.memory_space<vmem_shared>>
      %dma_start3A_173 = arith.constant 0 : i32
      %dma_start3A_174 = arith.constant 0 : i32
      %dma_start3A_175 = tpu.memref_slice %arg7[%run_scoped3A_33, %dma_start3A_173, %dma_start3A_174] : memref<5x40x128xf32, #tpu.memory_space<vmem>> -> memref<1x40x128xf32, #tpu.memory_space<vmem>>
      %dma_start3A_176 = tpu.memref_squeeze %dma_start3A_175 : memref<1x40x128xf32, #tpu.memory_space<vmem>> -> memref<40x128xf32, #tpu.memory_space<vmem>>
      tpu.enqueue_dma source(%dma_start3A_176 : memref<40x128xf32, #tpu.memory_space<vmem>>) target(%dma_start3A_172 : memref<40x128xf32, #tpu.memory_space<vmem_shared>>) target_semaphore(%run_scoped3A_164 : memref<!tpu.dma_semaphore, #tpu.memory_space<semaphore_mem>>)
      %dma_wait3A_177 = arith.constant 0 : i32
      %dma_wait3A_178 = arith.constant 0 : i32
      %dma_wait3A_179 = tpu.memref_slice %arg7[%run_scoped3A_33, %dma_wait3A_177, %dma_wait3A_178] : memref<5x40x128xf32, #tpu.memory_space<vmem>> -> memref<1x40x128xf32, #tpu.memory_space<vmem>>
      %dma_wait3A_180 = tpu.memref_squeeze %dma_wait3A_179 : memref<1x40x128xf32, #tpu.memory_space<vmem>> -> memref<40x128xf32, #tpu.memory_space<vmem>>
      %dma_wait3A_181 = arith.constant 0 : i32
      %dma_wait3A_182 = tpu.memref_slice %arg8[%add3A_32, %dma_wait3A_181] : memref<10240x128xf32, #tpu.memory_space<vmem_shared>> -> memref<40x128xf32, #tpu.memory_space<vmem_shared>>
      %dma_wait3A_183 = arith.constant 0 : i32
      %dma_wait3A_184 = tpu.memref_slice %arg8[%add3A_32, %dma_wait3A_183] : memref<10240x128xf32, #tpu.memory_space<vmem_shared>> -> memref<40x128xf32, #tpu.memory_space<vmem_shared>>
      %dma_wait3A_185 = arith.constant 0 : i32
      %dma_wait3A_186 = arith.constant 0 : i32
      %dma_wait3A_187 = tpu.memref_slice %arg7[%run_scoped3A_33, %dma_wait3A_185, %dma_wait3A_186] : memref<5x40x128xf32, #tpu.memory_space<vmem>> -> memref<1x40x128xf32, #tpu.memory_space<vmem>>
      %dma_wait3A_188 = tpu.memref_squeeze %dma_wait3A_187 : memref<1x40x128xf32, #tpu.memory_space<vmem>> -> memref<40x128xf32, #tpu.memory_space<vmem>>
      tpu.wait_dma2 semaphore(%run_scoped3A_164 : memref<!tpu.dma_semaphore, #tpu.memory_space<semaphore_mem>>) src(%dma_wait3A_188 : memref<40x128xf32, #tpu.memory_space<vmem>>) dst(%dma_wait3A_184 : memref<40x128xf32, #tpu.memory_space<vmem_shared>>)
      tpu.yield
    }) : () -> ()
    %mul3A_34 = arith.constant 640 : i32
    %mul3A_35 = arith.muli %arg1, %mul3A_34 : i32
    %add3A_36 = arith.constant 160 : i32
    %add3A_37 = arith.addi %mul3A_35, %add3A_36 : i32
    %run_scoped3A_38 = arith.constant 0 : i32
    "tpu.region"() ({
      %run_scoped3A_164 = tpu.sem_alloc : memref<!tpu.dma_semaphore, #tpu.memory_space<semaphore_mem>>
      %dma_start3A_165 = arith.constant 0 : i32
      %dma_start3A_166 = arith.constant 0 : i32
      %dma_start3A_167 = tpu.memref_slice %arg7[%run_scoped3A_38, %dma_start3A_165, %dma_start3A_166] : memref<5x40x128xf32, #tpu.memory_space<vmem>> -> memref<1x40x128xf32, #tpu.memory_space<vmem>>
      %dma_start3A_168 = tpu.memref_squeeze %dma_start3A_167 : memref<1x40x128xf32, #tpu.memory_space<vmem>> -> memref<40x128xf32, #tpu.memory_space<vmem>>
      %dma_start3A_169 = arith.constant 0 : i32
      %dma_start3A_170 = tpu.memref_slice %arg8[%add3A_37, %dma_start3A_169] : memref<10240x128xf32, #tpu.memory_space<vmem_shared>> -> memref<40x128xf32, #tpu.memory_space<vmem_shared>>
      %dma_start3A_171 = arith.constant 0 : i32
      %dma_start3A_172 = tpu.memref_slice %arg8[%add3A_37, %dma_start3A_171] : memref<10240x128xf32, #tpu.memory_space<vmem_shared>> -> memref<40x128xf32, #tpu.memory_space<vmem_shared>>
      %dma_start3A_173 = arith.constant 0 : i32
      %dma_start3A_174 = arith.constant 0 : i32
      %dma_start3A_175 = tpu.memref_slice %arg7[%run_scoped3A_38, %dma_start3A_173, %dma_start3A_174] : memref<5x40x128xf32, #tpu.memory_space<vmem>> -> memref<1x40x128xf32, #tpu.memory_space<vmem>>
      %dma_start3A_176 = tpu.memref_squeeze %dma_start3A_175 : memref<1x40x128xf32, #tpu.memory_space<vmem>> -> memref<40x128xf32, #tpu.memory_space<vmem>>
      tpu.enqueue_dma source(%dma_start3A_176 : memref<40x128xf32, #tpu.memory_space<vmem>>) target(%dma_start3A_172 : memref<40x128xf32, #tpu.memory_space<vmem_shared>>) target_semaphore(%run_scoped3A_164 : memref<!tpu.dma_semaphore, #tpu.memory_space<semaphore_mem>>)
      %dma_wait3A_177 = arith.constant 0 : i32
      %dma_wait3A_178 = arith.constant 0 : i32
      %dma_wait3A_179 = tpu.memref_slice %arg7[%run_scoped3A_38, %dma_wait3A_177, %dma_wait3A_178] : memref<5x40x128xf32, #tpu.memory_space<vmem>> -> memref<1x40x128xf32, #tpu.memory_space<vmem>>
      %dma_wait3A_180 = tpu.memref_squeeze %dma_wait3A_179 : memref<1x40x128xf32, #tpu.memory_space<vmem>> -> memref<40x128xf32, #tpu.memory_space<vmem>>
      %dma_wait3A_181 = arith.constant 0 : i32
      %dma_wait3A_182 = tpu.memref_slice %arg8[%add3A_37, %dma_wait3A_181] : memref<10240x128xf32, #tpu.memory_space<vmem_shared>> -> memref<40x128xf32, #tpu.memory_space<vmem_shared>>
      %dma_wait3A_183 = arith.constant 0 : i32
      %dma_wait3A_184 = tpu.memref_slice %arg8[%add3A_37, %dma_wait3A_183] : memref<10240x128xf32, #tpu.memory_space<vmem_shared>> -> memref<40x128xf32, #tpu.memory_space<vmem_shared>>
      %dma_wait3A_185 = arith.constant 0 : i32
      %dma_wait3A_186 = arith.constant 0 : i32
      %dma_wait3A_187 = tpu.memref_slice %arg7[%run_scoped3A_38, %dma_wait3A_185, %dma_wait3A_186] : memref<5x40x128xf32, #tpu.memory_space<vmem>> -> memref<1x40x128xf32, #tpu.memory_space<vmem>>
      %dma_wait3A_188 = tpu.memref_squeeze %dma_wait3A_187 : memref<1x40x128xf32, #tpu.memory_space<vmem>> -> memref<40x128xf32, #tpu.memory_space<vmem>>
      tpu.wait_dma2 semaphore(%run_scoped3A_164 : memref<!tpu.dma_semaphore, #tpu.memory_space<semaphore_mem>>) src(%dma_wait3A_188 : memref<40x128xf32, #tpu.memory_space<vmem>>) dst(%dma_wait3A_184 : memref<40x128xf32, #tpu.memory_space<vmem_shared>>)
      tpu.yield
    }) : () -> ()
    %mul3A_39 = arith.constant 640 : i32
    %mul3A_40 = arith.muli %arg1, %mul3A_39 : i32
    %add3A_41 = arith.constant 200 : i32
    %add3A_42 = arith.addi %mul3A_40, %add3A_41 : i32
    %run_scoped3A_43 = arith.constant 0 : i32
    "tpu.region"() ({
      %run_scoped3A_164 = tpu.sem_alloc : memref<!tpu.dma_semaphore, #tpu.memory_space<semaphore_mem>>
      %dma_start3A_165 = arith.constant 0 : i32
      %dma_start3A_166 = arith.constant 0 : i32
      %dma_start3A_167 = tpu.memref_slice %arg7[%run_scoped3A_43, %dma_start3A_165, %dma_start3A_166] : memref<5x40x128xf32, #tpu.memory_space<vmem>> -> memref<1x40x128xf32, #tpu.memory_space<vmem>>
      %dma_start3A_168 = tpu.memref_squeeze %dma_start3A_167 : memref<1x40x128xf32, #tpu.memory_space<vmem>> -> memref<40x128xf32, #tpu.memory_space<vmem>>
      %dma_start3A_169 = arith.constant 0 : i32
      %dma_start3A_170 = tpu.memref_slice %arg8[%add3A_42, %dma_start3A_169] : memref<10240x128xf32, #tpu.memory_space<vmem_shared>> -> memref<40x128xf32, #tpu.memory_space<vmem_shared>>
      %dma_start3A_171 = arith.constant 0 : i32
      %dma_start3A_172 = tpu.memref_slice %arg8[%add3A_42, %dma_start3A_171] : memref<10240x128xf32, #tpu.memory_space<vmem_shared>> -> memref<40x128xf32, #tpu.memory_space<vmem_shared>>
      %dma_start3A_173 = arith.constant 0 : i32
      %dma_start3A_174 = arith.constant 0 : i32
      %dma_start3A_175 = tpu.memref_slice %arg7[%run_scoped3A_43, %dma_start3A_173, %dma_start3A_174] : memref<5x40x128xf32, #tpu.memory_space<vmem>> -> memref<1x40x128xf32, #tpu.memory_space<vmem>>
      %dma_start3A_176 = tpu.memref_squeeze %dma_start3A_175 : memref<1x40x128xf32, #tpu.memory_space<vmem>> -> memref<40x128xf32, #tpu.memory_space<vmem>>
      tpu.enqueue_dma source(%dma_start3A_176 : memref<40x128xf32, #tpu.memory_space<vmem>>) target(%dma_start3A_172 : memref<40x128xf32, #tpu.memory_space<vmem_shared>>) target_semaphore(%run_scoped3A_164 : memref<!tpu.dma_semaphore, #tpu.memory_space<semaphore_mem>>)
      %dma_wait3A_177 = arith.constant 0 : i32
      %dma_wait3A_178 = arith.constant 0 : i32
      %dma_wait3A_179 = tpu.memref_slice %arg7[%run_scoped3A_43, %dma_wait3A_177, %dma_wait3A_178] : memref<5x40x128xf32, #tpu.memory_space<vmem>> -> memref<1x40x128xf32, #tpu.memory_space<vmem>>
      %dma_wait3A_180 = tpu.memref_squeeze %dma_wait3A_179 : memref<1x40x128xf32, #tpu.memory_space<vmem>> -> memref<40x128xf32, #tpu.memory_space<vmem>>
      %dma_wait3A_181 = arith.constant 0 : i32
      %dma_wait3A_182 = tpu.memref_slice %arg8[%add3A_42, %dma_wait3A_181] : memref<10240x128xf32, #tpu.memory_space<vmem_shared>> -> memref<40x128xf32, #tpu.memory_space<vmem_shared>>
      %dma_wait3A_183 = arith.constant 0 : i32
      %dma_wait3A_184 = tpu.memref_slice %arg8[%add3A_42, %dma_wait3A_183] : memref<10240x128xf32, #tpu.memory_space<vmem_shared>> -> memref<40x128xf32, #tpu.memory_space<vmem_shared>>
      %dma_wait3A_185 = arith.constant 0 : i32
      %dma_wait3A_186 = arith.constant 0 : i32
      %dma_wait3A_187 = tpu.memref_slice %arg7[%run_scoped3A_43, %dma_wait3A_185, %dma_wait3A_186] : memref<5x40x128xf32, #tpu.memory_space<vmem>> -> memref<1x40x128xf32, #tpu.memory_space<vmem>>
      %dma_wait3A_188 = tpu.memref_squeeze %dma_wait3A_187 : memref<1x40x128xf32, #tpu.memory_space<vmem>> -> memref<40x128xf32, #tpu.memory_space<vmem>>
      tpu.wait_dma2 semaphore(%run_scoped3A_164 : memref<!tpu.dma_semaphore, #tpu.memory_space<semaphore_mem>>) src(%dma_wait3A_188 : memref<40x128xf32, #tpu.memory_space<vmem>>) dst(%dma_wait3A_184 : memref<40x128xf32, #tpu.memory_space<vmem_shared>>)
      tpu.yield
    }) : () -> ()
    %mul3A_44 = arith.constant 640 : i32
    %mul3A_45 = arith.muli %arg1, %mul3A_44 : i32
    %add3A_46 = arith.constant 240 : i32
    %add3A_47 = arith.addi %mul3A_45, %add3A_46 : i32
    %run_scoped3A_48 = arith.constant 0 : i32
    "tpu.region"() ({
      %run_scoped3A_164 = tpu.sem_alloc : memref<!tpu.dma_semaphore, #tpu.memory_space<semaphore_mem>>
      %dma_start3A_165 = arith.constant 0 : i32
      %dma_start3A_166 = arith.constant 0 : i32
      %dma_start3A_167 = tpu.memref_slice %arg7[%run_scoped3A_48, %dma_start3A_165, %dma_start3A_166] : memref<5x40x128xf32, #tpu.memory_space<vmem>> -> memref<1x40x128xf32, #tpu.memory_space<vmem>>
      %dma_start3A_168 = tpu.memref_squeeze %dma_start3A_167 : memref<1x40x128xf32, #tpu.memory_space<vmem>> -> memref<40x128xf32, #tpu.memory_space<vmem>>
      %dma_start3A_169 = arith.constant 0 : i32
      %dma_start3A_170 = tpu.memref_slice %arg8[%add3A_47, %dma_start3A_169] : memref<10240x128xf32, #tpu.memory_space<vmem_shared>> -> memref<40x128xf32, #tpu.memory_space<vmem_shared>>
      %dma_start3A_171 = arith.constant 0 : i32
      %dma_start3A_172 = tpu.memref_slice %arg8[%add3A_47, %dma_start3A_171] : memref<10240x128xf32, #tpu.memory_space<vmem_shared>> -> memref<40x128xf32, #tpu.memory_space<vmem_shared>>
      %dma_start3A_173 = arith.constant 0 : i32
      %dma_start3A_174 = arith.constant 0 : i32
      %dma_start3A_175 = tpu.memref_slice %arg7[%run_scoped3A_48, %dma_start3A_173, %dma_start3A_174] : memref<5x40x128xf32, #tpu.memory_space<vmem>> -> memref<1x40x128xf32, #tpu.memory_space<vmem>>
      %dma_start3A_176 = tpu.memref_squeeze %dma_start3A_175 : memref<1x40x128xf32, #tpu.memory_space<vmem>> -> memref<40x128xf32, #tpu.memory_space<vmem>>
      tpu.enqueue_dma source(%dma_start3A_176 : memref<40x128xf32, #tpu.memory_space<vmem>>) target(%dma_start3A_172 : memref<40x128xf32, #tpu.memory_space<vmem_shared>>) target_semaphore(%run_scoped3A_164 : memref<!tpu.dma_semaphore, #tpu.memory_space<semaphore_mem>>)
      %dma_wait3A_177 = arith.constant 0 : i32
      %dma_wait3A_178 = arith.constant 0 : i32
      %dma_wait3A_179 = tpu.memref_slice %arg7[%run_scoped3A_48, %dma_wait3A_177, %dma_wait3A_178] : memref<5x40x128xf32, #tpu.memory_space<vmem>> -> memref<1x40x128xf32, #tpu.memory_space<vmem>>
      %dma_wait3A_180 = tpu.memref_squeeze %dma_wait3A_179 : memref<1x40x128xf32, #tpu.memory_space<vmem>> -> memref<40x128xf32, #tpu.memory_space<vmem>>
      %dma_wait3A_181 = arith.constant 0 : i32
      %dma_wait3A_182 = tpu.memref_slice %arg8[%add3A_47, %dma_wait3A_181] : memref<10240x128xf32, #tpu.memory_space<vmem_shared>> -> memref<40x128xf32, #tpu.memory_space<vmem_shared>>
      %dma_wait3A_183 = arith.constant 0 : i32
      %dma_wait3A_184 = tpu.memref_slice %arg8[%add3A_47, %dma_wait3A_183] : memref<10240x128xf32, #tpu.memory_space<vmem_shared>> -> memref<40x128xf32, #tpu.memory_space<vmem_shared>>
      %dma_wait3A_185 = arith.constant 0 : i32
      %dma_wait3A_186 = arith.constant 0 : i32
      %dma_wait3A_187 = tpu.memref_slice %arg7[%run_scoped3A_48, %dma_wait3A_185, %dma_wait3A_186] : memref<5x40x128xf32, #tpu.memory_space<vmem>> -> memref<1x40x128xf32, #tpu.memory_space<vmem>>
      %dma_wait3A_188 = tpu.memref_squeeze %dma_wait3A_187 : memref<1x40x128xf32, #tpu.memory_space<vmem>> -> memref<40x128xf32, #tpu.memory_space<vmem>>
      tpu.wait_dma2 semaphore(%run_scoped3A_164 : memref<!tpu.dma_semaphore, #tpu.memory_space<semaphore_mem>>) src(%dma_wait3A_188 : memref<40x128xf32, #tpu.memory_space<vmem>>) dst(%dma_wait3A_184 : memref<40x128xf32, #tpu.memory_space<vmem_shared>>)
      tpu.yield
    }) : () -> ()
    %mul3A_49 = arith.constant 640 : i32
    %mul3A_50 = arith.muli %arg1, %mul3A_49 : i32
    %add3A_51 = arith.constant 280 : i32
    %add3A_52 = arith.addi %mul3A_50, %add3A_51 : i32
    %run_scoped3A_53 = arith.constant 0 : i32
    "tpu.region"() ({
      %run_scoped3A_164 = tpu.sem_alloc : memref<!tpu.dma_semaphore, #tpu.memory_space<semaphore_mem>>
      %dma_start3A_165 = arith.constant 0 : i32
      %dma_start3A_166 = arith.constant 0 : i32
      %dma_start3A_167 = tpu.memref_slice %arg7[%run_scoped3A_53, %dma_start3A_165, %dma_start3A_166] : memref<5x40x128xf32, #tpu.memory_space<vmem>> -> memref<1x40x128xf32, #tpu.memory_space<vmem>>
      %dma_start3A_168 = tpu.memref_squeeze %dma_start3A_167 : memref<1x40x128xf32, #tpu.memory_space<vmem>> -> memref<40x128xf32, #tpu.memory_space<vmem>>
      %dma_start3A_169 = arith.constant 0 : i32
      %dma_start3A_170 = tpu.memref_slice %arg8[%add3A_52, %dma_start3A_169] : memref<10240x128xf32, #tpu.memory_space<vmem_shared>> -> memref<40x128xf32, #tpu.memory_space<vmem_shared>>
      %dma_start3A_171 = arith.constant 0 : i32
      %dma_start3A_172 = tpu.memref_slice %arg8[%add3A_52, %dma_start3A_171] : memref<10240x128xf32, #tpu.memory_space<vmem_shared>> -> memref<40x128xf32, #tpu.memory_space<vmem_shared>>
      %dma_start3A_173 = arith.constant 0 : i32
      %dma_start3A_174 = arith.constant 0 : i32
      %dma_start3A_175 = tpu.memref_slice %arg7[%run_scoped3A_53, %dma_start3A_173, %dma_start3A_174] : memref<5x40x128xf32, #tpu.memory_space<vmem>> -> memref<1x40x128xf32, #tpu.memory_space<vmem>>
      %dma_start3A_176 = tpu.memref_squeeze %dma_start3A_175 : memref<1x40x128xf32, #tpu.memory_space<vmem>> -> memref<40x128xf32, #tpu.memory_space<vmem>>
      tpu.enqueue_dma source(%dma_start3A_176 : memref<40x128xf32, #tpu.memory_space<vmem>>) target(%dma_start3A_172 : memref<40x128xf32, #tpu.memory_space<vmem_shared>>) target_semaphore(%run_scoped3A_164 : memref<!tpu.dma_semaphore, #tpu.memory_space<semaphore_mem>>)
      %dma_wait3A_177 = arith.constant 0 : i32
      %dma_wait3A_178 = arith.constant 0 : i32
      %dma_wait3A_179 = tpu.memref_slice %arg7[%run_scoped3A_53, %dma_wait3A_177, %dma_wait3A_178] : memref<5x40x128xf32, #tpu.memory_space<vmem>> -> memref<1x40x128xf32, #tpu.memory_space<vmem>>
      %dma_wait3A_180 = tpu.memref_squeeze %dma_wait3A_179 : memref<1x40x128xf32, #tpu.memory_space<vmem>> -> memref<40x128xf32, #tpu.memory_space<vmem>>
      %dma_wait3A_181 = arith.constant 0 : i32
      %dma_wait3A_182 = tpu.memref_slice %arg8[%add3A_52, %dma_wait3A_181] : memref<10240x128xf32, #tpu.memory_space<vmem_shared>> -> memref<40x128xf32, #tpu.memory_space<vmem_shared>>
      %dma_wait3A_183 = arith.constant 0 : i32
      %dma_wait3A_184 = tpu.memref_slice %arg8[%add3A_52, %dma_wait3A_183] : memref<10240x128xf32, #tpu.memory_space<vmem_shared>> -> memref<40x128xf32, #tpu.memory_space<vmem_shared>>
      %dma_wait3A_185 = arith.constant 0 : i32
      %dma_wait3A_186 = arith.constant 0 : i32
      %dma_wait3A_187 = tpu.memref_slice %arg7[%run_scoped3A_53, %dma_wait3A_185, %dma_wait3A_186] : memref<5x40x128xf32, #tpu.memory_space<vmem>> -> memref<1x40x128xf32, #tpu.memory_space<vmem>>
      %dma_wait3A_188 = tpu.memref_squeeze %dma_wait3A_187 : memref<1x40x128xf32, #tpu.memory_space<vmem>> -> memref<40x128xf32, #tpu.memory_space<vmem>>
      tpu.wait_dma2 semaphore(%run_scoped3A_164 : memref<!tpu.dma_semaphore, #tpu.memory_space<semaphore_mem>>) src(%dma_wait3A_188 : memref<40x128xf32, #tpu.memory_space<vmem>>) dst(%dma_wait3A_184 : memref<40x128xf32, #tpu.memory_space<vmem_shared>>)
      tpu.yield
    }) : () -> ()
    %mul3A_54 = arith.constant 640 : i32
    %mul3A_55 = arith.muli %arg1, %mul3A_54 : i32
    %add3A_56 = arith.constant 320 : i32
    %add3A_57 = arith.addi %mul3A_55, %add3A_56 : i32
    %run_scoped3A_58 = arith.constant 0 : i32
    "tpu.region"() ({
      %run_scoped3A_164 = tpu.sem_alloc : memref<!tpu.dma_semaphore, #tpu.memory_space<semaphore_mem>>
      %dma_start3A_165 = arith.constant 0 : i32
      %dma_start3A_166 = arith.constant 0 : i32
      %dma_start3A_167 = tpu.memref_slice %arg7[%run_scoped3A_58, %dma_start3A_165, %dma_start3A_166] : memref<5x40x128xf32, #tpu.memory_space<vmem>> -> memref<1x40x128xf32, #tpu.memory_space<vmem>>
      %dma_start3A_168 = tpu.memref_squeeze %dma_start3A_167 : memref<1x40x128xf32, #tpu.memory_space<vmem>> -> memref<40x128xf32, #tpu.memory_space<vmem>>
      %dma_start3A_169 = arith.constant 0 : i32
      %dma_start3A_170 = tpu.memref_slice %arg8[%add3A_57, %dma_start3A_169] : memref<10240x128xf32, #tpu.memory_space<vmem_shared>> -> memref<40x128xf32, #tpu.memory_space<vmem_shared>>
      %dma_start3A_171 = arith.constant 0 : i32
      %dma_start3A_172 = tpu.memref_slice %arg8[%add3A_57, %dma_start3A_171] : memref<10240x128xf32, #tpu.memory_space<vmem_shared>> -> memref<40x128xf32, #tpu.memory_space<vmem_shared>>
      %dma_start3A_173 = arith.constant 0 : i32
      %dma_start3A_174 = arith.constant 0 : i32
      %dma_start3A_175 = tpu.memref_slice %arg7[%run_scoped3A_58, %dma_start3A_173, %dma_start3A_174] : memref<5x40x128xf32, #tpu.memory_space<vmem>> -> memref<1x40x128xf32, #tpu.memory_space<vmem>>
      %dma_start3A_176 = tpu.memref_squeeze %dma_start3A_175 : memref<1x40x128xf32, #tpu.memory_space<vmem>> -> memref<40x128xf32, #tpu.memory_space<vmem>>
      tpu.enqueue_dma source(%dma_start3A_176 : memref<40x128xf32, #tpu.memory_space<vmem>>) target(%dma_start3A_172 : memref<40x128xf32, #tpu.memory_space<vmem_shared>>) target_semaphore(%run_scoped3A_164 : memref<!tpu.dma_semaphore, #tpu.memory_space<semaphore_mem>>)
      %dma_wait3A_177 = arith.constant 0 : i32
      %dma_wait3A_178 = arith.constant 0 : i32
      %dma_wait3A_179 = tpu.memref_slice %arg7[%run_scoped3A_58, %dma_wait3A_177, %dma_wait3A_178] : memref<5x40x128xf32, #tpu.memory_space<vmem>> -> memref<1x40x128xf32, #tpu.memory_space<vmem>>
      %dma_wait3A_180 = tpu.memref_squeeze %dma_wait3A_179 : memref<1x40x128xf32, #tpu.memory_space<vmem>> -> memref<40x128xf32, #tpu.memory_space<vmem>>
      %dma_wait3A_181 = arith.constant 0 : i32
      %dma_wait3A_182 = tpu.memref_slice %arg8[%add3A_57, %dma_wait3A_181] : memref<10240x128xf32, #tpu.memory_space<vmem_shared>> -> memref<40x128xf32, #tpu.memory_space<vmem_shared>>
      %dma_wait3A_183 = arith.constant 0 : i32
      %dma_wait3A_184 = tpu.memref_slice %arg8[%add3A_57, %dma_wait3A_183] : memref<10240x128xf32, #tpu.memory_space<vmem_shared>> -> memref<40x128xf32, #tpu.memory_space<vmem_shared>>
      %dma_wait3A_185 = arith.constant 0 : i32
      %dma_wait3A_186 = arith.constant 0 : i32
      %dma_wait3A_187 = tpu.memref_slice %arg7[%run_scoped3A_58, %dma_wait3A_185, %dma_wait3A_186] : memref<5x40x128xf32, #tpu.memory_space<vmem>> -> memref<1x40x128xf32, #tpu.memory_space<vmem>>
      %dma_wait3A_188 = tpu.memref_squeeze %dma_wait3A_187 : memref<1x40x128xf32, #tpu.memory_space<vmem>> -> memref<40x128xf32, #tpu.memory_space<vmem>>
      tpu.wait_dma2 semaphore(%run_scoped3A_164 : memref<!tpu.dma_semaphore, #tpu.memory_space<semaphore_mem>>) src(%dma_wait3A_188 : memref<40x128xf32, #tpu.memory_space<vmem>>) dst(%dma_wait3A_184 : memref<40x128xf32, #tpu.memory_space<vmem_shared>>)
      tpu.yield
    }) : () -> ()
    %mul3A_59 = arith.constant 640 : i32
    %mul3A_60 = arith.muli %arg1, %mul3A_59 : i32
    %add3A_61 = arith.constant 360 : i32
    %add3A_62 = arith.addi %mul3A_60, %add3A_61 : i32
    %run_scoped3A_63 = arith.constant 0 : i32
    "tpu.region"() ({
      %run_scoped3A_164 = tpu.sem_alloc : memref<!tpu.dma_semaphore, #tpu.memory_space<semaphore_mem>>
      %dma_start3A_165 = arith.constant 0 : i32
      %dma_start3A_166 = arith.constant 0 : i32
      %dma_start3A_167 = tpu.memref_slice %arg7[%run_scoped3A_63, %dma_start3A_165, %dma_start3A_166] : memref<5x40x128xf32, #tpu.memory_space<vmem>> -> memref<1x40x128xf32, #tpu.memory_space<vmem>>
      %dma_start3A_168 = tpu.memref_squeeze %dma_start3A_167 : memref<1x40x128xf32, #tpu.memory_space<vmem>> -> memref<40x128xf32, #tpu.memory_space<vmem>>
      %dma_start3A_169 = arith.constant 0 : i32
      %dma_start3A_170 = tpu.memref_slice %arg8[%add3A_62, %dma_start3A_169] : memref<10240x128xf32, #tpu.memory_space<vmem_shared>> -> memref<40x128xf32, #tpu.memory_space<vmem_shared>>
      %dma_start3A_171 = arith.constant 0 : i32
      %dma_start3A_172 = tpu.memref_slice %arg8[%add3A_62, %dma_start3A_171] : memref<10240x128xf32, #tpu.memory_space<vmem_shared>> -> memref<40x128xf32, #tpu.memory_space<vmem_shared>>
      %dma_start3A_173 = arith.constant 0 : i32
      %dma_start3A_174 = arith.constant 0 : i32
      %dma_start3A_175 = tpu.memref_slice %arg7[%run_scoped3A_63, %dma_start3A_173, %dma_start3A_174] : memref<5x40x128xf32, #tpu.memory_space<vmem>> -> memref<1x40x128xf32, #tpu.memory_space<vmem>>
      %dma_start3A_176 = tpu.memref_squeeze %dma_start3A_175 : memref<1x40x128xf32, #tpu.memory_space<vmem>> -> memref<40x128xf32, #tpu.memory_space<vmem>>
      tpu.enqueue_dma source(%dma_start3A_176 : memref<40x128xf32, #tpu.memory_space<vmem>>) target(%dma_start3A_172 : memref<40x128xf32, #tpu.memory_space<vmem_shared>>) target_semaphore(%run_scoped3A_164 : memref<!tpu.dma_semaphore, #tpu.memory_space<semaphore_mem>>)
      %dma_wait3A_177 = arith.constant 0 : i32
      %dma_wait3A_178 = arith.constant 0 : i32
      %dma_wait3A_179 = tpu.memref_slice %arg7[%run_scoped3A_63, %dma_wait3A_177, %dma_wait3A_178] : memref<5x40x128xf32, #tpu.memory_space<vmem>> -> memref<1x40x128xf32, #tpu.memory_space<vmem>>
      %dma_wait3A_180 = tpu.memref_squeeze %dma_wait3A_179 : memref<1x40x128xf32, #tpu.memory_space<vmem>> -> memref<40x128xf32, #tpu.memory_space<vmem>>
      %dma_wait3A_181 = arith.constant 0 : i32
      %dma_wait3A_182 = tpu.memref_slice %arg8[%add3A_62, %dma_wait3A_181] : memref<10240x128xf32, #tpu.memory_space<vmem_shared>> -> memref<40x128xf32, #tpu.memory_space<vmem_shared>>
      %dma_wait3A_183 = arith.constant 0 : i32
      %dma_wait3A_184 = tpu.memref_slice %arg8[%add3A_62, %dma_wait3A_183] : memref<10240x128xf32, #tpu.memory_space<vmem_shared>> -> memref<40x128xf32, #tpu.memory_space<vmem_shared>>
      %dma_wait3A_185 = arith.constant 0 : i32
      %dma_wait3A_186 = arith.constant 0 : i32
      %dma_wait3A_187 = tpu.memref_slice %arg7[%run_scoped3A_63, %dma_wait3A_185, %dma_wait3A_186] : memref<5x40x128xf32, #tpu.memory_space<vmem>> -> memref<1x40x128xf32, #tpu.memory_space<vmem>>
      %dma_wait3A_188 = tpu.memref_squeeze %dma_wait3A_187 : memref<1x40x128xf32, #tpu.memory_space<vmem>> -> memref<40x128xf32, #tpu.memory_space<vmem>>
      tpu.wait_dma2 semaphore(%run_scoped3A_164 : memref<!tpu.dma_semaphore, #tpu.memory_space<semaphore_mem>>) src(%dma_wait3A_188 : memref<40x128xf32, #tpu.memory_space<vmem>>) dst(%dma_wait3A_184 : memref<40x128xf32, #tpu.memory_space<vmem_shared>>)
      tpu.yield
    }) : () -> ()
    %mul3A_64 = arith.constant 640 : i32
    %mul3A_65 = arith.muli %arg1, %mul3A_64 : i32
    %add3A_66 = arith.constant 400 : i32
    %add3A_67 = arith.addi %mul3A_65, %add3A_66 : i32
    %run_scoped3A_68 = arith.constant 0 : i32
    "tpu.region"() ({
      %run_scoped3A_164 = tpu.sem_alloc : memref<!tpu.dma_semaphore, #tpu.memory_space<semaphore_mem>>
      %dma_start3A_165 = arith.constant 0 : i32
      %dma_start3A_166 = arith.constant 0 : i32
      %dma_start3A_167 = tpu.memref_slice %arg7[%run_scoped3A_68, %dma_start3A_165, %dma_start3A_166] : memref<5x40x128xf32, #tpu.memory_space<vmem>> -> memref<1x40x128xf32, #tpu.memory_space<vmem>>
      %dma_start3A_168 = tpu.memref_squeeze %dma_start3A_167 : memref<1x40x128xf32, #tpu.memory_space<vmem>> -> memref<40x128xf32, #tpu.memory_space<vmem>>
      %dma_start3A_169 = arith.constant 0 : i32
      %dma_start3A_170 = tpu.memref_slice %arg8[%add3A_67, %dma_start3A_169] : memref<10240x128xf32, #tpu.memory_space<vmem_shared>> -> memref<40x128xf32, #tpu.memory_space<vmem_shared>>
      %dma_start3A_171 = arith.constant 0 : i32
      %dma_start3A_172 = tpu.memref_slice %arg8[%add3A_67, %dma_start3A_171] : memref<10240x128xf32, #tpu.memory_space<vmem_shared>> -> memref<40x128xf32, #tpu.memory_space<vmem_shared>>
      %dma_start3A_173 = arith.constant 0 : i32
      %dma_start3A_174 = arith.constant 0 : i32
      %dma_start3A_175 = tpu.memref_slice %arg7[%run_scoped3A_68, %dma_start3A_173, %dma_start3A_174] : memref<5x40x128xf32, #tpu.memory_space<vmem>> -> memref<1x40x128xf32, #tpu.memory_space<vmem>>
      %dma_start3A_176 = tpu.memref_squeeze %dma_start3A_175 : memref<1x40x128xf32, #tpu.memory_space<vmem>> -> memref<40x128xf32, #tpu.memory_space<vmem>>
      tpu.enqueue_dma source(%dma_start3A_176 : memref<40x128xf32, #tpu.memory_space<vmem>>) target(%dma_start3A_172 : memref<40x128xf32, #tpu.memory_space<vmem_shared>>) target_semaphore(%run_scoped3A_164 : memref<!tpu.dma_semaphore, #tpu.memory_space<semaphore_mem>>)
      %dma_wait3A_177 = arith.constant 0 : i32
      %dma_wait3A_178 = arith.constant 0 : i32
      %dma_wait3A_179 = tpu.memref_slice %arg7[%run_scoped3A_68, %dma_wait3A_177, %dma_wait3A_178] : memref<5x40x128xf32, #tpu.memory_space<vmem>> -> memref<1x40x128xf32, #tpu.memory_space<vmem>>
      %dma_wait3A_180 = tpu.memref_squeeze %dma_wait3A_179 : memref<1x40x128xf32, #tpu.memory_space<vmem>> -> memref<40x128xf32, #tpu.memory_space<vmem>>
      %dma_wait3A_181 = arith.constant 0 : i32
      %dma_wait3A_182 = tpu.memref_slice %arg8[%add3A_67, %dma_wait3A_181] : memref<10240x128xf32, #tpu.memory_space<vmem_shared>> -> memref<40x128xf32, #tpu.memory_space<vmem_shared>>
      %dma_wait3A_183 = arith.constant 0 : i32
      %dma_wait3A_184 = tpu.memref_slice %arg8[%add3A_67, %dma_wait3A_183] : memref<10240x128xf32, #tpu.memory_space<vmem_shared>> -> memref<40x128xf32, #tpu.memory_space<vmem_shared>>
      %dma_wait3A_185 = arith.constant 0 : i32
      %dma_wait3A_186 = arith.constant 0 : i32
      %dma_wait3A_187 = tpu.memref_slice %arg7[%run_scoped3A_68, %dma_wait3A_185, %dma_wait3A_186] : memref<5x40x128xf32, #tpu.memory_space<vmem>> -> memref<1x40x128xf32, #tpu.memory_space<vmem>>
      %dma_wait3A_188 = tpu.memref_squeeze %dma_wait3A_187 : memref<1x40x128xf32, #tpu.memory_space<vmem>> -> memref<40x128xf32, #tpu.memory_space<vmem>>
      tpu.wait_dma2 semaphore(%run_scoped3A_164 : memref<!tpu.dma_semaphore, #tpu.memory_space<semaphore_mem>>) src(%dma_wait3A_188 : memref<40x128xf32, #tpu.memory_space<vmem>>) dst(%dma_wait3A_184 : memref<40x128xf32, #tpu.memory_space<vmem_shared>>)
      tpu.yield
    }) : () -> ()
    %mul3A_69 = arith.constant 640 : i32
    %mul3A_70 = arith.muli %arg1, %mul3A_69 : i32
    %add3A_71 = arith.constant 440 : i32
    %add3A_72 = arith.addi %mul3A_70, %add3A_71 : i32
    %run_scoped3A_73 = arith.constant 0 : i32
    "tpu.region"() ({
      %run_scoped3A_164 = tpu.sem_alloc : memref<!tpu.dma_semaphore, #tpu.memory_space<semaphore_mem>>
      %dma_start3A_165 = arith.constant 0 : i32
      %dma_start3A_166 = arith.constant 0 : i32
      %dma_start3A_167 = tpu.memref_slice %arg7[%run_scoped3A_73, %dma_start3A_165, %dma_start3A_166] : memref<5x40x128xf32, #tpu.memory_space<vmem>> -> memref<1x40x128xf32, #tpu.memory_space<vmem>>
      %dma_start3A_168 = tpu.memref_squeeze %dma_start3A_167 : memref<1x40x128xf32, #tpu.memory_space<vmem>> -> memref<40x128xf32, #tpu.memory_space<vmem>>
      %dma_start3A_169 = arith.constant 0 : i32
      %dma_start3A_170 = tpu.memref_slice %arg8[%add3A_72, %dma_start3A_169] : memref<10240x128xf32, #tpu.memory_space<vmem_shared>> -> memref<40x128xf32, #tpu.memory_space<vmem_shared>>
      %dma_start3A_171 = arith.constant 0 : i32
      %dma_start3A_172 = tpu.memref_slice %arg8[%add3A_72, %dma_start3A_171] : memref<10240x128xf32, #tpu.memory_space<vmem_shared>> -> memref<40x128xf32, #tpu.memory_space<vmem_shared>>
      %dma_start3A_173 = arith.constant 0 : i32
      %dma_start3A_174 = arith.constant 0 : i32
      %dma_start3A_175 = tpu.memref_slice %arg7[%run_scoped3A_73, %dma_start3A_173, %dma_start3A_174] : memref<5x40x128xf32, #tpu.memory_space<vmem>> -> memref<1x40x128xf32, #tpu.memory_space<vmem>>
      %dma_start3A_176 = tpu.memref_squeeze %dma_start3A_175 : memref<1x40x128xf32, #tpu.memory_space<vmem>> -> memref<40x128xf32, #tpu.memory_space<vmem>>
      tpu.enqueue_dma source(%dma_start3A_176 : memref<40x128xf32, #tpu.memory_space<vmem>>) target(%dma_start3A_172 : memref<40x128xf32, #tpu.memory_space<vmem_shared>>) target_semaphore(%run_scoped3A_164 : memref<!tpu.dma_semaphore, #tpu.memory_space<semaphore_mem>>)
      %dma_wait3A_177 = arith.constant 0 : i32
      %dma_wait3A_178 = arith.constant 0 : i32
      %dma_wait3A_179 = tpu.memref_slice %arg7[%run_scoped3A_73, %dma_wait3A_177, %dma_wait3A_178] : memref<5x40x128xf32, #tpu.memory_space<vmem>> -> memref<1x40x128xf32, #tpu.memory_space<vmem>>
      %dma_wait3A_180 = tpu.memref_squeeze %dma_wait3A_179 : memref<1x40x128xf32, #tpu.memory_space<vmem>> -> memref<40x128xf32, #tpu.memory_space<vmem>>
      %dma_wait3A_181 = arith.constant 0 : i32
      %dma_wait3A_182 = tpu.memref_slice %arg8[%add3A_72, %dma_wait3A_181] : memref<10240x128xf32, #tpu.memory_space<vmem_shared>> -> memref<40x128xf32, #tpu.memory_space<vmem_shared>>
      %dma_wait3A_183 = arith.constant 0 : i32
      %dma_wait3A_184 = tpu.memref_slice %arg8[%add3A_72, %dma_wait3A_183] : memref<10240x128xf32, #tpu.memory_space<vmem_shared>> -> memref<40x128xf32, #tpu.memory_space<vmem_shared>>
      %dma_wait3A_185 = arith.constant 0 : i32
      %dma_wait3A_186 = arith.constant 0 : i32
      %dma_wait3A_187 = tpu.memref_slice %arg7[%run_scoped3A_73, %dma_wait3A_185, %dma_wait3A_186] : memref<5x40x128xf32, #tpu.memory_space<vmem>> -> memref<1x40x128xf32, #tpu.memory_space<vmem>>
      %dma_wait3A_188 = tpu.memref_squeeze %dma_wait3A_187 : memref<1x40x128xf32, #tpu.memory_space<vmem>> -> memref<40x128xf32, #tpu.memory_space<vmem>>
      tpu.wait_dma2 semaphore(%run_scoped3A_164 : memref<!tpu.dma_semaphore, #tpu.memory_space<semaphore_mem>>) src(%dma_wait3A_188 : memref<40x128xf32, #tpu.memory_space<vmem>>) dst(%dma_wait3A_184 : memref<40x128xf32, #tpu.memory_space<vmem_shared>>)
      tpu.yield
    }) : () -> ()
    %mul3A_74 = arith.constant 640 : i32
    %mul3A_75 = arith.muli %arg1, %mul3A_74 : i32
    %add3A_76 = arith.constant 480 : i32
    %add3A_77 = arith.addi %mul3A_75, %add3A_76 : i32
    %run_scoped3A_78 = arith.constant 0 : i32
    "tpu.region"() ({
      %run_scoped3A_164 = tpu.sem_alloc : memref<!tpu.dma_semaphore, #tpu.memory_space<semaphore_mem>>
      %dma_start3A_165 = arith.constant 0 : i32
      %dma_start3A_166 = arith.constant 0 : i32
      %dma_start3A_167 = tpu.memref_slice %arg7[%run_scoped3A_78, %dma_start3A_165, %dma_start3A_166] : memref<5x40x128xf32, #tpu.memory_space<vmem>> -> memref<1x40x128xf32, #tpu.memory_space<vmem>>
      %dma_start3A_168 = tpu.memref_squeeze %dma_start3A_167 : memref<1x40x128xf32, #tpu.memory_space<vmem>> -> memref<40x128xf32, #tpu.memory_space<vmem>>
      %dma_start3A_169 = arith.constant 0 : i32
      %dma_start3A_170 = tpu.memref_slice %arg8[%add3A_77, %dma_start3A_169] : memref<10240x128xf32, #tpu.memory_space<vmem_shared>> -> memref<40x128xf32, #tpu.memory_space<vmem_shared>>
      %dma_start3A_171 = arith.constant 0 : i32
      %dma_start3A_172 = tpu.memref_slice %arg8[%add3A_77, %dma_start3A_171] : memref<10240x128xf32, #tpu.memory_space<vmem_shared>> -> memref<40x128xf32, #tpu.memory_space<vmem_shared>>
      %dma_start3A_173 = arith.constant 0 : i32
      %dma_start3A_174 = arith.constant 0 : i32
      %dma_start3A_175 = tpu.memref_slice %arg7[%run_scoped3A_78, %dma_start3A_173, %dma_start3A_174] : memref<5x40x128xf32, #tpu.memory_space<vmem>> -> memref<1x40x128xf32, #tpu.memory_space<vmem>>
      %dma_start3A_176 = tpu.memref_squeeze %dma_start3A_175 : memref<1x40x128xf32, #tpu.memory_space<vmem>> -> memref<40x128xf32, #tpu.memory_space<vmem>>
      tpu.enqueue_dma source(%dma_start3A_176 : memref<40x128xf32, #tpu.memory_space<vmem>>) target(%dma_start3A_172 : memref<40x128xf32, #tpu.memory_space<vmem_shared>>) target_semaphore(%run_scoped3A_164 : memref<!tpu.dma_semaphore, #tpu.memory_space<semaphore_mem>>)
      %dma_wait3A_177 = arith.constant 0 : i32
      %dma_wait3A_178 = arith.constant 0 : i32
      %dma_wait3A_179 = tpu.memref_slice %arg7[%run_scoped3A_78, %dma_wait3A_177, %dma_wait3A_178] : memref<5x40x128xf32, #tpu.memory_space<vmem>> -> memref<1x40x128xf32, #tpu.memory_space<vmem>>
      %dma_wait3A_180 = tpu.memref_squeeze %dma_wait3A_179 : memref<1x40x128xf32, #tpu.memory_space<vmem>> -> memref<40x128xf32, #tpu.memory_space<vmem>>
      %dma_wait3A_181 = arith.constant 0 : i32
      %dma_wait3A_182 = tpu.memref_slice %arg8[%add3A_77, %dma_wait3A_181] : memref<10240x128xf32, #tpu.memory_space<vmem_shared>> -> memref<40x128xf32, #tpu.memory_space<vmem_shared>>
      %dma_wait3A_183 = arith.constant 0 : i32
      %dma_wait3A_184 = tpu.memref_slice %arg8[%add3A_77, %dma_wait3A_183] : memref<10240x128xf32, #tpu.memory_space<vmem_shared>> -> memref<40x128xf32, #tpu.memory_space<vmem_shared>>
      %dma_wait3A_185 = arith.constant 0 : i32
      %dma_wait3A_186 = arith.constant 0 : i32
      %dma_wait3A_187 = tpu.memref_slice %arg7[%run_scoped3A_78, %dma_wait3A_185, %dma_wait3A_186] : memref<5x40x128xf32, #tpu.memory_space<vmem>> -> memref<1x40x128xf32, #tpu.memory_space<vmem>>
      %dma_wait3A_188 = tpu.memref_squeeze %dma_wait3A_187 : memref<1x40x128xf32, #tpu.memory_space<vmem>> -> memref<40x128xf32, #tpu.memory_space<vmem>>
      tpu.wait_dma2 semaphore(%run_scoped3A_164 : memref<!tpu.dma_semaphore, #tpu.memory_space<semaphore_mem>>) src(%dma_wait3A_188 : memref<40x128xf32, #tpu.memory_space<vmem>>) dst(%dma_wait3A_184 : memref<40x128xf32, #tpu.memory_space<vmem_shared>>)
      tpu.yield
    }) : () -> ()
    %mul3A_79 = arith.constant 640 : i32
    %mul3A_80 = arith.muli %arg1, %mul3A_79 : i32
    %add3A_81 = arith.constant 520 : i32
    %add3A_82 = arith.addi %mul3A_80, %add3A_81 : i32
    %run_scoped3A_83 = arith.constant 0 : i32
    "tpu.region"() ({
      %run_scoped3A_164 = tpu.sem_alloc : memref<!tpu.dma_semaphore, #tpu.memory_space<semaphore_mem>>
      %dma_start3A_165 = arith.constant 0 : i32
      %dma_start3A_166 = arith.constant 0 : i32
      %dma_start3A_167 = tpu.memref_slice %arg7[%run_scoped3A_83, %dma_start3A_165, %dma_start3A_166] : memref<5x40x128xf32, #tpu.memory_space<vmem>> -> memref<1x40x128xf32, #tpu.memory_space<vmem>>
      %dma_start3A_168 = tpu.memref_squeeze %dma_start3A_167 : memref<1x40x128xf32, #tpu.memory_space<vmem>> -> memref<40x128xf32, #tpu.memory_space<vmem>>
      %dma_start3A_169 = arith.constant 0 : i32
      %dma_start3A_170 = tpu.memref_slice %arg8[%add3A_82, %dma_start3A_169] : memref<10240x128xf32, #tpu.memory_space<vmem_shared>> -> memref<40x128xf32, #tpu.memory_space<vmem_shared>>
      %dma_start3A_171 = arith.constant 0 : i32
      %dma_start3A_172 = tpu.memref_slice %arg8[%add3A_82, %dma_start3A_171] : memref<10240x128xf32, #tpu.memory_space<vmem_shared>> -> memref<40x128xf32, #tpu.memory_space<vmem_shared>>
      %dma_start3A_173 = arith.constant 0 : i32
      %dma_start3A_174 = arith.constant 0 : i32
      %dma_start3A_175 = tpu.memref_slice %arg7[%run_scoped3A_83, %dma_start3A_173, %dma_start3A_174] : memref<5x40x128xf32, #tpu.memory_space<vmem>> -> memref<1x40x128xf32, #tpu.memory_space<vmem>>
      %dma_start3A_176 = tpu.memref_squeeze %dma_start3A_175 : memref<1x40x128xf32, #tpu.memory_space<vmem>> -> memref<40x128xf32, #tpu.memory_space<vmem>>
      tpu.enqueue_dma source(%dma_start3A_176 : memref<40x128xf32, #tpu.memory_space<vmem>>) target(%dma_start3A_172 : memref<40x128xf32, #tpu.memory_space<vmem_shared>>) target_semaphore(%run_scoped3A_164 : memref<!tpu.dma_semaphore, #tpu.memory_space<semaphore_mem>>)
      %dma_wait3A_177 = arith.constant 0 : i32
      %dma_wait3A_178 = arith.constant 0 : i32
      %dma_wait3A_179 = tpu.memref_slice %arg7[%run_scoped3A_83, %dma_wait3A_177, %dma_wait3A_178] : memref<5x40x128xf32, #tpu.memory_space<vmem>> -> memref<1x40x128xf32, #tpu.memory_space<vmem>>
      %dma_wait3A_180 = tpu.memref_squeeze %dma_wait3A_179 : memref<1x40x128xf32, #tpu.memory_space<vmem>> -> memref<40x128xf32, #tpu.memory_space<vmem>>
      %dma_wait3A_181 = arith.constant 0 : i32
      %dma_wait3A_182 = tpu.memref_slice %arg8[%add3A_82, %dma_wait3A_181] : memref<10240x128xf32, #tpu.memory_space<vmem_shared>> -> memref<40x128xf32, #tpu.memory_space<vmem_shared>>
      %dma_wait3A_183 = arith.constant 0 : i32
      %dma_wait3A_184 = tpu.memref_slice %arg8[%add3A_82, %dma_wait3A_183] : memref<10240x128xf32, #tpu.memory_space<vmem_shared>> -> memref<40x128xf32, #tpu.memory_space<vmem_shared>>
      %dma_wait3A_185 = arith.constant 0 : i32
      %dma_wait3A_186 = arith.constant 0 : i32
      %dma_wait3A_187 = tpu.memref_slice %arg7[%run_scoped3A_83, %dma_wait3A_185, %dma_wait3A_186] : memref<5x40x128xf32, #tpu.memory_space<vmem>> -> memref<1x40x128xf32, #tpu.memory_space<vmem>>
      %dma_wait3A_188 = tpu.memref_squeeze %dma_wait3A_187 : memref<1x40x128xf32, #tpu.memory_space<vmem>> -> memref<40x128xf32, #tpu.memory_space<vmem>>
      tpu.wait_dma2 semaphore(%run_scoped3A_164 : memref<!tpu.dma_semaphore, #tpu.memory_space<semaphore_mem>>) src(%dma_wait3A_188 : memref<40x128xf32, #tpu.memory_space<vmem>>) dst(%dma_wait3A_184 : memref<40x128xf32, #tpu.memory_space<vmem_shared>>)
      tpu.yield
    }) : () -> ()
    %mul3A_84 = arith.constant 640 : i32
    %mul3A_85 = arith.muli %arg1, %mul3A_84 : i32
    %add3A_86 = arith.constant 560 : i32
    %add3A_87 = arith.addi %mul3A_85, %add3A_86 : i32
    %run_scoped3A_88 = arith.constant 0 : i32
    "tpu.region"() ({
      %run_scoped3A_164 = tpu.sem_alloc : memref<!tpu.dma_semaphore, #tpu.memory_space<semaphore_mem>>
      %dma_start3A_165 = arith.constant 0 : i32
      %dma_start3A_166 = arith.constant 0 : i32
      %dma_start3A_167 = tpu.memref_slice %arg7[%run_scoped3A_88, %dma_start3A_165, %dma_start3A_166] : memref<5x40x128xf32, #tpu.memory_space<vmem>> -> memref<1x40x128xf32, #tpu.memory_space<vmem>>
      %dma_start3A_168 = tpu.memref_squeeze %dma_start3A_167 : memref<1x40x128xf32, #tpu.memory_space<vmem>> -> memref<40x128xf32, #tpu.memory_space<vmem>>
      %dma_start3A_169 = arith.constant 0 : i32
      %dma_start3A_170 = tpu.memref_slice %arg8[%add3A_87, %dma_start3A_169] : memref<10240x128xf32, #tpu.memory_space<vmem_shared>> -> memref<40x128xf32, #tpu.memory_space<vmem_shared>>
      %dma_start3A_171 = arith.constant 0 : i32
      %dma_start3A_172 = tpu.memref_slice %arg8[%add3A_87, %dma_start3A_171] : memref<10240x128xf32, #tpu.memory_space<vmem_shared>> -> memref<40x128xf32, #tpu.memory_space<vmem_shared>>
      %dma_start3A_173 = arith.constant 0 : i32
      %dma_start3A_174 = arith.constant 0 : i32
      %dma_start3A_175 = tpu.memref_slice %arg7[%run_scoped3A_88, %dma_start3A_173, %dma_start3A_174] : memref<5x40x128xf32, #tpu.memory_space<vmem>> -> memref<1x40x128xf32, #tpu.memory_space<vmem>>
      %dma_start3A_176 = tpu.memref_squeeze %dma_start3A_175 : memref<1x40x128xf32, #tpu.memory_space<vmem>> -> memref<40x128xf32, #tpu.memory_space<vmem>>
      tpu.enqueue_dma source(%dma_start3A_176 : memref<40x128xf32, #tpu.memory_space<vmem>>) target(%dma_start3A_172 : memref<40x128xf32, #tpu.memory_space<vmem_shared>>) target_semaphore(%run_scoped3A_164 : memref<!tpu.dma_semaphore, #tpu.memory_space<semaphore_mem>>)
      %dma_wait3A_177 = arith.constant 0 : i32
      %dma_wait3A_178 = arith.constant 0 : i32
      %dma_wait3A_179 = tpu.memref_slice %arg7[%run_scoped3A_88, %dma_wait3A_177, %dma_wait3A_178] : memref<5x40x128xf32, #tpu.memory_space<vmem>> -> memref<1x40x128xf32, #tpu.memory_space<vmem>>
      %dma_wait3A_180 = tpu.memref_squeeze %dma_wait3A_179 : memref<1x40x128xf32, #tpu.memory_space<vmem>> -> memref<40x128xf32, #tpu.memory_space<vmem>>
      %dma_wait3A_181 = arith.constant 0 : i32
      %dma_wait3A_182 = tpu.memref_slice %arg8[%add3A_87, %dma_wait3A_181] : memref<10240x128xf32, #tpu.memory_space<vmem_shared>> -> memref<40x128xf32, #tpu.memory_space<vmem_shared>>
      %dma_wait3A_183 = arith.constant 0 : i32
      %dma_wait3A_184 = tpu.memref_slice %arg8[%add3A_87, %dma_wait3A_183] : memref<10240x128xf32, #tpu.memory_space<vmem_shared>> -> memref<40x128xf32, #tpu.memory_space<vmem_shared>>
      %dma_wait3A_185 = arith.constant 0 : i32
      %dma_wait3A_186 = arith.constant 0 : i32
      %dma_wait3A_187 = tpu.memref_slice %arg7[%run_scoped3A_88, %dma_wait3A_185, %dma_wait3A_186] : memref<5x40x128xf32, #tpu.memory_space<vmem>> -> memref<1x40x128xf32, #tpu.memory_space<vmem>>
      %dma_wait3A_188 = tpu.memref_squeeze %dma_wait3A_187 : memref<1x40x128xf32, #tpu.memory_space<vmem>> -> memref<40x128xf32, #tpu.memory_space<vmem>>
      tpu.wait_dma2 semaphore(%run_scoped3A_164 : memref<!tpu.dma_semaphore, #tpu.memory_space<semaphore_mem>>) src(%dma_wait3A_188 : memref<40x128xf32, #tpu.memory_space<vmem>>) dst(%dma_wait3A_184 : memref<40x128xf32, #tpu.memory_space<vmem_shared>>)
      tpu.yield
    }) : () -> ()
    %mul3A_89 = arith.constant 640 : i32
    %mul3A_90 = arith.muli %arg1, %mul3A_89 : i32
    %add3A_91 = arith.constant 600 : i32
    %add3A_92 = arith.addi %mul3A_90, %add3A_91 : i32
    %run_scoped3A_93 = arith.constant 0 : i32
    "tpu.region"() ({
      %run_scoped3A_164 = tpu.sem_alloc : memref<!tpu.dma_semaphore, #tpu.memory_space<semaphore_mem>>
      %dma_start3A_165 = arith.constant 0 : i32
      %dma_start3A_166 = arith.constant 0 : i32
      %dma_start3A_167 = tpu.memref_slice %arg7[%run_scoped3A_93, %dma_start3A_165, %dma_start3A_166] : memref<5x40x128xf32, #tpu.memory_space<vmem>> -> memref<1x40x128xf32, #tpu.memory_space<vmem>>
      %dma_start3A_168 = tpu.memref_squeeze %dma_start3A_167 : memref<1x40x128xf32, #tpu.memory_space<vmem>> -> memref<40x128xf32, #tpu.memory_space<vmem>>
      %dma_start3A_169 = arith.constant 0 : i32
      %dma_start3A_170 = tpu.memref_slice %arg8[%add3A_92, %dma_start3A_169] : memref<10240x128xf32, #tpu.memory_space<vmem_shared>> -> memref<40x128xf32, #tpu.memory_space<vmem_shared>>
      %dma_start3A_171 = arith.constant 0 : i32
      %dma_start3A_172 = tpu.memref_slice %arg8[%add3A_92, %dma_start3A_171] : memref<10240x128xf32, #tpu.memory_space<vmem_shared>> -> memref<40x128xf32, #tpu.memory_space<vmem_shared>>
      %dma_start3A_173 = arith.constant 0 : i32
      %dma_start3A_174 = arith.constant 0 : i32
      %dma_start3A_175 = tpu.memref_slice %arg7[%run_scoped3A_93, %dma_start3A_173, %dma_start3A_174] : memref<5x40x128xf32, #tpu.memory_space<vmem>> -> memref<1x40x128xf32, #tpu.memory_space<vmem>>
      %dma_start3A_176 = tpu.memref_squeeze %dma_start3A_175 : memref<1x40x128xf32, #tpu.memory_space<vmem>> -> memref<40x128xf32, #tpu.memory_space<vmem>>
      tpu.enqueue_dma source(%dma_start3A_176 : memref<40x128xf32, #tpu.memory_space<vmem>>) target(%dma_start3A_172 : memref<40x128xf32, #tpu.memory_space<vmem_shared>>) target_semaphore(%run_scoped3A_164 : memref<!tpu.dma_semaphore, #tpu.memory_space<semaphore_mem>>)
      %dma_wait3A_177 = arith.constant 0 : i32
      %dma_wait3A_178 = arith.constant 0 : i32
      %dma_wait3A_179 = tpu.memref_slice %arg7[%run_scoped3A_93, %dma_wait3A_177, %dma_wait3A_178] : memref<5x40x128xf32, #tpu.memory_space<vmem>> -> memref<1x40x128xf32, #tpu.memory_space<vmem>>
      %dma_wait3A_180 = tpu.memref_squeeze %dma_wait3A_179 : memref<1x40x128xf32, #tpu.memory_space<vmem>> -> memref<40x128xf32, #tpu.memory_space<vmem>>
      %dma_wait3A_181 = arith.constant 0 : i32
      %dma_wait3A_182 = tpu.memref_slice %arg8[%add3A_92, %dma_wait3A_181] : memref<10240x128xf32, #tpu.memory_space<vmem_shared>> -> memref<40x128xf32, #tpu.memory_space<vmem_shared>>
      %dma_wait3A_183 = arith.constant 0 : i32
      %dma_wait3A_184 = tpu.memref_slice %arg8[%add3A_92, %dma_wait3A_183] : memref<10240x128xf32, #tpu.memory_space<vmem_shared>> -> memref<40x128xf32, #tpu.memory_space<vmem_shared>>
      %dma_wait3A_185 = arith.constant 0 : i32
      %dma_wait3A_186 = arith.constant 0 : i32
      %dma_wait3A_187 = tpu.memref_slice %arg7[%run_scoped3A_93, %dma_wait3A_185, %dma_wait3A_186] : memref<5x40x128xf32, #tpu.memory_space<vmem>> -> memref<1x40x128xf32, #tpu.memory_space<vmem>>
      %dma_wait3A_188 = tpu.memref_squeeze %dma_wait3A_187 : memref<1x40x128xf32, #tpu.memory_space<vmem>> -> memref<40x128xf32, #tpu.memory_space<vmem>>
      tpu.wait_dma2 semaphore(%run_scoped3A_164 : memref<!tpu.dma_semaphore, #tpu.memory_space<semaphore_mem>>) src(%dma_wait3A_188 : memref<40x128xf32, #tpu.memory_space<vmem>>) dst(%dma_wait3A_184 : memref<40x128xf32, #tpu.memory_space<vmem_shared>>)
      tpu.yield
    }) : () -> ()
    %barrier3A = arith.constant 0 : index
    tpu.barrier barrier_id(%barrier3A)
    %dma_start3A = arith.constant 0 : i32
    %dma_start3A_94 = arith.constant 0 : i32
    %dma_start3A_95 = arith.constant 0 : i32
    %dma_start3A_96 = arith.constant 0 : i32
    %dma_start3A_97 = tpu.memref_slice %arg7[%dma_start3A_94, %dma_start3A_95, %dma_start3A_96] : memref<5x40x128xf32, #tpu.memory_space<vmem>> -> memref<1x40x128xf32, #tpu.memory_space<vmem>>
    %dma_start3A_98 = tpu.memref_squeeze %dma_start3A_97 : memref<1x40x128xf32, #tpu.memory_space<vmem>> -> memref<40x128xf32, #tpu.memory_space<vmem>>
    %dma_start3A_99 = arith.constant 0 : i32
    %dma_start3A_100 = tpu.memref_slice %arg5[%dma_start3A, %dma_start3A_99] : memref<250x40xi32, #tpu.memory_space<vmem>> -> memref<1x40xi32, #tpu.memory_space<vmem>>
    %dma_start3A_101 = tpu.memref_squeeze %dma_start3A_100 : memref<1x40xi32, #tpu.memory_space<vmem>> -> memref<40xi32, #tpu.memory_space<vmem>>
    %dma_start3A_102 = arith.constant 0 : i32
    %dma_start3A_103 = arith.constant 0 : i32
    %dma_start3A_104 = tpu.memref_slice %arg2[%dma_start3A_102, %dma_start3A_103] : memref<10240x128xf32, #tpu.memory_space<hbm>> -> memref<10240x128xf32, #tpu.memory_space<hbm>>
    tpu.enqueue_indirect_dma source(%dma_start3A_104 : memref<10240x128xf32, #tpu.memory_space<hbm>>) target(%dma_start3A_98 : memref<40x128xf32, #tpu.memory_space<vmem>>) offsets(%dma_start3A_101 : memref<40xi32, #tpu.memory_space<vmem>>) semaphore(%arg9 : memref<!tpu.dma_semaphore, #tpu.memory_space<semaphore_mem>>)
    %dma_start3A_105 = arith.constant 1 : i32
    %dma_start3A_106 = arith.constant 1 : i32
    %dma_start3A_107 = arith.constant 0 : i32
    %dma_start3A_108 = arith.constant 0 : i32
    %dma_start3A_109 = tpu.memref_slice %arg7[%dma_start3A_106, %dma_start3A_107, %dma_start3A_108] : memref<5x40x128xf32, #tpu.memory_space<vmem>> -> memref<1x40x128xf32, #tpu.memory_space<vmem>>
    %dma_start3A_110 = tpu.memref_squeeze %dma_start3A_109 : memref<1x40x128xf32, #tpu.memory_space<vmem>> -> memref<40x128xf32, #tpu.memory_space<vmem>>
    %dma_start3A_111 = arith.constant 0 : i32
    %dma_start3A_112 = tpu.memref_slice %arg5[%dma_start3A_105, %dma_start3A_111] : memref<250x40xi32, #tpu.memory_space<vmem>> -> memref<1x40xi32, #tpu.memory_space<vmem>>
    %dma_start3A_113 = tpu.memref_squeeze %dma_start3A_112 : memref<1x40xi32, #tpu.memory_space<vmem>> -> memref<40xi32, #tpu.memory_space<vmem>>
    %dma_start3A_114 = arith.constant 0 : i32
    %dma_start3A_115 = arith.constant 0 : i32
    %dma_start3A_116 = tpu.memref_slice %arg2[%dma_start3A_114, %dma_start3A_115] : memref<10240x128xf32, #tpu.memory_space<hbm>> -> memref<10240x128xf32, #tpu.memory_space<hbm>>
    tpu.enqueue_indirect_dma source(%dma_start3A_116 : memref<10240x128xf32, #tpu.memory_space<hbm>>) target(%dma_start3A_110 : memref<40x128xf32, #tpu.memory_space<vmem>>) offsets(%dma_start3A_113 : memref<40xi32, #tpu.memory_space<vmem>>) semaphore(%arg10 : memref<!tpu.dma_semaphore, #tpu.memory_space<semaphore_mem>>)
    %dma_start3A_117 = arith.constant 2 : i32
    %dma_start3A_118 = arith.constant 2 : i32
    %dma_start3A_119 = arith.constant 0 : i32
    %dma_start3A_120 = arith.constant 0 : i32
    %dma_start3A_121 = tpu.memref_slice %arg7[%dma_start3A_118, %dma_start3A_119, %dma_start3A_120] : memref<5x40x128xf32, #tpu.memory_space<vmem>> -> memref<1x40x128xf32, #tpu.memory_space<vmem>>
    %dma_start3A_122 = tpu.memref_squeeze %dma_start3A_121 : memref<1x40x128xf32, #tpu.memory_space<vmem>> -> memref<40x128xf32, #tpu.memory_space<vmem>>
    %dma_start3A_123 = arith.constant 0 : i32
    %dma_start3A_124 = tpu.memref_slice %arg5[%dma_start3A_117, %dma_start3A_123] : memref<250x40xi32, #tpu.memory_space<vmem>> -> memref<1x40xi32, #tpu.memory_space<vmem>>
    %dma_start3A_125 = tpu.memref_squeeze %dma_start3A_124 : memref<1x40xi32, #tpu.memory_space<vmem>> -> memref<40xi32, #tpu.memory_space<vmem>>
    %dma_start3A_126 = arith.constant 0 : i32
    %dma_start3A_127 = arith.constant 0 : i32
    %dma_start3A_128 = tpu.memref_slice %arg2[%dma_start3A_126, %dma_start3A_127] : memref<10240x128xf32, #tpu.memory_space<hbm>> -> memref<10240x128xf32, #tpu.memory_space<hbm>>
    tpu.enqueue_indirect_dma source(%dma_start3A_128 : memref<10240x128xf32, #tpu.memory_space<hbm>>) target(%dma_start3A_122 : memref<40x128xf32, #tpu.memory_space<vmem>>) offsets(%dma_start3A_125 : memref<40xi32, #tpu.memory_space<vmem>>) semaphore(%arg11 : memref<!tpu.dma_semaphore, #tpu.memory_space<semaphore_mem>>)
    %dma_start3A_129 = arith.constant 3 : i32
    %dma_start3A_130 = arith.constant 3 : i32
    %dma_start3A_131 = arith.constant 0 : i32
    %dma_start3A_132 = arith.constant 0 : i32
    %dma_start3A_133 = tpu.memref_slice %arg7[%dma_start3A_130, %dma_start3A_131, %dma_start3A_132] : memref<5x40x128xf32, #tpu.memory_space<vmem>> -> memref<1x40x128xf32, #tpu.memory_space<vmem>>
    %dma_start3A_134 = tpu.memref_squeeze %dma_start3A_133 : memref<1x40x128xf32, #tpu.memory_space<vmem>> -> memref<40x128xf32, #tpu.memory_space<vmem>>
    %dma_start3A_135 = arith.constant 0 : i32
    %dma_start3A_136 = tpu.memref_slice %arg5[%dma_start3A_129, %dma_start3A_135] : memref<250x40xi32, #tpu.memory_space<vmem>> -> memref<1x40xi32, #tpu.memory_space<vmem>>
    %dma_start3A_137 = tpu.memref_squeeze %dma_start3A_136 : memref<1x40xi32, #tpu.memory_space<vmem>> -> memref<40xi32, #tpu.memory_space<vmem>>
    %dma_start3A_138 = arith.constant 0 : i32
    %dma_start3A_139 = arith.constant 0 : i32
    %dma_start3A_140 = tpu.memref_slice %arg2[%dma_start3A_138, %dma_start3A_139] : memref<10240x128xf32, #tpu.memory_space<hbm>> -> memref<10240x128xf32, #tpu.memory_space<hbm>>
    tpu.enqueue_indirect_dma source(%dma_start3A_140 : memref<10240x128xf32, #tpu.memory_space<hbm>>) target(%dma_start3A_134 : memref<40x128xf32, #tpu.memory_space<vmem>>) offsets(%dma_start3A_137 : memref<40xi32, #tpu.memory_space<vmem>>) semaphore(%arg12 : memref<!tpu.dma_semaphore, #tpu.memory_space<semaphore_mem>>)
    %scan3A_141 = arith.constant 0 : i32
    %scan3A_142 = arith.constant 0 : i32
    %scan3A_143 = arith.constant 50 : i32
    %scan3A_144 = arith.addi %scan3A_142, %scan3A_143 : i32
    %scan3A_145 = arith.constant 1 : i32
    %scan3A_146 = scf.for %scan3A_164 = %scan3A_142 to %scan3A_144 step %scan3A_145 iter_args(%scan3A_165 = %scan3A_141) -> (i32)  : i32 {
      %mul3A_166 = arith.constant 5 : i32
      %mul3A_167 = arith.muli %scan3A_164, %mul3A_166 : i32
      %add3A_168 = arith.constant 0 : i32
      %add3A_169 = arith.addi %mul3A_167, %add3A_168 : i32
      %dma_wait3A_170 = arith.constant 0 : i32
      %dma_wait3A_171 = arith.constant 0 : i32
      %dma_wait3A_172 = arith.constant 0 : i32
      %dma_wait3A_173 = arith.constant 0 : i32
      %dma_wait3A_174 = tpu.memref_slice %arg7[%dma_wait3A_171, %dma_wait3A_172, %dma_wait3A_173] : memref<5x40x128xf32, #tpu.memory_space<vmem>> -> memref<1x40x128xf32, #tpu.memory_space<vmem>>
      %dma_wait3A_175 = tpu.memref_squeeze %dma_wait3A_174 : memref<1x40x128xf32, #tpu.memory_space<vmem>> -> memref<40x128xf32, #tpu.memory_space<vmem>>
      %dma_wait3A_176 = arith.constant 0 : i32
      %dma_wait3A_177 = tpu.memref_slice %arg5[%dma_wait3A_170, %dma_wait3A_176] : memref<250x40xi32, #tpu.memory_space<vmem>> -> memref<1x40xi32, #tpu.memory_space<vmem>>
      %dma_wait3A_178 = tpu.memref_squeeze %dma_wait3A_177 : memref<1x40xi32, #tpu.memory_space<vmem>> -> memref<40xi32, #tpu.memory_space<vmem>>
      %dma_wait3A_179 = arith.constant 0 : i32
      %dma_wait3A_180 = arith.constant 0 : i32
      %dma_wait3A_181 = tpu.memref_slice %arg2[%dma_wait3A_179, %dma_wait3A_180] : memref<10240x128xf32, #tpu.memory_space<hbm>> -> memref<10240x128xf32, #tpu.memory_space<hbm>>
      tpu.wait_indirect_dma semaphore(%arg9 : memref<!tpu.dma_semaphore, #tpu.memory_space<semaphore_mem>>) src(%dma_wait3A_181 : memref<10240x128xf32, #tpu.memory_space<hbm>>) dst(%dma_wait3A_175 : memref<40x128xf32, #tpu.memory_space<vmem>>)
      %dma_start3A_182 = arith.constant 0 : i32
      %dma_start3A_183 = arith.constant 0 : i32
      %dma_start3A_184 = arith.constant 0 : i32
      %dma_start3A_185 = tpu.memref_slice %arg7[%dma_start3A_182, %dma_start3A_183, %dma_start3A_184] : memref<5x40x128xf32, #tpu.memory_space<vmem>> -> memref<1x40x128xf32, #tpu.memory_space<vmem>>
      %dma_start3A_186 = tpu.memref_squeeze %dma_start3A_185 : memref<1x40x128xf32, #tpu.memory_space<vmem>> -> memref<40x128xf32, #tpu.memory_space<vmem>>
      %dma_start3A_187 = arith.constant 0 : i32
      %dma_start3A_188 = tpu.memref_slice %arg6[%add3A_169, %dma_start3A_187] : memref<250x40xi32, #tpu.memory_space<vmem>> -> memref<1x40xi32, #tpu.memory_space<vmem>>
      %dma_start3A_189 = tpu.memref_squeeze %dma_start3A_188 : memref<1x40xi32, #tpu.memory_space<vmem>> -> memref<40xi32, #tpu.memory_space<vmem>>
      %dma_start3A_190 = arith.constant 0 : i32
      %dma_start3A_191 = arith.constant 0 : i32
      %dma_start3A_192 = tpu.memref_slice %arg8[%dma_start3A_190, %dma_start3A_191] : memref<10240x128xf32, #tpu.memory_space<vmem_shared>> -> memref<10240x128xf32, #tpu.memory_space<vmem_shared>>
      tpu.enqueue_indirect_dma source(%dma_start3A_186 : memref<40x128xf32, #tpu.memory_space<vmem>>) target(%dma_start3A_192 : memref<10240x128xf32, #tpu.memory_space<vmem_shared>>) offsets(%dma_start3A_189 : memref<40xi32, #tpu.memory_space<vmem>>) semaphore(%arg14 : memref<!tpu.dma_semaphore, #tpu.memory_space<semaphore_mem>>) {add = true}
      %ge3A = arith.constant 1 : i32
      %ge3A_193 = arith.cmpi sge, %add3A_169, %ge3A : i32
      %convert_element_type3A = arith.extui %ge3A_193 : i1 to i32
      %cond3A = arith.constant 0 : i32
      %cond3A_194 = arith.cmpi ne, %convert_element_type3A, %cond3A : i32
      scf.if %cond3A_194 {
        %dma_wait3A_350 = arith.constant 4 : i32
        %dma_wait3A_351 = arith.constant 0 : i32
        %dma_wait3A_352 = arith.constant 0 : i32
        %dma_wait3A_353 = arith.constant 0 : i32
        %dma_wait3A_354 = tpu.memref_slice %arg7[%dma_wait3A_350, %dma_wait3A_352, %dma_wait3A_353] : memref<5x40x128xf32, #tpu.memory_space<vmem>> -> memref<1x40x128xf32, #tpu.memory_space<vmem>>
        %dma_wait3A_355 = tpu.memref_squeeze %dma_wait3A_354 : memref<1x40x128xf32, #tpu.memory_space<vmem>> -> memref<40x128xf32, #tpu.memory_space<vmem>>
        %dma_wait3A_356 = arith.constant 0 : i32
        %dma_wait3A_357 = tpu.memref_slice %arg6[%dma_wait3A_351, %dma_wait3A_356] : memref<250x40xi32, #tpu.memory_space<vmem>> -> memref<1x40xi32, #tpu.memory_space<vmem>>
        %dma_wait3A_358 = tpu.memref_squeeze %dma_wait3A_357 : memref<1x40xi32, #tpu.memory_space<vmem>> -> memref<40xi32, #tpu.memory_space<vmem>>
        %dma_wait3A_359 = arith.constant 0 : i32
        %dma_wait3A_360 = arith.constant 0 : i32
        %dma_wait3A_361 = tpu.memref_slice %arg8[%dma_wait3A_359, %dma_wait3A_360] : memref<10240x128xf32, #tpu.memory_space<vmem_shared>> -> memref<10240x128xf32, #tpu.memory_space<vmem_shared>>
        tpu.wait_indirect_dma semaphore(%arg18 : memref<!tpu.dma_semaphore, #tpu.memory_space<semaphore_mem>>) src(%dma_wait3A_355 : memref<40x128xf32, #tpu.memory_space<vmem>>) dst(%dma_wait3A_361 : memref<10240x128xf32, #tpu.memory_space<vmem_shared>>)
      } else {
      }
      %add3A_195 = arith.constant 4 : i32
      %add3A_196 = arith.addi %add3A_169, %add3A_195 : i32
      %lt3A = arith.constant 250 : i32
      %lt3A_197 = arith.cmpi slt, %add3A_196, %lt3A : i32
      %convert_element_type3A_198 = arith.extui %lt3A_197 : i1 to i32
      %cond3A_199 = arith.constant 0 : i32
      %cond3A_200 = arith.cmpi ne, %convert_element_type3A_198, %cond3A_199 : i32
      scf.if %cond3A_200 {
        %add3A_350 = arith.constant 4 : i32
        %add3A_351 = arith.addi %add3A_169, %add3A_350 : i32
        %dma_start3A_352 = arith.constant 4 : i32
        %dma_start3A_353 = arith.constant 0 : i32
        %dma_start3A_354 = arith.constant 0 : i32
        %dma_start3A_355 = tpu.memref_slice %arg7[%dma_start3A_352, %dma_start3A_353, %dma_start3A_354] : memref<5x40x128xf32, #tpu.memory_space<vmem>> -> memref<1x40x128xf32, #tpu.memory_space<vmem>>
        %dma_start3A_356 = tpu.memref_squeeze %dma_start3A_355 : memref<1x40x128xf32, #tpu.memory_space<vmem>> -> memref<40x128xf32, #tpu.memory_space<vmem>>
        %dma_start3A_357 = arith.constant 0 : i32
        %dma_start3A_358 = tpu.memref_slice %arg5[%add3A_351, %dma_start3A_357] : memref<250x40xi32, #tpu.memory_space<vmem>> -> memref<1x40xi32, #tpu.memory_space<vmem>>
        %dma_start3A_359 = tpu.memref_squeeze %dma_start3A_358 : memref<1x40xi32, #tpu.memory_space<vmem>> -> memref<40xi32, #tpu.memory_space<vmem>>
        %dma_start3A_360 = arith.constant 0 : i32
        %dma_start3A_361 = arith.constant 0 : i32
        %dma_start3A_362 = tpu.memref_slice %arg2[%dma_start3A_360, %dma_start3A_361] : memref<10240x128xf32, #tpu.memory_space<hbm>> -> memref<10240x128xf32, #tpu.memory_space<hbm>>
        tpu.enqueue_indirect_dma source(%dma_start3A_362 : memref<10240x128xf32, #tpu.memory_space<hbm>>) target(%dma_start3A_356 : memref<40x128xf32, #tpu.memory_space<vmem>>) offsets(%dma_start3A_359 : memref<40xi32, #tpu.memory_space<vmem>>) semaphore(%arg13 : memref<!tpu.dma_semaphore, #tpu.memory_space<semaphore_mem>>)
      } else {
      }
      %add3A_201 = arith.constant 1 : i32
      %add3A_202 = arith.addi %mul3A_167, %add3A_201 : i32
      %dma_wait3A_203 = arith.constant 0 : i32
      %dma_wait3A_204 = arith.constant 1 : i32
      %dma_wait3A_205 = arith.constant 0 : i32
      %dma_wait3A_206 = arith.constant 0 : i32
      %dma_wait3A_207 = tpu.memref_slice %arg7[%dma_wait3A_204, %dma_wait3A_205, %dma_wait3A_206] : memref<5x40x128xf32, #tpu.memory_space<vmem>> -> memref<1x40x128xf32, #tpu.memory_space<vmem>>
      %dma_wait3A_208 = tpu.memref_squeeze %dma_wait3A_207 : memref<1x40x128xf32, #tpu.memory_space<vmem>> -> memref<40x128xf32, #tpu.memory_space<vmem>>
      %dma_wait3A_209 = arith.constant 0 : i32
      %dma_wait3A_210 = tpu.memref_slice %arg5[%dma_wait3A_203, %dma_wait3A_209] : memref<250x40xi32, #tpu.memory_space<vmem>> -> memref<1x40xi32, #tpu.memory_space<vmem>>
      %dma_wait3A_211 = tpu.memref_squeeze %dma_wait3A_210 : memref<1x40xi32, #tpu.memory_space<vmem>> -> memref<40xi32, #tpu.memory_space<vmem>>
      %dma_wait3A_212 = arith.constant 0 : i32
      %dma_wait3A_213 = arith.constant 0 : i32
      %dma_wait3A_214 = tpu.memref_slice %arg2[%dma_wait3A_212, %dma_wait3A_213] : memref<10240x128xf32, #tpu.memory_space<hbm>> -> memref<10240x128xf32, #tpu.memory_space<hbm>>
      tpu.wait_indirect_dma semaphore(%arg10 : memref<!tpu.dma_semaphore, #tpu.memory_space<semaphore_mem>>) src(%dma_wait3A_214 : memref<10240x128xf32, #tpu.memory_space<hbm>>) dst(%dma_wait3A_208 : memref<40x128xf32, #tpu.memory_space<vmem>>)
      %dma_start3A_215 = arith.constant 1 : i32
      %dma_start3A_216 = arith.constant 0 : i32
      %dma_start3A_217 = arith.constant 0 : i32
      %dma_start3A_218 = tpu.memref_slice %arg7[%dma_start3A_215, %dma_start3A_216, %dma_start3A_217] : memref<5x40x128xf32, #tpu.memory_space<vmem>> -> memref<1x40x128xf32, #tpu.memory_space<vmem>>
      %dma_start3A_219 = tpu.memref_squeeze %dma_start3A_218 : memref<1x40x128xf32, #tpu.memory_space<vmem>> -> memref<40x128xf32, #tpu.memory_space<vmem>>
      %dma_start3A_220 = arith.constant 0 : i32
      %dma_start3A_221 = tpu.memref_slice %arg6[%add3A_202, %dma_start3A_220] : memref<250x40xi32, #tpu.memory_space<vmem>> -> memref<1x40xi32, #tpu.memory_space<vmem>>
      %dma_start3A_222 = tpu.memref_squeeze %dma_start3A_221 : memref<1x40xi32, #tpu.memory_space<vmem>> -> memref<40xi32, #tpu.memory_space<vmem>>
      %dma_start3A_223 = arith.constant 0 : i32
      %dma_start3A_224 = arith.constant 0 : i32
      %dma_start3A_225 = tpu.memref_slice %arg8[%dma_start3A_223, %dma_start3A_224] : memref<10240x128xf32, #tpu.memory_space<vmem_shared>> -> memref<10240x128xf32, #tpu.memory_space<vmem_shared>>
      tpu.enqueue_indirect_dma source(%dma_start3A_219 : memref<40x128xf32, #tpu.memory_space<vmem>>) target(%dma_start3A_225 : memref<10240x128xf32, #tpu.memory_space<vmem_shared>>) offsets(%dma_start3A_222 : memref<40xi32, #tpu.memory_space<vmem>>) semaphore(%arg15 : memref<!tpu.dma_semaphore, #tpu.memory_space<semaphore_mem>>) {add = true}
      %ge3A_226 = arith.constant 1 : i32
      %ge3A_227 = arith.cmpi sge, %add3A_202, %ge3A_226 : i32
      %convert_element_type3A_228 = arith.extui %ge3A_227 : i1 to i32
      %cond3A_229 = arith.constant 0 : i32
      %cond3A_230 = arith.cmpi ne, %convert_element_type3A_228, %cond3A_229 : i32
      scf.if %cond3A_230 {
        %dma_wait3A_350 = arith.constant 0 : i32
        %dma_wait3A_351 = arith.constant 0 : i32
        %dma_wait3A_352 = arith.constant 0 : i32
        %dma_wait3A_353 = arith.constant 0 : i32
        %dma_wait3A_354 = tpu.memref_slice %arg7[%dma_wait3A_350, %dma_wait3A_352, %dma_wait3A_353] : memref<5x40x128xf32, #tpu.memory_space<vmem>> -> memref<1x40x128xf32, #tpu.memory_space<vmem>>
        %dma_wait3A_355 = tpu.memref_squeeze %dma_wait3A_354 : memref<1x40x128xf32, #tpu.memory_space<vmem>> -> memref<40x128xf32, #tpu.memory_space<vmem>>
        %dma_wait3A_356 = arith.constant 0 : i32
        %dma_wait3A_357 = tpu.memref_slice %arg6[%dma_wait3A_351, %dma_wait3A_356] : memref<250x40xi32, #tpu.memory_space<vmem>> -> memref<1x40xi32, #tpu.memory_space<vmem>>
        %dma_wait3A_358 = tpu.memref_squeeze %dma_wait3A_357 : memref<1x40xi32, #tpu.memory_space<vmem>> -> memref<40xi32, #tpu.memory_space<vmem>>
        %dma_wait3A_359 = arith.constant 0 : i32
        %dma_wait3A_360 = arith.constant 0 : i32
        %dma_wait3A_361 = tpu.memref_slice %arg8[%dma_wait3A_359, %dma_wait3A_360] : memref<10240x128xf32, #tpu.memory_space<vmem_shared>> -> memref<10240x128xf32, #tpu.memory_space<vmem_shared>>
        tpu.wait_indirect_dma semaphore(%arg14 : memref<!tpu.dma_semaphore, #tpu.memory_space<semaphore_mem>>) src(%dma_wait3A_355 : memref<40x128xf32, #tpu.memory_space<vmem>>) dst(%dma_wait3A_361 : memref<10240x128xf32, #tpu.memory_space<vmem_shared>>)
      } else {
      }
      %add3A_231 = arith.constant 4 : i32
      %add3A_232 = arith.addi %add3A_202, %add3A_231 : i32
      %lt3A_233 = arith.constant 250 : i32
      %lt3A_234 = arith.cmpi slt, %add3A_232, %lt3A_233 : i32
      %convert_element_type3A_235 = arith.extui %lt3A_234 : i1 to i32
      %cond3A_236 = arith.constant 0 : i32
      %cond3A_237 = arith.cmpi ne, %convert_element_type3A_235, %cond3A_236 : i32
      scf.if %cond3A_237 {
        %add3A_350 = arith.constant 4 : i32
        %add3A_351 = arith.addi %add3A_202, %add3A_350 : i32
        %dma_start3A_352 = arith.constant 0 : i32
        %dma_start3A_353 = arith.constant 0 : i32
        %dma_start3A_354 = arith.constant 0 : i32
        %dma_start3A_355 = tpu.memref_slice %arg7[%dma_start3A_352, %dma_start3A_353, %dma_start3A_354] : memref<5x40x128xf32, #tpu.memory_space<vmem>> -> memref<1x40x128xf32, #tpu.memory_space<vmem>>
        %dma_start3A_356 = tpu.memref_squeeze %dma_start3A_355 : memref<1x40x128xf32, #tpu.memory_space<vmem>> -> memref<40x128xf32, #tpu.memory_space<vmem>>
        %dma_start3A_357 = arith.constant 0 : i32
        %dma_start3A_358 = tpu.memref_slice %arg5[%add3A_351, %dma_start3A_357] : memref<250x40xi32, #tpu.memory_space<vmem>> -> memref<1x40xi32, #tpu.memory_space<vmem>>
        %dma_start3A_359 = tpu.memref_squeeze %dma_start3A_358 : memref<1x40xi32, #tpu.memory_space<vmem>> -> memref<40xi32, #tpu.memory_space<vmem>>
        %dma_start3A_360 = arith.constant 0 : i32
        %dma_start3A_361 = arith.constant 0 : i32
        %dma_start3A_362 = tpu.memref_slice %arg2[%dma_start3A_360, %dma_start3A_361] : memref<10240x128xf32, #tpu.memory_space<hbm>> -> memref<10240x128xf32, #tpu.memory_space<hbm>>
        tpu.enqueue_indirect_dma source(%dma_start3A_362 : memref<10240x128xf32, #tpu.memory_space<hbm>>) target(%dma_start3A_356 : memref<40x128xf32, #tpu.memory_space<vmem>>) offsets(%dma_start3A_359 : memref<40xi32, #tpu.memory_space<vmem>>) semaphore(%arg9 : memref<!tpu.dma_semaphore, #tpu.memory_space<semaphore_mem>>)
      } else {
      }
      %add3A_238 = arith.constant 2 : i32
      %add3A_239 = arith.addi %mul3A_167, %add3A_238 : i32
      %dma_wait3A_240 = arith.constant 0 : i32
      %dma_wait3A_241 = arith.constant 2 : i32
      %dma_wait3A_242 = arith.constant 0 : i32
      %dma_wait3A_243 = arith.constant 0 : i32
      %dma_wait3A_244 = tpu.memref_slice %arg7[%dma_wait3A_241, %dma_wait3A_242, %dma_wait3A_243] : memref<5x40x128xf32, #tpu.memory_space<vmem>> -> memref<1x40x128xf32, #tpu.memory_space<vmem>>
      %dma_wait3A_245 = tpu.memref_squeeze %dma_wait3A_244 : memref<1x40x128xf32, #tpu.memory_space<vmem>> -> memref<40x128xf32, #tpu.memory_space<vmem>>
      %dma_wait3A_246 = arith.constant 0 : i32
      %dma_wait3A_247 = tpu.memref_slice %arg5[%dma_wait3A_240, %dma_wait3A_246] : memref<250x40xi32, #tpu.memory_space<vmem>> -> memref<1x40xi32, #tpu.memory_space<vmem>>
      %dma_wait3A_248 = tpu.memref_squeeze %dma_wait3A_247 : memref<1x40xi32, #tpu.memory_space<vmem>> -> memref<40xi32, #tpu.memory_space<vmem>>
      %dma_wait3A_249 = arith.constant 0 : i32
      %dma_wait3A_250 = arith.constant 0 : i32
      %dma_wait3A_251 = tpu.memref_slice %arg2[%dma_wait3A_249, %dma_wait3A_250] : memref<10240x128xf32, #tpu.memory_space<hbm>> -> memref<10240x128xf32, #tpu.memory_space<hbm>>
      tpu.wait_indirect_dma semaphore(%arg11 : memref<!tpu.dma_semaphore, #tpu.memory_space<semaphore_mem>>) src(%dma_wait3A_251 : memref<10240x128xf32, #tpu.memory_space<hbm>>) dst(%dma_wait3A_245 : memref<40x128xf32, #tpu.memory_space<vmem>>)
      %dma_start3A_252 = arith.constant 2 : i32
      %dma_start3A_253 = arith.constant 0 : i32
      %dma_start3A_254 = arith.constant 0 : i32
      %dma_start3A_255 = tpu.memref_slice %arg7[%dma_start3A_252, %dma_start3A_253, %dma_start3A_254] : memref<5x40x128xf32, #tpu.memory_space<vmem>> -> memref<1x40x128xf32, #tpu.memory_space<vmem>>
      %dma_start3A_256 = tpu.memref_squeeze %dma_start3A_255 : memref<1x40x128xf32, #tpu.memory_space<vmem>> -> memref<40x128xf32, #tpu.memory_space<vmem>>
      %dma_start3A_257 = arith.constant 0 : i32
      %dma_start3A_258 = tpu.memref_slice %arg6[%add3A_239, %dma_start3A_257] : memref<250x40xi32, #tpu.memory_space<vmem>> -> memref<1x40xi32, #tpu.memory_space<vmem>>
      %dma_start3A_259 = tpu.memref_squeeze %dma_start3A_258 : memref<1x40xi32, #tpu.memory_space<vmem>> -> memref<40xi32, #tpu.memory_space<vmem>>
      %dma_start3A_260 = arith.constant 0 : i32
      %dma_start3A_261 = arith.constant 0 : i32
      %dma_start3A_262 = tpu.memref_slice %arg8[%dma_start3A_260, %dma_start3A_261] : memref<10240x128xf32, #tpu.memory_space<vmem_shared>> -> memref<10240x128xf32, #tpu.memory_space<vmem_shared>>
      tpu.enqueue_indirect_dma source(%dma_start3A_256 : memref<40x128xf32, #tpu.memory_space<vmem>>) target(%dma_start3A_262 : memref<10240x128xf32, #tpu.memory_space<vmem_shared>>) offsets(%dma_start3A_259 : memref<40xi32, #tpu.memory_space<vmem>>) semaphore(%arg16 : memref<!tpu.dma_semaphore, #tpu.memory_space<semaphore_mem>>) {add = true}
      %ge3A_263 = arith.constant 1 : i32
      %ge3A_264 = arith.cmpi sge, %add3A_239, %ge3A_263 : i32
      %convert_element_type3A_265 = arith.extui %ge3A_264 : i1 to i32
      %cond3A_266 = arith.constant 0 : i32
      %cond3A_267 = arith.cmpi ne, %convert_element_type3A_265, %cond3A_266 : i32
      scf.if %cond3A_267 {
        %dma_wait3A_350 = arith.constant 1 : i32
        %dma_wait3A_351 = arith.constant 0 : i32
        %dma_wait3A_352 = arith.constant 0 : i32
        %dma_wait3A_353 = arith.constant 0 : i32
        %dma_wait3A_354 = tpu.memref_slice %arg7[%dma_wait3A_350, %dma_wait3A_352, %dma_wait3A_353] : memref<5x40x128xf32, #tpu.memory_space<vmem>> -> memref<1x40x128xf32, #tpu.memory_space<vmem>>
        %dma_wait3A_355 = tpu.memref_squeeze %dma_wait3A_354 : memref<1x40x128xf32, #tpu.memory_space<vmem>> -> memref<40x128xf32, #tpu.memory_space<vmem>>
        %dma_wait3A_356 = arith.constant 0 : i32
        %dma_wait3A_357 = tpu.memref_slice %arg6[%dma_wait3A_351, %dma_wait3A_356] : memref<250x40xi32, #tpu.memory_space<vmem>> -> memref<1x40xi32, #tpu.memory_space<vmem>>
        %dma_wait3A_358 = tpu.memref_squeeze %dma_wait3A_357 : memref<1x40xi32, #tpu.memory_space<vmem>> -> memref<40xi32, #tpu.memory_space<vmem>>
        %dma_wait3A_359 = arith.constant 0 : i32
        %dma_wait3A_360 = arith.constant 0 : i32
        %dma_wait3A_361 = tpu.memref_slice %arg8[%dma_wait3A_359, %dma_wait3A_360] : memref<10240x128xf32, #tpu.memory_space<vmem_shared>> -> memref<10240x128xf32, #tpu.memory_space<vmem_shared>>
        tpu.wait_indirect_dma semaphore(%arg15 : memref<!tpu.dma_semaphore, #tpu.memory_space<semaphore_mem>>) src(%dma_wait3A_355 : memref<40x128xf32, #tpu.memory_space<vmem>>) dst(%dma_wait3A_361 : memref<10240x128xf32, #tpu.memory_space<vmem_shared>>)
      } else {
      }
      %add3A_268 = arith.constant 4 : i32
      %add3A_269 = arith.addi %add3A_239, %add3A_268 : i32
      %lt3A_270 = arith.constant 250 : i32
      %lt3A_271 = arith.cmpi slt, %add3A_269, %lt3A_270 : i32
      %convert_element_type3A_272 = arith.extui %lt3A_271 : i1 to i32
      %cond3A_273 = arith.constant 0 : i32
      %cond3A_274 = arith.cmpi ne, %convert_element_type3A_272, %cond3A_273 : i32
      scf.if %cond3A_274 {
        %add3A_350 = arith.constant 4 : i32
        %add3A_351 = arith.addi %add3A_239, %add3A_350 : i32
        %dma_start3A_352 = arith.constant 1 : i32
        %dma_start3A_353 = arith.constant 0 : i32
        %dma_start3A_354 = arith.constant 0 : i32
        %dma_start3A_355 = tpu.memref_slice %arg7[%dma_start3A_352, %dma_start3A_353, %dma_start3A_354] : memref<5x40x128xf32, #tpu.memory_space<vmem>> -> memref<1x40x128xf32, #tpu.memory_space<vmem>>
        %dma_start3A_356 = tpu.memref_squeeze %dma_start3A_355 : memref<1x40x128xf32, #tpu.memory_space<vmem>> -> memref<40x128xf32, #tpu.memory_space<vmem>>
        %dma_start3A_357 = arith.constant 0 : i32
        %dma_start3A_358 = tpu.memref_slice %arg5[%add3A_351, %dma_start3A_357] : memref<250x40xi32, #tpu.memory_space<vmem>> -> memref<1x40xi32, #tpu.memory_space<vmem>>
        %dma_start3A_359 = tpu.memref_squeeze %dma_start3A_358 : memref<1x40xi32, #tpu.memory_space<vmem>> -> memref<40xi32, #tpu.memory_space<vmem>>
        %dma_start3A_360 = arith.constant 0 : i32
        %dma_start3A_361 = arith.constant 0 : i32
        %dma_start3A_362 = tpu.memref_slice %arg2[%dma_start3A_360, %dma_start3A_361] : memref<10240x128xf32, #tpu.memory_space<hbm>> -> memref<10240x128xf32, #tpu.memory_space<hbm>>
        tpu.enqueue_indirect_dma source(%dma_start3A_362 : memref<10240x128xf32, #tpu.memory_space<hbm>>) target(%dma_start3A_356 : memref<40x128xf32, #tpu.memory_space<vmem>>) offsets(%dma_start3A_359 : memref<40xi32, #tpu.memory_space<vmem>>) semaphore(%arg10 : memref<!tpu.dma_semaphore, #tpu.memory_space<semaphore_mem>>)
      } else {
      }
      %add3A_275 = arith.constant 3 : i32
      %add3A_276 = arith.addi %mul3A_167, %add3A_275 : i32
      %dma_wait3A_277 = arith.constant 0 : i32
      %dma_wait3A_278 = arith.constant 3 : i32
      %dma_wait3A_279 = arith.constant 0 : i32
      %dma_wait3A_280 = arith.constant 0 : i32
      %dma_wait3A_281 = tpu.memref_slice %arg7[%dma_wait3A_278, %dma_wait3A_279, %dma_wait3A_280] : memref<5x40x128xf32, #tpu.memory_space<vmem>> -> memref<1x40x128xf32, #tpu.memory_space<vmem>>
      %dma_wait3A_282 = tpu.memref_squeeze %dma_wait3A_281 : memref<1x40x128xf32, #tpu.memory_space<vmem>> -> memref<40x128xf32, #tpu.memory_space<vmem>>
      %dma_wait3A_283 = arith.constant 0 : i32
      %dma_wait3A_284 = tpu.memref_slice %arg5[%dma_wait3A_277, %dma_wait3A_283] : memref<250x40xi32, #tpu.memory_space<vmem>> -> memref<1x40xi32, #tpu.memory_space<vmem>>
      %dma_wait3A_285 = tpu.memref_squeeze %dma_wait3A_284 : memref<1x40xi32, #tpu.memory_space<vmem>> -> memref<40xi32, #tpu.memory_space<vmem>>
      %dma_wait3A_286 = arith.constant 0 : i32
      %dma_wait3A_287 = arith.constant 0 : i32
      %dma_wait3A_288 = tpu.memref_slice %arg2[%dma_wait3A_286, %dma_wait3A_287] : memref<10240x128xf32, #tpu.memory_space<hbm>> -> memref<10240x128xf32, #tpu.memory_space<hbm>>
      tpu.wait_indirect_dma semaphore(%arg12 : memref<!tpu.dma_semaphore, #tpu.memory_space<semaphore_mem>>) src(%dma_wait3A_288 : memref<10240x128xf32, #tpu.memory_space<hbm>>) dst(%dma_wait3A_282 : memref<40x128xf32, #tpu.memory_space<vmem>>)
      %dma_start3A_289 = arith.constant 3 : i32
      %dma_start3A_290 = arith.constant 0 : i32
      %dma_start3A_291 = arith.constant 0 : i32
      %dma_start3A_292 = tpu.memref_slice %arg7[%dma_start3A_289, %dma_start3A_290, %dma_start3A_291] : memref<5x40x128xf32, #tpu.memory_space<vmem>> -> memref<1x40x128xf32, #tpu.memory_space<vmem>>
      %dma_start3A_293 = tpu.memref_squeeze %dma_start3A_292 : memref<1x40x128xf32, #tpu.memory_space<vmem>> -> memref<40x128xf32, #tpu.memory_space<vmem>>
      %dma_start3A_294 = arith.constant 0 : i32
      %dma_start3A_295 = tpu.memref_slice %arg6[%add3A_276, %dma_start3A_294] : memref<250x40xi32, #tpu.memory_space<vmem>> -> memref<1x40xi32, #tpu.memory_space<vmem>>
      %dma_start3A_296 = tpu.memref_squeeze %dma_start3A_295 : memref<1x40xi32, #tpu.memory_space<vmem>> -> memref<40xi32, #tpu.memory_space<vmem>>
      %dma_start3A_297 = arith.constant 0 : i32
      %dma_start3A_298 = arith.constant 0 : i32
      %dma_start3A_299 = tpu.memref_slice %arg8[%dma_start3A_297, %dma_start3A_298] : memref<10240x128xf32, #tpu.memory_space<vmem_shared>> -> memref<10240x128xf32, #tpu.memory_space<vmem_shared>>
      tpu.enqueue_indirect_dma source(%dma_start3A_293 : memref<40x128xf32, #tpu.memory_space<vmem>>) target(%dma_start3A_299 : memref<10240x128xf32, #tpu.memory_space<vmem_shared>>) offsets(%dma_start3A_296 : memref<40xi32, #tpu.memory_space<vmem>>) semaphore(%arg17 : memref<!tpu.dma_semaphore, #tpu.memory_space<semaphore_mem>>) {add = true}
      %ge3A_300 = arith.constant 1 : i32
      %ge3A_301 = arith.cmpi sge, %add3A_276, %ge3A_300 : i32
      %convert_element_type3A_302 = arith.extui %ge3A_301 : i1 to i32
      %cond3A_303 = arith.constant 0 : i32
      %cond3A_304 = arith.cmpi ne, %convert_element_type3A_302, %cond3A_303 : i32
      scf.if %cond3A_304 {
        %dma_wait3A_350 = arith.constant 2 : i32
        %dma_wait3A_351 = arith.constant 0 : i32
        %dma_wait3A_352 = arith.constant 0 : i32
        %dma_wait3A_353 = arith.constant 0 : i32
        %dma_wait3A_354 = tpu.memref_slice %arg7[%dma_wait3A_350, %dma_wait3A_352, %dma_wait3A_353] : memref<5x40x128xf32, #tpu.memory_space<vmem>> -> memref<1x40x128xf32, #tpu.memory_space<vmem>>
        %dma_wait3A_355 = tpu.memref_squeeze %dma_wait3A_354 : memref<1x40x128xf32, #tpu.memory_space<vmem>> -> memref<40x128xf32, #tpu.memory_space<vmem>>
        %dma_wait3A_356 = arith.constant 0 : i32
        %dma_wait3A_357 = tpu.memref_slice %arg6[%dma_wait3A_351, %dma_wait3A_356] : memref<250x40xi32, #tpu.memory_space<vmem>> -> memref<1x40xi32, #tpu.memory_space<vmem>>
        %dma_wait3A_358 = tpu.memref_squeeze %dma_wait3A_357 : memref<1x40xi32, #tpu.memory_space<vmem>> -> memref<40xi32, #tpu.memory_space<vmem>>
        %dma_wait3A_359 = arith.constant 0 : i32
        %dma_wait3A_360 = arith.constant 0 : i32
        %dma_wait3A_361 = tpu.memref_slice %arg8[%dma_wait3A_359, %dma_wait3A_360] : memref<10240x128xf32, #tpu.memory_space<vmem_shared>> -> memref<10240x128xf32, #tpu.memory_space<vmem_shared>>
        tpu.wait_indirect_dma semaphore(%arg16 : memref<!tpu.dma_semaphore, #tpu.memory_space<semaphore_mem>>) src(%dma_wait3A_355 : memref<40x128xf32, #tpu.memory_space<vmem>>) dst(%dma_wait3A_361 : memref<10240x128xf32, #tpu.memory_space<vmem_shared>>)
      } else {
      }
      %add3A_305 = arith.constant 4 : i32
      %add3A_306 = arith.addi %add3A_276, %add3A_305 : i32
      %lt3A_307 = arith.constant 250 : i32
      %lt3A_308 = arith.cmpi slt, %add3A_306, %lt3A_307 : i32
      %convert_element_type3A_309 = arith.extui %lt3A_308 : i1 to i32
      %cond3A_310 = arith.constant 0 : i32
      %cond3A_311 = arith.cmpi ne, %convert_element_type3A_309, %cond3A_310 : i32
      scf.if %cond3A_311 {
        %add3A_350 = arith.constant 4 : i32
        %add3A_351 = arith.addi %add3A_276, %add3A_350 : i32
        %dma_start3A_352 = arith.constant 2 : i32
        %dma_start3A_353 = arith.constant 0 : i32
        %dma_start3A_354 = arith.constant 0 : i32
        %dma_start3A_355 = tpu.memref_slice %arg7[%dma_start3A_352, %dma_start3A_353, %dma_start3A_354] : memref<5x40x128xf32, #tpu.memory_space<vmem>> -> memref<1x40x128xf32, #tpu.memory_space<vmem>>
        %dma_start3A_356 = tpu.memref_squeeze %dma_start3A_355 : memref<1x40x128xf32, #tpu.memory_space<vmem>> -> memref<40x128xf32, #tpu.memory_space<vmem>>
        %dma_start3A_357 = arith.constant 0 : i32
        %dma_start3A_358 = tpu.memref_slice %arg5[%add3A_351, %dma_start3A_357] : memref<250x40xi32, #tpu.memory_space<vmem>> -> memref<1x40xi32, #tpu.memory_space<vmem>>
        %dma_start3A_359 = tpu.memref_squeeze %dma_start3A_358 : memref<1x40xi32, #tpu.memory_space<vmem>> -> memref<40xi32, #tpu.memory_space<vmem>>
        %dma_start3A_360 = arith.constant 0 : i32
        %dma_start3A_361 = arith.constant 0 : i32
        %dma_start3A_362 = tpu.memref_slice %arg2[%dma_start3A_360, %dma_start3A_361] : memref<10240x128xf32, #tpu.memory_space<hbm>> -> memref<10240x128xf32, #tpu.memory_space<hbm>>
        tpu.enqueue_indirect_dma source(%dma_start3A_362 : memref<10240x128xf32, #tpu.memory_space<hbm>>) target(%dma_start3A_356 : memref<40x128xf32, #tpu.memory_space<vmem>>) offsets(%dma_start3A_359 : memref<40xi32, #tpu.memory_space<vmem>>) semaphore(%arg11 : memref<!tpu.dma_semaphore, #tpu.memory_space<semaphore_mem>>)
      } else {
      }
      %add3A_312 = arith.constant 4 : i32
      %add3A_313 = arith.addi %mul3A_167, %add3A_312 : i32
      %dma_wait3A_314 = arith.constant 0 : i32
      %dma_wait3A_315 = arith.constant 4 : i32
      %dma_wait3A_316 = arith.constant 0 : i32
      %dma_wait3A_317 = arith.constant 0 : i32
      %dma_wait3A_318 = tpu.memref_slice %arg7[%dma_wait3A_315, %dma_wait3A_316, %dma_wait3A_317] : memref<5x40x128xf32, #tpu.memory_space<vmem>> -> memref<1x40x128xf32, #tpu.memory_space<vmem>>
      %dma_wait3A_319 = tpu.memref_squeeze %dma_wait3A_318 : memref<1x40x128xf32, #tpu.memory_space<vmem>> -> memref<40x128xf32, #tpu.memory_space<vmem>>
      %dma_wait3A_320 = arith.constant 0 : i32
      %dma_wait3A_321 = tpu.memref_slice %arg5[%dma_wait3A_314, %dma_wait3A_320] : memref<250x40xi32, #tpu.memory_space<vmem>> -> memref<1x40xi32, #tpu.memory_space<vmem>>
      %dma_wait3A_322 = tpu.memref_squeeze %dma_wait3A_321 : memref<1x40xi32, #tpu.memory_space<vmem>> -> memref<40xi32, #tpu.memory_space<vmem>>
      %dma_wait3A_323 = arith.constant 0 : i32
      %dma_wait3A_324 = arith.constant 0 : i32
      %dma_wait3A_325 = tpu.memref_slice %arg2[%dma_wait3A_323, %dma_wait3A_324] : memref<10240x128xf32, #tpu.memory_space<hbm>> -> memref<10240x128xf32, #tpu.memory_space<hbm>>
      tpu.wait_indirect_dma semaphore(%arg13 : memref<!tpu.dma_semaphore, #tpu.memory_space<semaphore_mem>>) src(%dma_wait3A_325 : memref<10240x128xf32, #tpu.memory_space<hbm>>) dst(%dma_wait3A_319 : memref<40x128xf32, #tpu.memory_space<vmem>>)
      %dma_start3A_326 = arith.constant 4 : i32
      %dma_start3A_327 = arith.constant 0 : i32
      %dma_start3A_328 = arith.constant 0 : i32
      %dma_start3A_329 = tpu.memref_slice %arg7[%dma_start3A_326, %dma_start3A_327, %dma_start3A_328] : memref<5x40x128xf32, #tpu.memory_space<vmem>> -> memref<1x40x128xf32, #tpu.memory_space<vmem>>
      %dma_start3A_330 = tpu.memref_squeeze %dma_start3A_329 : memref<1x40x128xf32, #tpu.memory_space<vmem>> -> memref<40x128xf32, #tpu.memory_space<vmem>>
      %dma_start3A_331 = arith.constant 0 : i32
      %dma_start3A_332 = tpu.memref_slice %arg6[%add3A_313, %dma_start3A_331] : memref<250x40xi32, #tpu.memory_space<vmem>> -> memref<1x40xi32, #tpu.memory_space<vmem>>
      %dma_start3A_333 = tpu.memref_squeeze %dma_start3A_332 : memref<1x40xi32, #tpu.memory_space<vmem>> -> memref<40xi32, #tpu.memory_space<vmem>>
      %dma_start3A_334 = arith.constant 0 : i32
      %dma_start3A_335 = arith.constant 0 : i32
      %dma_start3A_336 = tpu.memref_slice %arg8[%dma_start3A_334, %dma_start3A_335] : memref<10240x128xf32, #tpu.memory_space<vmem_shared>> -> memref<10240x128xf32, #tpu.memory_space<vmem_shared>>
      tpu.enqueue_indirect_dma source(%dma_start3A_330 : memref<40x128xf32, #tpu.memory_space<vmem>>) target(%dma_start3A_336 : memref<10240x128xf32, #tpu.memory_space<vmem_shared>>) offsets(%dma_start3A_333 : memref<40xi32, #tpu.memory_space<vmem>>) semaphore(%arg18 : memref<!tpu.dma_semaphore, #tpu.memory_space<semaphore_mem>>) {add = true}
      %ge3A_337 = arith.constant 1 : i32
      %ge3A_338 = arith.cmpi sge, %add3A_313, %ge3A_337 : i32
      %convert_element_type3A_339 = arith.extui %ge3A_338 : i1 to i32
      %cond3A_340 = arith.constant 0 : i32
      %cond3A_341 = arith.cmpi ne, %convert_element_type3A_339, %cond3A_340 : i32
      scf.if %cond3A_341 {
        %dma_wait3A_350 = arith.constant 3 : i32
        %dma_wait3A_351 = arith.constant 0 : i32
        %dma_wait3A_352 = arith.constant 0 : i32
        %dma_wait3A_353 = arith.constant 0 : i32
        %dma_wait3A_354 = tpu.memref_slice %arg7[%dma_wait3A_350, %dma_wait3A_352, %dma_wait3A_353] : memref<5x40x128xf32, #tpu.memory_space<vmem>> -> memref<1x40x128xf32, #tpu.memory_space<vmem>>
        %dma_wait3A_355 = tpu.memref_squeeze %dma_wait3A_354 : memref<1x40x128xf32, #tpu.memory_space<vmem>> -> memref<40x128xf32, #tpu.memory_space<vmem>>
        %dma_wait3A_356 = arith.constant 0 : i32
        %dma_wait3A_357 = tpu.memref_slice %arg6[%dma_wait3A_351, %dma_wait3A_356] : memref<250x40xi32, #tpu.memory_space<vmem>> -> memref<1x40xi32, #tpu.memory_space<vmem>>
        %dma_wait3A_358 = tpu.memref_squeeze %dma_wait3A_357 : memref<1x40xi32, #tpu.memory_space<vmem>> -> memref<40xi32, #tpu.memory_space<vmem>>
        %dma_wait3A_359 = arith.constant 0 : i32
        %dma_wait3A_360 = arith.constant 0 : i32
        %dma_wait3A_361 = tpu.memref_slice %arg8[%dma_wait3A_359, %dma_wait3A_360] : memref<10240x128xf32, #tpu.memory_space<vmem_shared>> -> memref<10240x128xf32, #tpu.memory_space<vmem_shared>>
        tpu.wait_indirect_dma semaphore(%arg17 : memref<!tpu.dma_semaphore, #tpu.memory_space<semaphore_mem>>) src(%dma_wait3A_355 : memref<40x128xf32, #tpu.memory_space<vmem>>) dst(%dma_wait3A_361 : memref<10240x128xf32, #tpu.memory_space<vmem_shared>>)
      } else {
      }
      %add3A_342 = arith.constant 4 : i32
      %add3A_343 = arith.addi %add3A_313, %add3A_342 : i32
      %lt3A_344 = arith.constant 250 : i32
      %lt3A_345 = arith.cmpi slt, %add3A_343, %lt3A_344 : i32
      %convert_element_type3A_346 = arith.extui %lt3A_345 : i1 to i32
      %cond3A_347 = arith.constant 0 : i32
      %cond3A_348 = arith.cmpi ne, %convert_element_type3A_346, %cond3A_347 : i32
      scf.if %cond3A_348 {
        %add3A_350 = arith.constant 4 : i32
        %add3A_351 = arith.addi %add3A_313, %add3A_350 : i32
        %dma_start3A_352 = arith.constant 3 : i32
        %dma_start3A_353 = arith.constant 0 : i32
        %dma_start3A_354 = arith.constant 0 : i32
        %dma_start3A_355 = tpu.memref_slice %arg7[%dma_start3A_352, %dma_start3A_353, %dma_start3A_354] : memref<5x40x128xf32, #tpu.memory_space<vmem>> -> memref<1x40x128xf32, #tpu.memory_space<vmem>>
        %dma_start3A_356 = tpu.memref_squeeze %dma_start3A_355 : memref<1x40x128xf32, #tpu.memory_space<vmem>> -> memref<40x128xf32, #tpu.memory_space<vmem>>
        %dma_start3A_357 = arith.constant 0 : i32
        %dma_start3A_358 = tpu.memref_slice %arg5[%add3A_351, %dma_start3A_357] : memref<250x40xi32, #tpu.memory_space<vmem>> -> memref<1x40xi32, #tpu.memory_space<vmem>>
        %dma_start3A_359 = tpu.memref_squeeze %dma_start3A_358 : memref<1x40xi32, #tpu.memory_space<vmem>> -> memref<40xi32, #tpu.memory_space<vmem>>
        %dma_start3A_360 = arith.constant 0 : i32
        %dma_start3A_361 = arith.constant 0 : i32
        %dma_start3A_362 = tpu.memref_slice %arg2[%dma_start3A_360, %dma_start3A_361] : memref<10240x128xf32, #tpu.memory_space<hbm>> -> memref<10240x128xf32, #tpu.memory_space<hbm>>
        tpu.enqueue_indirect_dma source(%dma_start3A_362 : memref<10240x128xf32, #tpu.memory_space<hbm>>) target(%dma_start3A_356 : memref<40x128xf32, #tpu.memory_space<vmem>>) offsets(%dma_start3A_359 : memref<40xi32, #tpu.memory_space<vmem>>) semaphore(%arg12 : memref<!tpu.dma_semaphore, #tpu.memory_space<semaphore_mem>>)
      } else {
      }
      %scan3A_349 = arith.constant 0 : i32
      scf.yield %scan3A_349 : i32
    }
    %scan3A_147 = arith.constant 50 : i32
    %dma_wait3A = arith.constant 4 : i32
    %dma_wait3A_148 = arith.constant 0 : i32
    %dma_wait3A_149 = arith.constant 0 : i32
    %dma_wait3A_150 = arith.constant 0 : i32
    %dma_wait3A_151 = tpu.memref_slice %arg7[%dma_wait3A, %dma_wait3A_149, %dma_wait3A_150] : memref<5x40x128xf32, #tpu.memory_space<vmem>> -> memref<1x40x128xf32, #tpu.memory_space<vmem>>
    %dma_wait3A_152 = tpu.memref_squeeze %dma_wait3A_151 : memref<1x40x128xf32, #tpu.memory_space<vmem>> -> memref<40x128xf32, #tpu.memory_space<vmem>>
    %dma_wait3A_153 = arith.constant 0 : i32
    %dma_wait3A_154 = tpu.memref_slice %arg6[%dma_wait3A_148, %dma_wait3A_153] : memref<250x40xi32, #tpu.memory_space<vmem>> -> memref<1x40xi32, #tpu.memory_space<vmem>>
    %dma_wait3A_155 = tpu.memref_squeeze %dma_wait3A_154 : memref<1x40xi32, #tpu.memory_space<vmem>> -> memref<40xi32, #tpu.memory_space<vmem>>
    %dma_wait3A_156 = arith.constant 0 : i32
    %dma_wait3A_157 = arith.constant 0 : i32
    %dma_wait3A_158 = tpu.memref_slice %arg8[%dma_wait3A_156, %dma_wait3A_157] : memref<10240x128xf32, #tpu.memory_space<vmem_shared>> -> memref<10240x128xf32, #tpu.memory_space<vmem_shared>>
    tpu.wait_indirect_dma semaphore(%arg18 : memref<!tpu.dma_semaphore, #tpu.memory_space<semaphore_mem>>) src(%dma_wait3A_152 : memref<40x128xf32, #tpu.memory_space<vmem>>) dst(%dma_wait3A_158 : memref<10240x128xf32, #tpu.memory_space<vmem_shared>>)
    %barrier3A_159 = arith.constant 0 : index
    tpu.barrier barrier_id(%barrier3A_159)
    %mul3A_160 = arith.constant 640 : i32
    %mul3A_161 = arith.muli %arg1, %mul3A_160 : i32
    %mul3A_162 = arith.constant 640 : i32
    %mul3A_163 = arith.muli %arg1, %mul3A_162 : i32
    "tpu.region"() ({
      %run_scoped3A_164 = tpu.sem_alloc : memref<!tpu.dma_semaphore, #tpu.memory_space<semaphore_mem>>
      %dma_start3A_165 = arith.constant 0 : i32
      %dma_start3A_166 = tpu.memref_slice %arg4[%arg0, %mul3A_163, %dma_start3A_165] : memref<2x10240x128xf32, #tpu.memory_space<hbm>> -> memref<1x640x128xf32, #tpu.memory_space<hbm>>
      %dma_start3A_167 = tpu.memref_squeeze %dma_start3A_166 : memref<1x640x128xf32, #tpu.memory_space<hbm>> -> memref<640x128xf32, #tpu.memory_space<hbm>>
      %dma_start3A_168 = arith.constant 0 : i32
      %dma_start3A_169 = tpu.memref_slice %arg8[%mul3A_161, %dma_start3A_168] : memref<10240x128xf32, #tpu.memory_space<vmem_shared>> -> memref<640x128xf32, #tpu.memory_space<vmem_shared>>
      tpu.enqueue_dma source(%dma_start3A_169 : memref<640x128xf32, #tpu.memory_space<vmem_shared>>) target(%dma_start3A_167 : memref<640x128xf32, #tpu.memory_space<hbm>>) target_semaphore(%run_scoped3A_164 : memref<!tpu.dma_semaphore, #tpu.memory_space<semaphore_mem>>)
      %dma_wait3A_170 = arith.constant 0 : i32
      %dma_wait3A_171 = tpu.memref_slice %arg4[%arg0, %mul3A_163, %dma_wait3A_170] : memref<2x10240x128xf32, #tpu.memory_space<hbm>> -> memref<1x640x128xf32, #tpu.memory_space<hbm>>
      %dma_wait3A_172 = tpu.memref_squeeze %dma_wait3A_171 : memref<1x640x128xf32, #tpu.memory_space<hbm>> -> memref<640x128xf32, #tpu.memory_space<hbm>>
      %dma_wait3A_173 = arith.constant 0 : i32
      %dma_wait3A_174 = tpu.memref_slice %arg8[%mul3A_161, %dma_wait3A_173] : memref<10240x128xf32, #tpu.memory_space<vmem_shared>> -> memref<640x128xf32, #tpu.memory_space<vmem_shared>>
      tpu.wait_dma2 semaphore(%run_scoped3A_164 : memref<!tpu.dma_semaphore, #tpu.memory_space<semaphore_mem>>) src(%dma_wait3A_174 : memref<640x128xf32, #tpu.memory_space<vmem_shared>>) dst(%dma_wait3A_172 : memref<640x128xf32, #tpu.memory_space<hbm>>)
      tpu.yield
    }) : () -> ()
    return
  }
}

#map = affine_map<(d0, d1) -> (0, 0, 0)>
module attributes {stable_mosaic.version = 14 : i64} {
  func.func @_deg_kernel(%arg0: i32, %arg1: i32, %arg2: memref<2x4000x80xi32, #tpu.memory_space<hbm>>, %arg3: memref<2x2x10240xf32, #tpu.memory_space<hbm>>, %arg4: memref<125x80xi32, #tpu.memory_space<vmem>>, %arg5: memref<125x80xi32, #tpu.memory_space<vmem>>, %arg6: memref<80xf32, #tpu.memory_space<vmem>>, %arg7: memref<640xf32, #tpu.memory_space<vmem>>, %arg8: memref<10240xf32, #tpu.memory_space<vmem_shared>>, %arg9: memref<10240xf32, #tpu.memory_space<vmem_shared>>, %arg10: memref<!tpu.dma_semaphore, #tpu.memory_space<semaphore_mem>>, %arg11: memref<!tpu.dma_semaphore, #tpu.memory_space<semaphore_mem>>) attributes {dimension_semantics = [#tpu.dimension_semantics<core_parallel>, #tpu.dimension_semantics<subcore_parallel>], iteration_bounds = array<i64: 2, 16>, scalar_prefetch = 0 : i64, scratch_operands = 8 : i64, tpu.core_type = #tpu.core_type<sc_vector_subcore>, window_params = [{transform_indices = #map}, {transform_indices = #map}]} {
    %mul3A = arith.constant 16 : i32
    %mul3A_0 = arith.muli %arg0, %mul3A : i32
    %add3A = arith.addi %mul3A_0, %arg1 : i32
    %mul3A_1 = arith.constant 125 : i32
    %mul3A_2 = arith.muli %add3A, %mul3A_1 : i32
    %run_scoped3A = arith.constant 0 : i32
    "tpu.region"() ({
      %run_scoped3A_63 = tpu.sem_alloc : memref<!tpu.dma_semaphore, #tpu.memory_space<semaphore_mem>>
      %dma_start3A = arith.constant 0 : i32
      %dma_start3A_64 = tpu.memref_slice %arg2[%run_scoped3A, %mul3A_2, %dma_start3A] : memref<2x4000x80xi32, #tpu.memory_space<hbm>> -> memref<1x125x80xi32, #tpu.memory_space<hbm>>
      %dma_start3A_65 = tpu.memref_squeeze %dma_start3A_64 : memref<1x125x80xi32, #tpu.memory_space<hbm>> -> memref<125x80xi32, #tpu.memory_space<hbm>>
      %dma_start3A_66 = arith.constant 0 : i32
      %dma_start3A_67 = tpu.memref_slice %arg2[%run_scoped3A, %mul3A_2, %dma_start3A_66] : memref<2x4000x80xi32, #tpu.memory_space<hbm>> -> memref<1x125x80xi32, #tpu.memory_space<hbm>>
      %dma_start3A_68 = tpu.memref_squeeze %dma_start3A_67 : memref<1x125x80xi32, #tpu.memory_space<hbm>> -> memref<125x80xi32, #tpu.memory_space<hbm>>
      tpu.enqueue_dma source(%dma_start3A_68 : memref<125x80xi32, #tpu.memory_space<hbm>>) target(%arg4 : memref<125x80xi32, #tpu.memory_space<vmem>>) target_semaphore(%run_scoped3A_63 : memref<!tpu.dma_semaphore, #tpu.memory_space<semaphore_mem>>)
      %dma_wait3A = arith.constant 0 : i32
      %dma_wait3A_69 = tpu.memref_slice %arg2[%run_scoped3A, %mul3A_2, %dma_wait3A] : memref<2x4000x80xi32, #tpu.memory_space<hbm>> -> memref<1x125x80xi32, #tpu.memory_space<hbm>>
      %dma_wait3A_70 = tpu.memref_squeeze %dma_wait3A_69 : memref<1x125x80xi32, #tpu.memory_space<hbm>> -> memref<125x80xi32, #tpu.memory_space<hbm>>
      %dma_wait3A_71 = arith.constant 0 : i32
      %dma_wait3A_72 = tpu.memref_slice %arg2[%run_scoped3A, %mul3A_2, %dma_wait3A_71] : memref<2x4000x80xi32, #tpu.memory_space<hbm>> -> memref<1x125x80xi32, #tpu.memory_space<hbm>>
      %dma_wait3A_73 = tpu.memref_squeeze %dma_wait3A_72 : memref<1x125x80xi32, #tpu.memory_space<hbm>> -> memref<125x80xi32, #tpu.memory_space<hbm>>
      tpu.wait_dma2 semaphore(%run_scoped3A_63 : memref<!tpu.dma_semaphore, #tpu.memory_space<semaphore_mem>>) src(%dma_wait3A_73 : memref<125x80xi32, #tpu.memory_space<hbm>>) dst(%arg4 : memref<125x80xi32, #tpu.memory_space<vmem>>)
      tpu.yield
    }) : () -> ()
    %mul3A_3 = arith.constant 125 : i32
    %mul3A_4 = arith.muli %add3A, %mul3A_3 : i32
    %run_scoped3A_5 = arith.constant 1 : i32
    "tpu.region"() ({
      %run_scoped3A_63 = tpu.sem_alloc : memref<!tpu.dma_semaphore, #tpu.memory_space<semaphore_mem>>
      %dma_start3A = arith.constant 0 : i32
      %dma_start3A_64 = tpu.memref_slice %arg2[%run_scoped3A_5, %mul3A_4, %dma_start3A] : memref<2x4000x80xi32, #tpu.memory_space<hbm>> -> memref<1x125x80xi32, #tpu.memory_space<hbm>>
      %dma_start3A_65 = tpu.memref_squeeze %dma_start3A_64 : memref<1x125x80xi32, #tpu.memory_space<hbm>> -> memref<125x80xi32, #tpu.memory_space<hbm>>
      %dma_start3A_66 = arith.constant 0 : i32
      %dma_start3A_67 = tpu.memref_slice %arg2[%run_scoped3A_5, %mul3A_4, %dma_start3A_66] : memref<2x4000x80xi32, #tpu.memory_space<hbm>> -> memref<1x125x80xi32, #tpu.memory_space<hbm>>
      %dma_start3A_68 = tpu.memref_squeeze %dma_start3A_67 : memref<1x125x80xi32, #tpu.memory_space<hbm>> -> memref<125x80xi32, #tpu.memory_space<hbm>>
      tpu.enqueue_dma source(%dma_start3A_68 : memref<125x80xi32, #tpu.memory_space<hbm>>) target(%arg5 : memref<125x80xi32, #tpu.memory_space<vmem>>) target_semaphore(%run_scoped3A_63 : memref<!tpu.dma_semaphore, #tpu.memory_space<semaphore_mem>>)
      %dma_wait3A = arith.constant 0 : i32
      %dma_wait3A_69 = tpu.memref_slice %arg2[%run_scoped3A_5, %mul3A_4, %dma_wait3A] : memref<2x4000x80xi32, #tpu.memory_space<hbm>> -> memref<1x125x80xi32, #tpu.memory_space<hbm>>
      %dma_wait3A_70 = tpu.memref_squeeze %dma_wait3A_69 : memref<1x125x80xi32, #tpu.memory_space<hbm>> -> memref<125x80xi32, #tpu.memory_space<hbm>>
      %dma_wait3A_71 = arith.constant 0 : i32
      %dma_wait3A_72 = tpu.memref_slice %arg2[%run_scoped3A_5, %mul3A_4, %dma_wait3A_71] : memref<2x4000x80xi32, #tpu.memory_space<hbm>> -> memref<1x125x80xi32, #tpu.memory_space<hbm>>
      %dma_wait3A_73 = tpu.memref_squeeze %dma_wait3A_72 : memref<1x125x80xi32, #tpu.memory_space<hbm>> -> memref<125x80xi32, #tpu.memory_space<hbm>>
      tpu.wait_dma2 semaphore(%run_scoped3A_63 : memref<!tpu.dma_semaphore, #tpu.memory_space<semaphore_mem>>) src(%dma_wait3A_73 : memref<125x80xi32, #tpu.memory_space<hbm>>) dst(%arg5 : memref<125x80xi32, #tpu.memory_space<vmem>>)
      tpu.yield
    }) : () -> ()
    %broadcast_in_dim3A = arith.constant 1.000000e+00 : f32
    %broadcast_in_dim3A_6 = vector.broadcast %broadcast_in_dim3A : f32 to vector<16xf32>
    %broadcast_in_dim3A_7 = arith.constant 0.000000e+00 : f32
    %broadcast_in_dim3A_8 = vector.broadcast %broadcast_in_dim3A_7 : f32 to vector<16xf32>
    %swap3A = arith.constant 0 : index
    %swap3A_9 = tpu.vector_load %arg6[%swap3A] {strides = array<i32>} : memref<80xf32, #tpu.memory_space<vmem>>, vector<16xf32>,
    %swap3A_10 = vector.shape_cast %swap3A_9 : vector<16xf32> to vector<16xf32>
    %swap3A_11 = vector.shape_cast %broadcast_in_dim3A_6 : vector<16xf32> to vector<16xf32>
    tpu.vector_store %arg6[%swap3A], %swap3A_11 {strides = array<i32>} : memref<80xf32, #tpu.memory_space<vmem>>, vector<16xf32>,
    %swap3A_12 = arith.constant 16 : index
    %swap3A_13 = tpu.vector_load %arg6[%swap3A_12] {strides = array<i32>} : memref<80xf32, #tpu.memory_space<vmem>>, vector<16xf32>,
    %swap3A_14 = vector.shape_cast %swap3A_13 : vector<16xf32> to vector<16xf32>
    %swap3A_15 = vector.shape_cast %broadcast_in_dim3A_6 : vector<16xf32> to vector<16xf32>
    tpu.vector_store %arg6[%swap3A_12], %swap3A_15 {strides = array<i32>} : memref<80xf32, #tpu.memory_space<vmem>>, vector<16xf32>,
    %swap3A_16 = arith.constant 32 : index
    %swap3A_17 = tpu.vector_load %arg6[%swap3A_16] {strides = array<i32>} : memref<80xf32, #tpu.memory_space<vmem>>, vector<16xf32>,
    %swap3A_18 = vector.shape_cast %swap3A_17 : vector<16xf32> to vector<16xf32>
    %swap3A_19 = vector.shape_cast %broadcast_in_dim3A_6 : vector<16xf32> to vector<16xf32>
    tpu.vector_store %arg6[%swap3A_16], %swap3A_19 {strides = array<i32>} : memref<80xf32, #tpu.memory_space<vmem>>, vector<16xf32>,
    %swap3A_20 = arith.constant 48 : index
    %swap3A_21 = tpu.vector_load %arg6[%swap3A_20] {strides = array<i32>} : memref<80xf32, #tpu.memory_space<vmem>>, vector<16xf32>,
    %swap3A_22 = vector.shape_cast %swap3A_21 : vector<16xf32> to vector<16xf32>
    %swap3A_23 = vector.shape_cast %broadcast_in_dim3A_6 : vector<16xf32> to vector<16xf32>
    tpu.vector_store %arg6[%swap3A_20], %swap3A_23 {strides = array<i32>} : memref<80xf32, #tpu.memory_space<vmem>>, vector<16xf32>,
    %swap3A_24 = arith.constant 64 : index
    %swap3A_25 = tpu.vector_load %arg6[%swap3A_24] {strides = array<i32>} : memref<80xf32, #tpu.memory_space<vmem>>, vector<16xf32>,
    %swap3A_26 = vector.shape_cast %swap3A_25 : vector<16xf32> to vector<16xf32>
    %swap3A_27 = vector.shape_cast %broadcast_in_dim3A_6 : vector<16xf32> to vector<16xf32>
    tpu.vector_store %arg6[%swap3A_24], %swap3A_27 {strides = array<i32>} : memref<80xf32, #tpu.memory_space<vmem>>, vector<16xf32>,
    %scan3A = arith.constant 0 : i32
    %scan3A_28 = arith.constant 0 : i32
    %scan3A_29 = arith.constant 40 : i32
    %scan3A_30 = arith.addi %scan3A_28, %scan3A_29 : i32
    %scan3A_31 = arith.constant 1 : i32
    %scan3A_32 = scf.for %scan3A_63 = %scan3A_28 to %scan3A_30 step %scan3A_31 iter_args(%scan3A_64 = %scan3A) -> (i32)  : i32 {
      %mul3A_65 = arith.constant 16 : i32
      %mul3A_66 = arith.muli %mul3A_65, %scan3A_63 : i32
      %swap3A_67 = arith.index_cast %mul3A_66 : i32 to index
      %swap3A_68 = tpu.vector_load %arg7[%swap3A_67] {strides = array<i32>} : memref<640xf32, #tpu.memory_space<vmem>>, vector<16xf32>,
      %swap3A_69 = vector.shape_cast %swap3A_68 : vector<16xf32> to vector<16xf32>
      %swap3A_70 = vector.shape_cast %broadcast_in_dim3A_8 : vector<16xf32> to vector<16xf32>
      tpu.vector_store %arg7[%swap3A_67], %swap3A_70 {strides = array<i32>} : memref<640xf32, #tpu.memory_space<vmem>>, vector<16xf32>,
      %scan3A_71 = arith.constant 0 : i32
      scf.yield %scan3A_71 : i32
    }
    %scan3A_33 = arith.constant 40 : i32
    %mul3A_34 = arith.constant 640 : i32
    %mul3A_35 = arith.muli %arg1, %mul3A_34 : i32
    "tpu.region"() ({
      %run_scoped3A_63 = tpu.sem_alloc : memref<!tpu.dma_semaphore, #tpu.memory_space<semaphore_mem>>
      %dma_start3A = tpu.memref_slice %arg8[%mul3A_35] : memref<10240xf32, #tpu.memory_space<vmem_shared>> -> memref<640xf32, #tpu.memory_space<vmem_shared>>
      %dma_start3A_64 = tpu.memref_slice %arg8[%mul3A_35] : memref<10240xf32, #tpu.memory_space<vmem_shared>> -> memref<640xf32, #tpu.memory_space<vmem_shared>>
      tpu.enqueue_dma source(%arg7 : memref<640xf32, #tpu.memory_space<vmem>>) target(%dma_start3A_64 : memref<640xf32, #tpu.memory_space<vmem_shared>>) target_semaphore(%run_scoped3A_63 : memref<!tpu.dma_semaphore, #tpu.memory_space<semaphore_mem>>)
      %dma_wait3A = tpu.memref_slice %arg8[%mul3A_35] : memref<10240xf32, #tpu.memory_space<vmem_shared>> -> memref<640xf32, #tpu.memory_space<vmem_shared>>
      %dma_wait3A_65 = tpu.memref_slice %arg8[%mul3A_35] : memref<10240xf32, #tpu.memory_space<vmem_shared>> -> memref<640xf32, #tpu.memory_space<vmem_shared>>
      tpu.wait_dma2 semaphore(%run_scoped3A_63 : memref<!tpu.dma_semaphore, #tpu.memory_space<semaphore_mem>>) src(%arg7 : memref<640xf32, #tpu.memory_space<vmem>>) dst(%dma_wait3A_65 : memref<640xf32, #tpu.memory_space<vmem_shared>>)
      tpu.yield
    }) : () -> ()
    %mul3A_36 = arith.constant 640 : i32
    %mul3A_37 = arith.muli %arg1, %mul3A_36 : i32
    "tpu.region"() ({
      %run_scoped3A_63 = tpu.sem_alloc : memref<!tpu.dma_semaphore, #tpu.memory_space<semaphore_mem>>
      %dma_start3A = tpu.memref_slice %arg9[%mul3A_37] : memref<10240xf32, #tpu.memory_space<vmem_shared>> -> memref<640xf32, #tpu.memory_space<vmem_shared>>
      %dma_start3A_64 = tpu.memref_slice %arg9[%mul3A_37] : memref<10240xf32, #tpu.memory_space<vmem_shared>> -> memref<640xf32, #tpu.memory_space<vmem_shared>>
      tpu.enqueue_dma source(%arg7 : memref<640xf32, #tpu.memory_space<vmem>>) target(%dma_start3A_64 : memref<640xf32, #tpu.memory_space<vmem_shared>>) target_semaphore(%run_scoped3A_63 : memref<!tpu.dma_semaphore, #tpu.memory_space<semaphore_mem>>)
      %dma_wait3A = tpu.memref_slice %arg9[%mul3A_37] : memref<10240xf32, #tpu.memory_space<vmem_shared>> -> memref<640xf32, #tpu.memory_space<vmem_shared>>
      %dma_wait3A_65 = tpu.memref_slice %arg9[%mul3A_37] : memref<10240xf32, #tpu.memory_space<vmem_shared>> -> memref<640xf32, #tpu.memory_space<vmem_shared>>
      tpu.wait_dma2 semaphore(%run_scoped3A_63 : memref<!tpu.dma_semaphore, #tpu.memory_space<semaphore_mem>>) src(%arg7 : memref<640xf32, #tpu.memory_space<vmem>>) dst(%dma_wait3A_65 : memref<640xf32, #tpu.memory_space<vmem_shared>>)
      tpu.yield
    }) : () -> ()
    %barrier3A = arith.constant 0 : index
    tpu.barrier barrier_id(%barrier3A)
    %scan3A_38 = arith.constant 0 : i32
    %scan3A_39 = arith.constant 0 : i32
    %scan3A_40 = arith.constant 125 : i32
    %scan3A_41 = arith.addi %scan3A_39, %scan3A_40 : i32
    %scan3A_42 = arith.constant 1 : i32
    %scan3A_43 = scf.for %scan3A_63 = %scan3A_39 to %scan3A_41 step %scan3A_42 iter_args(%scan3A_64 = %scan3A_38) -> (i32)  : i32 {
      %dma_start3A = arith.constant 0 : i32
      %dma_start3A_65 = tpu.memref_slice %arg4[%scan3A_63, %dma_start3A] : memref<125x80xi32, #tpu.memory_space<vmem>> -> memref<1x80xi32, #tpu.memory_space<vmem>>
      %dma_start3A_66 = tpu.memref_squeeze %dma_start3A_65 : memref<1x80xi32, #tpu.memory_space<vmem>> -> memref<80xi32, #tpu.memory_space<vmem>>
      %dma_start3A_67 = arith.constant 0 : i32
      %dma_start3A_68 = tpu.memref_slice %arg8[%dma_start3A_67] : memref<10240xf32, #tpu.memory_space<vmem_shared>> -> memref<10240xf32, #tpu.memory_space<vmem_shared>>
      tpu.enqueue_indirect_dma source(%arg6 : memref<80xf32, #tpu.memory_space<vmem>>) target(%dma_start3A_68 : memref<10240xf32, #tpu.memory_space<vmem_shared>>) offsets(%dma_start3A_66 : memref<80xi32, #tpu.memory_space<vmem>>) semaphore(%arg10 : memref<!tpu.dma_semaphore, #tpu.memory_space<semaphore_mem>>) {add = true}
      %dma_start3A_69 = arith.constant 0 : i32
      %dma_start3A_70 = tpu.memref_slice %arg5[%scan3A_63, %dma_start3A_69] : memref<125x80xi32, #tpu.memory_space<vmem>> -> memref<1x80xi32, #tpu.memory_space<vmem>>
      %dma_start3A_71 = tpu.memref_squeeze %dma_start3A_70 : memref<1x80xi32, #tpu.memory_space<vmem>> -> memref<80xi32, #tpu.memory_space<vmem>>
      %dma_start3A_72 = arith.constant 0 : i32
      %dma_start3A_73 = tpu.memref_slice %arg9[%dma_start3A_72] : memref<10240xf32, #tpu.memory_space<vmem_shared>> -> memref<10240xf32, #tpu.memory_space<vmem_shared>>
      tpu.enqueue_indirect_dma source(%arg6 : memref<80xf32, #tpu.memory_space<vmem>>) target(%dma_start3A_73 : memref<10240xf32, #tpu.memory_space<vmem_shared>>) offsets(%dma_start3A_71 : memref<80xi32, #tpu.memory_space<vmem>>) semaphore(%arg11 : memref<!tpu.dma_semaphore, #tpu.memory_space<semaphore_mem>>) {add = true}
      %scan3A_74 = arith.constant 0 : i32
      scf.yield %scan3A_74 : i32
    }
    %scan3A_44 = arith.constant 125 : i32
    %scan3A_45 = arith.constant 0 : i32
    %scan3A_46 = arith.constant 0 : i32
    %scan3A_47 = arith.constant 125 : i32
    %scan3A_48 = arith.addi %scan3A_46, %scan3A_47 : i32
    %scan3A_49 = arith.constant 1 : i32
    %scan3A_50 = scf.for %scan3A_63 = %scan3A_46 to %scan3A_48 step %scan3A_49 iter_args(%scan3A_64 = %scan3A_45) -> (i32)  : i32 {
      %dma_wait3A = arith.constant 0 : i32
      %dma_wait3A_65 = arith.constant 0 : i32
      %dma_wait3A_66 = tpu.memref_slice %arg4[%dma_wait3A, %dma_wait3A_65] : memref<125x80xi32, #tpu.memory_space<vmem>> -> memref<1x80xi32, #tpu.memory_space<vmem>>
      %dma_wait3A_67 = tpu.memref_squeeze %dma_wait3A_66 : memref<1x80xi32, #tpu.memory_space<vmem>> -> memref<80xi32, #tpu.memory_space<vmem>>
      %dma_wait3A_68 = arith.constant 0 : i32
      %dma_wait3A_69 = tpu.memref_slice %arg8[%dma_wait3A_68] : memref<10240xf32, #tpu.memory_space<vmem_shared>> -> memref<10240xf32, #tpu.memory_space<vmem_shared>>
      tpu.wait_indirect_dma semaphore(%arg10 : memref<!tpu.dma_semaphore, #tpu.memory_space<semaphore_mem>>) src(%arg6 : memref<80xf32, #tpu.memory_space<vmem>>) dst(%dma_wait3A_69 : memref<10240xf32, #tpu.memory_space<vmem_shared>>)
      %dma_wait3A_70 = arith.constant 0 : i32
      %dma_wait3A_71 = arith.constant 0 : i32
      %dma_wait3A_72 = tpu.memref_slice %arg5[%dma_wait3A_70, %dma_wait3A_71] : memref<125x80xi32, #tpu.memory_space<vmem>> -> memref<1x80xi32, #tpu.memory_space<vmem>>
      %dma_wait3A_73 = tpu.memref_squeeze %dma_wait3A_72 : memref<1x80xi32, #tpu.memory_space<vmem>> -> memref<80xi32, #tpu.memory_space<vmem>>
      %dma_wait3A_74 = arith.constant 0 : i32
      %dma_wait3A_75 = tpu.memref_slice %arg9[%dma_wait3A_74] : memref<10240xf32, #tpu.memory_space<vmem_shared>> -> memref<10240xf32, #tpu.memory_space<vmem_shared>>
      tpu.wait_indirect_dma semaphore(%arg11 : memref<!tpu.dma_semaphore, #tpu.memory_space<semaphore_mem>>) src(%arg6 : memref<80xf32, #tpu.memory_space<vmem>>) dst(%dma_wait3A_75 : memref<10240xf32, #tpu.memory_space<vmem_shared>>)
      %scan3A_76 = arith.constant 0 : i32
      scf.yield %scan3A_76 : i32
    }
    %scan3A_51 = arith.constant 125 : i32
    %barrier3A_52 = arith.constant 0 : index
    tpu.barrier barrier_id(%barrier3A_52)
    %mul3A_53 = arith.constant 640 : i32
    %mul3A_54 = arith.muli %arg1, %mul3A_53 : i32
    %mul3A_55 = arith.constant 640 : i32
    %mul3A_56 = arith.muli %arg1, %mul3A_55 : i32
    %run_scoped3A_57 = arith.constant 0 : i32
    "tpu.region"() ({
      %run_scoped3A_63 = tpu.sem_alloc : memref<!tpu.dma_semaphore, #tpu.memory_space<semaphore_mem>>
      %dma_start3A = tpu.memref_slice %arg3[%arg0, %run_scoped3A_57, %mul3A_56] : memref<2x2x10240xf32, #tpu.memory_space<hbm>> -> memref<1x1x640xf32, #tpu.memory_space<hbm>>
      %dma_start3A_64 = tpu.memref_squeeze %dma_start3A : memref<1x1x640xf32, #tpu.memory_space<hbm>> -> memref<640xf32, #tpu.memory_space<hbm>>
      %dma_start3A_65 = tpu.memref_slice %arg8[%mul3A_54] : memref<10240xf32, #tpu.memory_space<vmem_shared>> -> memref<640xf32, #tpu.memory_space<vmem_shared>>
      tpu.enqueue_dma source(%dma_start3A_65 : memref<640xf32, #tpu.memory_space<vmem_shared>>) target(%dma_start3A_64 : memref<640xf32, #tpu.memory_space<hbm>>) target_semaphore(%run_scoped3A_63 : memref<!tpu.dma_semaphore, #tpu.memory_space<semaphore_mem>>)
      %dma_wait3A = tpu.memref_slice %arg3[%arg0, %run_scoped3A_57, %mul3A_56] : memref<2x2x10240xf32, #tpu.memory_space<hbm>> -> memref<1x1x640xf32, #tpu.memory_space<hbm>>
      %dma_wait3A_66 = tpu.memref_squeeze %dma_wait3A : memref<1x1x640xf32, #tpu.memory_space<hbm>> -> memref<640xf32, #tpu.memory_space<hbm>>
      %dma_wait3A_67 = tpu.memref_slice %arg8[%mul3A_54] : memref<10240xf32, #tpu.memory_space<vmem_shared>> -> memref<640xf32, #tpu.memory_space<vmem_shared>>
      tpu.wait_dma2 semaphore(%run_scoped3A_63 : memref<!tpu.dma_semaphore, #tpu.memory_space<semaphore_mem>>) src(%dma_wait3A_67 : memref<640xf32, #tpu.memory_space<vmem_shared>>) dst(%dma_wait3A_66 : memref<640xf32, #tpu.memory_space<hbm>>)
      tpu.yield
    }) : () -> ()
    %mul3A_58 = arith.constant 640 : i32
    %mul3A_59 = arith.muli %arg1, %mul3A_58 : i32
    %mul3A_60 = arith.constant 640 : i32
    %mul3A_61 = arith.muli %arg1, %mul3A_60 : i32
    %run_scoped3A_62 = arith.constant 1 : i32
    "tpu.region"() ({
      %run_scoped3A_63 = tpu.sem_alloc : memref<!tpu.dma_semaphore, #tpu.memory_space<semaphore_mem>>
      %dma_start3A = tpu.memref_slice %arg3[%arg0, %run_scoped3A_62, %mul3A_61] : memref<2x2x10240xf32, #tpu.memory_space<hbm>> -> memref<1x1x640xf32, #tpu.memory_space<hbm>>
      %dma_start3A_64 = tpu.memref_squeeze %dma_start3A : memref<1x1x640xf32, #tpu.memory_space<hbm>> -> memref<640xf32, #tpu.memory_space<hbm>>
      %dma_start3A_65 = tpu.memref_slice %arg9[%mul3A_59] : memref<10240xf32, #tpu.memory_space<vmem_shared>> -> memref<640xf32, #tpu.memory_space<vmem_shared>>
      tpu.enqueue_dma source(%dma_start3A_65 : memref<640xf32, #tpu.memory_space<vmem_shared>>) target(%dma_start3A_64 : memref<640xf32, #tpu.memory_space<hbm>>) target_semaphore(%run_scoped3A_63 : memref<!tpu.dma_semaphore, #tpu.memory_space<semaphore_mem>>)
      %dma_wait3A = tpu.memref_slice %arg3[%arg0, %run_scoped3A_62, %mul3A_61] : memref<2x2x10240xf32, #tpu.memory_space<hbm>> -> memref<1x1x640xf32, #tpu.memory_space<hbm>>
      %dma_wait3A_66 = tpu.memref_squeeze %dma_wait3A : memref<1x1x640xf32, #tpu.memory_space<hbm>> -> memref<640xf32, #tpu.memory_space<hbm>>
      %dma_wait3A_67 = tpu.memref_slice %arg9[%mul3A_59] : memref<10240xf32, #tpu.memory_space<vmem_shared>> -> memref<640xf32, #tpu.memory_space<vmem_shared>>
      tpu.wait_dma2 semaphore(%run_scoped3A_63 : memref<!tpu.dma_semaphore, #tpu.memory_space<semaphore_mem>>) src(%dma_wait3A_67 : memref<640xf32, #tpu.memory_space<vmem_shared>>) dst(%dma_wait3A_66 : memref<640xf32, #tpu.memory_space<hbm>>)
      tpu.yield
    }) : () -> ()
    return
  }
}

module attributes {stable_mosaic.version = 14 : i64} {
  func.func @_scale_body(%arg0: i32, %arg1: memref<2x2x1024x1xf32, #tpu.memory_space<vmem>>, %arg2: memref<1024x128xf32, #tpu.memory_space<vmem>>, %arg3: memref<1024x128xf32, #tpu.memory_space<vmem>>, %arg4: memref<1024x1xf32, #tpu.memory_space<vmem>>) attributes {dimension_semantics = [#tpu.dimension_semantics<arbitrary>], iteration_bounds = array<i64: 10>, scalar_prefetch = 0 : i64, scratch_operands = 0 : i64, tpu.core_type = #tpu.core_type<tc>, window_params = [{transform_indices = @transform_0, window_bounds = array<i64: 2, 2, 1024, 1>}, {transform_indices = @transform_1, window_bounds = array<i64: 1024, 128>}, {transform_indices = @transform_2, window_bounds = array<i64: 1024, 128>}, {transform_indices = @transform_3, window_bounds = array<i64: 1024, 1>}]} {
    %get3A = arith.constant 0 : index
    %get3A_0 = arith.constant 0 : index
    %get3A_1 = arith.constant 0 : index
    %get3A_2 = arith.constant 0 : index
    %get3A_3 = vector.load %arg1[%get3A, %get3A_0, %get3A_1, %get3A_2] : memref<2x2x1024x1xf32, #tpu.memory_space<vmem>>, vector<1x1x1024x1xf32>
    %get3A_4 = vector.shape_cast %get3A_3 : vector<1x1x1024x1xf32> to vector<1024x1xf32>
    %get3A_5 = arith.constant 1 : index
    %get3A_6 = arith.constant 0 : index
    %get3A_7 = arith.constant 0 : index
    %get3A_8 = arith.constant 0 : index
    %get3A_9 = vector.load %arg1[%get3A_5, %get3A_6, %get3A_7, %get3A_8] : memref<2x2x1024x1xf32, #tpu.memory_space<vmem>>, vector<1x1x1024x1xf32>
    %get3A_10 = vector.shape_cast %get3A_9 : vector<1x1x1024x1xf32> to vector<1024x1xf32>
    %add3A = arith.addf %get3A_4, %get3A_10 : vector<1024x1xf32>
    %get3A_11 = arith.constant 0 : index
    %get3A_12 = arith.constant 1 : index
    %get3A_13 = arith.constant 0 : index
    %get3A_14 = arith.constant 0 : index
    %get3A_15 = vector.load %arg1[%get3A_11, %get3A_12, %get3A_13, %get3A_14] : memref<2x2x1024x1xf32, #tpu.memory_space<vmem>>, vector<1x1x1024x1xf32>
    %get3A_16 = vector.shape_cast %get3A_15 : vector<1x1x1024x1xf32> to vector<1024x1xf32>
    %get3A_17 = arith.constant 1 : index
    %get3A_18 = arith.constant 1 : index
    %get3A_19 = arith.constant 0 : index
    %get3A_20 = arith.constant 0 : index
    %get3A_21 = vector.load %arg1[%get3A_17, %get3A_18, %get3A_19, %get3A_20] : memref<2x2x1024x1xf32, #tpu.memory_space<vmem>>, vector<1x1x1024x1xf32>
    %get3A_22 = vector.shape_cast %get3A_21 : vector<1x1x1024x1xf32> to vector<1024x1xf32>
    %add3A_23 = arith.addf %get3A_16, %get3A_22 : vector<1024x1xf32>
    %max3A = arith.constant 1.000000e+00 : f32
    %max3A_24 = vector.broadcast %max3A : f32 to vector<1024x1xf32>
    %max3A_25 = arith.maximumf %add3A, %max3A_24 : vector<1024x1xf32>
    %rsqrt3A = math.rsqrt %max3A_25 : vector<1024x1xf32>
    %get3A_26 = arith.constant 0 : index
    %get3A_27 = arith.constant 0 : index
    %get3A_28 = vector.load %arg2[%get3A_26, %get3A_27] : memref<1024x128xf32, #tpu.memory_space<vmem>>, vector<1024x128xf32>
    %mul3A = vector.broadcast %rsqrt3A : vector<1024x1xf32> to vector<1024x128xf32>
    %mul3A_29 = arith.mulf %get3A_28, %mul3A : vector<1024x128xf32>
    %swap3A = arith.constant 0 : index
    %swap3A_30 = arith.constant 0 : index
    %swap3A_31 = vector.load %arg3[%swap3A, %swap3A_30] : memref<1024x128xf32, #tpu.memory_space<vmem>>, vector<1024x128xf32>
    tpu.vector_store %arg3[%swap3A, %swap3A_30], %mul3A_29 {strides = array<i32>} : memref<1024x128xf32, #tpu.memory_space<vmem>>, vector<1024x128xf32>,
    %max3A_32 = arith.constant 1.000000e+00 : f32
    %max3A_33 = vector.broadcast %max3A_32 : f32 to vector<1024x1xf32>
    %max3A_34 = arith.maximumf %add3A_23, %max3A_33 : vector<1024x1xf32>
    %rsqrt3A_35 = math.rsqrt %max3A_34 : vector<1024x1xf32>
    %swap3A_36 = arith.constant 0 : index
    %swap3A_37 = arith.constant 0 : index
    %swap3A_38 = vector.load %arg4[%swap3A_36, %swap3A_37] : memref<1024x1xf32, #tpu.memory_space<vmem>>, vector<1024x1xf32>
    tpu.vector_store %arg4[%swap3A_36, %swap3A_37], %rsqrt3A_35 {strides = array<i32>} : memref<1024x1xf32, #tpu.memory_space<vmem>>, vector<1024x1xf32>,
    return
  }
  func.func @transform_0(%arg0: i32) -> (i32, i32, i32, i32) {
    %c0_i32 = arith.constant 0 : i32
    %c0_i32_0 = arith.constant 0 : i32
    %c0_i32_1 = arith.constant 0 : i32
    %c0_i32_2 = arith.constant 0 : i32
    return %c0_i32, %c0_i32_0, %arg0, %c0_i32_1 : i32, i32, i32, i32
  }
  func.func @transform_1(%arg0: i32) -> (i32, i32) {
    %c0_i32 = arith.constant 0 : i32
    %c0_i32_0 = arith.constant 0 : i32
    return %arg0, %c0_i32 : i32, i32
  }
  func.func @transform_2(%arg0: i32) -> (i32, i32) {
    %c0_i32 = arith.constant 0 : i32
    %c0_i32_0 = arith.constant 0 : i32
    return %arg0, %c0_i32 : i32, i32
  }
  func.func @transform_3(%arg0: i32) -> (i32, i32) {
    %c0_i32 = arith.constant 0 : i32
    %c0_i32_0 = arith.constant 0 : i32
    return %arg0, %c0_i32 : i32, i32
  }
}

module attributes {stable_mosaic.version = 14 : i64} {
  func.func @_final_body(%arg0: i32, %arg1: memref<2x1024x128xf32, #tpu.memory_space<vmem>>, %arg2: memref<1024x128xf32, #tpu.memory_space<vmem>>, %arg3: memref<1024x1xf32, #tpu.memory_space<vmem>>, %arg4: memref<128x128xf32, #tpu.memory_space<vmem>>, %arg5: memref<128x128xf32, #tpu.memory_space<vmem>>, %arg6: memref<1x128xf32, #tpu.memory_space<vmem>>, %arg7: memref<1x128xf32, #tpu.memory_space<vmem>>, %arg8: memref<1024x128xf32, #tpu.memory_space<vmem>>) attributes {dimension_semantics = [#tpu.dimension_semantics<arbitrary>], iteration_bounds = array<i64: 10>, scalar_prefetch = 0 : i64, scratch_operands = 0 : i64, tpu.core_type = #tpu.core_type<tc>, window_params = [{transform_indices = @transform_0, window_bounds = array<i64: 2, 1024, 128>}, {transform_indices = @transform_1, window_bounds = array<i64: 1024, 128>}, {transform_indices = @transform_2, window_bounds = array<i64: 1024, 1>}, {pipeline_mode = #tpu.pipeline_mode<synchronous>, transform_indices = @transform_3, window_bounds = array<i64: 128, 128>}, {pipeline_mode = #tpu.pipeline_mode<synchronous>, transform_indices = @transform_4, window_bounds = array<i64: 128, 128>}, {pipeline_mode = #tpu.pipeline_mode<synchronous>, transform_indices = @transform_5, window_bounds = array<i64: 1, 128>}, {pipeline_mode = #tpu.pipeline_mode<synchronous>, transform_indices = @transform_6, window_bounds = array<i64: 1, 128>}, {transform_indices = @transform_7, window_bounds = array<i64: 1024, 128>}]} {
    %get3A = arith.constant 0 : index
    %get3A_0 = arith.constant 0 : index
    %get3A_1 = arith.constant 0 : index
    %get3A_2 = vector.load %arg1[%get3A, %get3A_0, %get3A_1] : memref<2x1024x128xf32, #tpu.memory_space<vmem>>, vector<1x1024x128xf32>
    %get3A_3 = vector.shape_cast %get3A_2 : vector<1x1024x128xf32> to vector<1024x128xf32>
    %get3A_4 = arith.constant 1 : index
    %get3A_5 = arith.constant 0 : index
    %get3A_6 = arith.constant 0 : index
    %get3A_7 = vector.load %arg1[%get3A_4, %get3A_5, %get3A_6] : memref<2x1024x128xf32, #tpu.memory_space<vmem>>, vector<1x1024x128xf32>
    %get3A_8 = vector.shape_cast %get3A_7 : vector<1x1024x128xf32> to vector<1024x128xf32>
    %add3A = arith.addf %get3A_3, %get3A_8 : vector<1024x128xf32>
    %get3A_9 = arith.constant 0 : index
    %get3A_10 = arith.constant 0 : index
    %get3A_11 = vector.load %arg3[%get3A_9, %get3A_10] : memref<1024x1xf32, #tpu.memory_space<vmem>>, vector<1024x1xf32>
    %mul3A = vector.broadcast %get3A_11 : vector<1024x1xf32> to vector<1024x128xf32>
    %mul3A_12 = arith.mulf %add3A, %mul3A : vector<1024x128xf32>
    %get3A_13 = arith.constant 0 : index
    %get3A_14 = arith.constant 0 : index
    %get3A_15 = vector.load %arg2[%get3A_13, %get3A_14] : memref<1024x128xf32, #tpu.memory_space<vmem>>, vector<1024x128xf32>
    %mul3A_16 = arith.mulf %get3A_15, %mul3A_12 : vector<1024x128xf32>
    %get3A_17 = arith.constant 0 : index
    %get3A_18 = arith.constant 0 : index
    %get3A_19 = vector.load %arg4[%get3A_17, %get3A_18] : memref<128x128xf32, #tpu.memory_space<vmem>>, vector<128x128xf32>
    %dot_general3A = arith.constant dense<0.000000e+00> : vector<1024x128xf32>
    %dot_general3A_20 = tpu.matmul %mul3A_16, %get3A_19, %dot_general3A {dimension_numbers = #tpu.dot_dimension_numbers<[1], [0], [0], [1], [0, 0, 1, 1], [], []>, transpose_lhs_hint = false} : vector<1024x128xf32>, vector<128x128xf32>, vector<1024x128xf32> -> vector<1024x128xf32>
    %get3A_21 = arith.constant 0 : index
    %get3A_22 = arith.constant 0 : index
    %get3A_23 = vector.load %arg6[%get3A_21, %get3A_22] : memref<1x128xf32, #tpu.memory_space<vmem>>, vector<1x128xf32>
    %add3A_24 = vector.broadcast %get3A_23 : vector<1x128xf32> to vector<1024x128xf32>
    %add3A_25 = arith.addf %dot_general3A_20, %add3A_24 : vector<1024x128xf32>
    %ge3A = arith.constant 0.000000e+00 : f32
    %ge3A_26 = vector.broadcast %ge3A : f32 to vector<1024x128xf32>
    %ge3A_27 = arith.cmpf oge, %add3A_25, %ge3A_26 : vector<1024x128xf32>
    %mul3A_28 = arith.constant 2.000000e-01 : f32
    %mul3A_29 = vector.broadcast %mul3A_28 : f32 to vector<1024x128xf32>
    %mul3A_30 = arith.mulf %mul3A_29, %add3A_25 : vector<1024x128xf32>
    %select_n3A = arith.select %ge3A_27, %add3A_25, %mul3A_30 : vector<1024x128xi1>, vector<1024x128xf32>
    %get3A_31 = arith.constant 0 : index
    %get3A_32 = arith.constant 0 : index
    %get3A_33 = vector.load %arg5[%get3A_31, %get3A_32] : memref<128x128xf32, #tpu.memory_space<vmem>>, vector<128x128xf32>
    %dot_general3A_34 = arith.constant dense<0.000000e+00> : vector<1024x128xf32>
    %dot_general3A_35 = tpu.matmul %mul3A_12, %get3A_33, %dot_general3A_34 {dimension_numbers = #tpu.dot_dimension_numbers<[1], [0], [0], [1], [0, 0, 1, 1], [], []>, transpose_lhs_hint = false} : vector<1024x128xf32>, vector<128x128xf32>, vector<1024x128xf32> -> vector<1024x128xf32>
    %get3A_36 = arith.constant 0 : index
    %get3A_37 = arith.constant 0 : index
    %get3A_38 = vector.load %arg7[%get3A_36, %get3A_37] : memref<1x128xf32, #tpu.memory_space<vmem>>, vector<1x128xf32>
    %add3A_39 = vector.broadcast %get3A_38 : vector<1x128xf32> to vector<1024x128xf32>
    %add3A_40 = arith.addf %dot_general3A_35, %add3A_39 : vector<1024x128xf32>
    %ge3A_41 = arith.constant 0.000000e+00 : f32
    %ge3A_42 = vector.broadcast %ge3A_41 : f32 to vector<1024x128xf32>
    %ge3A_43 = arith.cmpf oge, %add3A_40, %ge3A_42 : vector<1024x128xf32>
    %mul3A_44 = arith.constant 2.000000e-01 : f32
    %mul3A_45 = vector.broadcast %mul3A_44 : f32 to vector<1024x128xf32>
    %mul3A_46 = arith.mulf %mul3A_45, %add3A_40 : vector<1024x128xf32>
    %select_n3A_47 = arith.select %ge3A_43, %add3A_40, %mul3A_46 : vector<1024x128xi1>, vector<1024x128xf32>
    %add3A_48 = arith.addf %select_n3A, %select_n3A_47 : vector<1024x128xf32>
    %mul3A_49 = arith.mulf %add3A_48, %add3A_48 : vector<1024x128xf32>
    %reduce_sum3A = arith.constant dense<0.000000e+00> : vector<1024xf32>
    %reduce_sum3A_50 = vector.multi_reduction <add>, %mul3A_49, %reduce_sum3A [1] : vector<1024x128xf32> to vector<1024xf32>
    %broadcast_in_dim3A = vector.shape_cast %reduce_sum3A_50 : vector<1024xf32> to vector<1024x1xf32>
    %max3A = arith.constant 9.99999996E-13 : f32
    %max3A_51 = vector.broadcast %max3A : f32 to vector<1024x1xf32>
    %max3A_52 = arith.maximumf %broadcast_in_dim3A, %max3A_51 : vector<1024x1xf32>
    %rsqrt3A = math.rsqrt %max3A_52 : vector<1024x1xf32>
    %mul3A_53 = vector.broadcast %rsqrt3A : vector<1024x1xf32> to vector<1024x128xf32>
    %mul3A_54 = arith.mulf %add3A_48, %mul3A_53 : vector<1024x128xf32>
    %swap3A = arith.constant 0 : index
    %swap3A_55 = arith.constant 0 : index
    %swap3A_56 = vector.load %arg8[%swap3A, %swap3A_55] : memref<1024x128xf32, #tpu.memory_space<vmem>>, vector<1024x128xf32>
    tpu.vector_store %arg8[%swap3A, %swap3A_55], %mul3A_54 {strides = array<i32>} : memref<1024x128xf32, #tpu.memory_space<vmem>>, vector<1024x128xf32>,
    return
  }
  func.func @transform_0(%arg0: i32) -> (i32, i32, i32) {
    %c0_i32 = arith.constant 0 : i32
    %c0_i32_0 = arith.constant 0 : i32
    %c0_i32_1 = arith.constant 0 : i32
    return %c0_i32, %arg0, %c0_i32_0 : i32, i32, i32
  }
  func.func @transform_1(%arg0: i32) -> (i32, i32) {
    %c0_i32 = arith.constant 0 : i32
    %c0_i32_0 = arith.constant 0 : i32
    return %arg0, %c0_i32 : i32, i32
  }
  func.func @transform_2(%arg0: i32) -> (i32, i32) {
    %c0_i32 = arith.constant 0 : i32
    %c0_i32_0 = arith.constant 0 : i32
    return %arg0, %c0_i32 : i32, i32
  }
  func.func @transform_3(%arg0: i32) -> (i32, i32) {
    %c0_i32 = arith.constant 0 : i32
    %c0_i32_0 = arith.constant 0 : i32
    %c0_i32_1 = arith.constant 0 : i32
    return %c0_i32, %c0_i32_0 : i32, i32
  }
  func.func @transform_4(%arg0: i32) -> (i32, i32) {
    %c0_i32 = arith.constant 0 : i32
    %c0_i32_0 = arith.constant 0 : i32
    %c0_i32_1 = arith.constant 0 : i32
    return %c0_i32, %c0_i32_0 : i32, i32
  }
  func.func @transform_5(%arg0: i32) -> (i32, i32) {
    %c0_i32 = arith.constant 0 : i32
    %c0_i32_0 = arith.constant 0 : i32
    %c0_i32_1 = arith.constant 0 : i32
    return %c0_i32, %c0_i32_0 : i32, i32
  }
  func.func @transform_6(%arg0: i32) -> (i32, i32) {
    %c0_i32 = arith.constant 0 : i32
    %c0_i32_0 = arith.constant 0 : i32
    %c0_i32_1 = arith.constant 0 : i32
    return %c0_i32, %c0_i32_0 : i32, i32
  }
  func.func @transform_7(%arg0: i32) -> (i32, i32) {
    %c0_i32 = arith.constant 0 : i32
    %c0_i32_0 = arith.constant 0 : i32
    return %arg0, %c0_i32 : i32, i32
  }
}

</mosaic_0001>

<sc_bundles>
// kernel: kernel.6.cloned.1.call-start
scs
__scs_entry_jumppad:
0x0: {  	(pc) =	sbr.rel $0x88, $3  }
0x1: {  	(tag) =	ssettag $0x0;
	lr =	simm.s32 $0x1  }
0x2: {  	[smem:$0x3F9B] =	sst lr;
	_ =	strace $0xD0000000  }
0x3: {  	_ = 	snop  }
0x4: {  	_ = 	snop  }
0x5: {  	_ = 	snop  }
0x6: {  	_ = 	snop  }
0x7: {  	_ = 	snop  }
__scs_overlays_trampoline_lowered:
0x8: {  	[smem:$0x3FAA] =	sst s0  }
0x9: {  	[smem:$0x3FAB] =	sst s1  }
0xa: {  	[smem:$0x3FAC] =	sst s2  }
0xb: {  	[smem:$0x3FAD] =	sst s3  }
0xc: {  	[smem:$0x3FAE] =	sst s4  }
0xd: {  	[smem:$0x3FAF] =	sst s5  }
0xe: {  	[smem:$0x3FB0] =	sst s6  }
0xf: {  	[smem:$0x3FB1] =	sst s7  }
0x10: {  	[smem:$0x3FB2] =	sst s8  }
0x11: {  	[smem:$0x3FB3] =	sst s9;
	s0 =	simm.s32 @!p0 $0x0  }
0x12: {  	s1 =	sld [smem:$0x3F99];
	s0 =	simm.s32 @p0 $0x1  }
0x13: {  	[smem:$0x3FB4] =	sst s0;
	s0 =	simm.s32 @!p1 $0x0  }
0x14: {  	s2 =	sld [smem:$0x3F98];
	s0 =	simm.s32 @p1 $0x1  }
0x15: {  	[smem:$0x3FB5] =	sst s0;
	s0 =	simm.s32 @!p2 $0x0  }
0x16: {  	s3 =	sld [smem:$0x3FDB];
	s0 =	simm.s32 @p2 $0x1  }
0x17: {  	s4 =	simm.s32 $0x1BF5;
	[smem:$0x3FB7] =	sst s0  }
0x18: {  	s0 =	sld [smem:$0x3F9A];
	_ =	swait.ge [sflag:s4], $0x0  }
0x19: {  	s7 =	sld [smem:$0x3F9B]  }
0x1a: {  	s8 =	sadd.s32 $0xFFFFE003, lr  }
0x1b: {  	s9 =	sadd.s32 $0xFFFFFEF7, lr;
	s5 =	simm.s32 $0xFFFFFFFF;
	p2 =	slt.u32 s8, $0xFFFFF086  }
0x1c: {  	p1 =	slt.u32 s9, $0xF7A;
	s5 =	simm.s32 @!p2 $0x0  }
0x1d: {  	s5 =	simm.s32 @p1 $0x1;
	p0 =	seq.s32 s7, s2  }
0x1e: {  	s7 =	smul.u32 @!p0 $0xF7A, s2;
	p2 =	seq.s32 @!p0 s5, $0x0  }
0x1f: {  	s9 =	smul.u32 $0xF7A, s1;
	s8 =	simm.s32 @!p0 $0x1BF5;
	p2 =	por !p2, p0  }
0x20: {  	[sflag:s8] =	ssyncset.s32 @!p0 $0xFFFFF086;
	s6 =	sadd.s32 @!p0 s3, s7;
	s7 =	simm.s32 @!p0 $0x108  }
0x21: {  	s3 =	sadd.s32 s3, s9;
	s6 =	sadd.s32 @!p0 $0x88, s6;
	s7 =	simm.s32 @p2 $0x1082  }
0x22: {  	[simem:s7], [sflag:s8] =	dma.local @!p0 [hbm:s6], $0xF7A  }
0x23: {  	s9 =	sor.u32 $0xD0000000, s2;
	s6 =	simm.s32 $0x108;
	_ =	swait.ge @!p0 [sflag:s8], $0x0  }
0x24: {  	s3 =	sadd.s32 $0x88, s3;
	s6 =	simm.s32 @!p1 $0x1082;
	[sflag:s4] =	ssyncset.s32 $0xFFFFF086  }
0x25: {  	[simem:s6], [sflag:s4] =	dma.local [hbm:s3], $0xF7A  }
0x26: {  	[smem:$0x3F9B] =	sst s1;
	(tag) =	ssettag s2;
	_ =	strace s9  }
0x27: {  	s1 =	sld [smem:$0x3FAB]  }
0x28: {  	s2 =	sld [smem:$0x3FAC]  }
0x29: {  	s4 =	sld [smem:$0x3FAE]  }
0x2a: {  	p0 =	seq.s32 s5, $0x0;
	s5 =	sld [smem:$0x3FAF]  }
0x2b: {  	s6 =	sld [smem:$0x3FB0]  }
0x2c: {  	s7 =	sld [smem:$0x3FB1]  }
0x2d: {  	s3 =	simm.s32 $0x108;
	s8 =	sld [smem:$0x3FB2]  }
0x2e: {  	s3 =	simm.s32 @!p0 $0x1082;
	s9 =	sld [smem:$0x3FB3]  }
0x2f: {  	lr =	sadd.s32 s0, s3;
	s0 =	sld [smem:$0x3FAA]  }
0x30: {  	s3 =	sld [smem:$0x3FAD]  }
0x31: {  	[smem:$0x3FB6] =	sst s10  }
0x32: {  	s10 =	sld [smem:$0x3FB4];
	_ =	sdelay $0x3  }
0x33: {  	p0 =	seq.s32 s10, $0x1;
	s10 =	sld [smem:$0x3FB6];
	_ =	sdelay $0x3  }
0x34: {  	[smem:$0x3FB6] =	sst s10  }
0x35: {  	s10 =	sld [smem:$0x3FB5];
	_ =	sdelay $0x3  }
0x36: {  	p1 =	seq.s32 s10, $0x1;
	s10 =	sld [smem:$0x3FB6];
	_ =	sdelay $0x3  }
0x37: {  	[smem:$0x3FB6] =	sst s10  }
0x38: {  	s10 =	sld [smem:$0x3FB7]  }
0x39: {  	_ = 	snop;
	(pc) =	sbr.ind lr, $3  }
0x3a: {  	_ = 	snop  }
0x3b: {  	_ = 	snop  }
0x3c: {  	p2 =	seq.s32 s10, $0x1;
	s10 =	sld [smem:$0x3FB6]  }
0x3d: {  	_ =	shalt  }
0x3e: {  	_ =	shalt  }
0x3f: {  	_ =	shalt  }
0x40: {  	_ =	shalt  }
0x41: {  	_ =	shalt  }
0x42: {  	_ =	shalt  }
0x43: {  	_ =	shalt  }
0x44: {  	_ =	shalt  }
0x45: {  	_ =	shalt  }
0x46: {  	_ =	shalt  }
0x47: {  	_ =	shalt  }
0x48: {  	_ =	shalt  }
0x49: {  	_ =	shalt  }
0x4a: {  	_ =	shalt  }
0x4b: {  	_ =	shalt  }
0x4c: {  	_ =	shalt  }
0x4d: {  	_ =	shalt  }
0x4e: {  	_ =	shalt  }
0x4f: {  	_ =	shalt  }
0x50: {  	_ =	shalt  }
0x51: {  	_ =	shalt  }
0x52: {  	_ =	shalt  }
0x53: {  	_ =	shalt  }
0x54: {  	_ =	shalt  }
0x55: {  	_ =	shalt  }
0x56: {  	_ =	shalt  }
0x57: {  	_ =	shalt  }
0x58: {  	_ =	shalt  }
0x59: {  	_ =	shalt  }
0x5a: {  	_ =	shalt  }
0x5b: {  	_ =	shalt  }
0x5c: {  	_ =	shalt  }
0x5d: {  	_ =	shalt  }
0x5e: {  	_ =	shalt  }
0x5f: {  	_ =	shalt  }
0x60: {  	_ =	shalt  }
0x61: {  	_ =	shalt  }
0x62: {  	_ =	shalt  }
0x63: {  	_ =	shalt  }
0x64: {  	_ =	shalt  }
0x65: {  	_ =	shalt  }
0x66: {  	_ =	shalt  }
0x67: {  	_ =	shalt  }
0x68: {  	_ =	shalt  }
0x69: {  	_ =	shalt  }
0x6a: {  	_ =	shalt  }
0x6b: {  	_ =	shalt  }
0x6c: {  	_ =	shalt  }
0x6d: {  	_ =	shalt  }
0x6e: {  	_ =	shalt  }
0x6f: {  	_ =	shalt  }
0x70: {  	_ =	shalt  }
0x71: {  	_ =	shalt  }
0x72: {  	_ =	shalt  }
0x73: {  	_ =	shalt  }
0x74: {  	_ =	shalt  }
0x75: {  	_ =	shalt  }
0x76: {  	_ =	shalt  }
0x77: {  	_ =	shalt  }
0x78: {  	_ =	shalt  }
0x79: {  	_ =	shalt  }
0x7a: {  	_ =	shalt  }
0x7b: {  	_ =	shalt  }
0x7c: {  	_ =	shalt  }
0x7d: {  	_ =	shalt  }
0x7e: {  	_ =	shalt  }
0x7f: {  	_ =	shalt  }
0x80: {  	_ =	shalt  }
0x81: {  	_ =	shalt  }
0x82: {  	_ =	shalt  }
0x83: {  	_ =	shalt  }
0x84: {  	_ =	shalt  }
0x85: {  	_ =	shalt  }
0x86: {  	_ =	shalt  }
0x87: {  	_ =	shalt  }
.Lfunc_end0:
.L_simem_size_0:
called_computation_lowered:
.L_overlay_start_0:
0x88: {  	s2 =	sld [smem:$0x3FD9]  }
0x89: {  	s3 =	sld [smem:$0x3FFE];
	_ =	sdelay $0x1  }
0x8a: {  	s1 =	srdreg.scid  }
0x8b: {  	s0 =	sand.u32 $0x1, s1  }
0x8c: {  	s17 =	sshll.u32 s0, $0xA;
	s2 =	sadd.s32 s3, s2  }
0x8d: {  	s2 =	sadd.s32 s2, s17  }
0x8e: {  	[smem:$0x3FC2] =	sst s2  }
0x8f: {  	_ = 	snop  }
0x90: {  	s2 =	sld [smem:$0x3FD0];
	(tm) =	ssettm $0x1  }
0x91: {  	s18 =	sld [smem:$0x3FFB];
	_ =	sdelay $0x3  }
0x92: {  	_ =	strace s18  }
0x93: {  	s3 =	sld [smem:$0x3FFC];
	_ =	sdelay $0x3  }
0x94: {  	_ =	strace s3  }
0x95: {  	s3 =	sld [smem:$0x3FFD];
	_ =	sdelay $0x3  }
0x96: {  	_ =	strace s3  }
0x97: {  	_ =	strace $0x8FFFFFFF  }
0x98: {  	s19 =	sld [smem:$0x3FDB];
	_ =	sdelay $0x1  }
0x99: {  	s4 =	simm.s32 $_scs_section_size  }
0x9a: {  	s5 =	simm.s32 $_size__tile_overlayer_lowered;
	s6 =	simm.s32 $_tile_overlayer_lowered  }
0x9b: {  	s22 =	simm.s32 $0x1BFF;
	s21 =	sshll.u32 s6, $0x1;
	s3 =	sadd.s32 s4, s19  }
0x9c: {  	s7 =	simm.s32 $0x0;
	s20 =	sshll.u32 s5, $0x1;
	s5 =	sadd.s32 s21, s3  }
0x9d: {  	[timem:s7], [sflag:s22] =	dma.local [hbm:s5], s20  }
0x9e: {  	_ =	swait.ge [sflag:s22], s20  }
0x9f: {  	s4 =	ssub.s32 $0x0, s20;
	[sflag:s22] =	ssyncset.done $0x0  }
0xa0: {  	[sflag:s22] =	ssyncadd.s32 s4;
	_ =	sdelay $0x1  }
0xa1: {  	s23 =	simm.s32 $0x1B8B  }
0xa2: {  	_ =	swait.ge [sflag:s23], $0x1  }
0xa3: {  	[sflag:s23] =	ssyncset.done $0x0  }
0xa4: {  	s25 =	simm.s32 $0x1B8E;
	s24 =	sld [smem:$0x3FFE];
	[sflag:s23] =	ssyncadd.s32 $0xFFFFFFFF  }
0xa5: {  	s26 =	simm.s32 $execute0_lowered;
	[smem:$0x3FD2] =	sst s25  }
0xa6: {  	s5 =	sshll.u32 s26, $0x1;
	_ =	strace $0x80000046;
	[dreg:$0x1] =	wrdreg $0xFFFFFFFF  }
0xa7: {  	s28 =	simm.s32 $_size_execute0_lowered;
	s3 =	sadd.s32 s3, s5;
	[dreg:$0x0] =	wrdreg $0x0  }
0xa8: {  	s5 =	sshll.u32 s28, $0x1;
	[dreg:$0x2] =	wrdreg s3  }
0xa9: {  	[dreg:$0x3] =	wrdreg s5  }
0xaa: {  	[dreg:$0x4] =	wrdreg $0xC0  }
0xab: {  	_ =	task [dreg:s7], $0x5FFFF  }
0xac: {  	[dreg:$0x1] =	wrdreg $0xFFFFFFFF  }
0xad: {  	[dreg:$0x0] =	wrdreg $0x60  }
0xae: {  	[dreg:$0x2] =	wrdreg s2  }
0xaf: {  	[dreg:$0x3] =	wrdreg s24  }
0xb0: {  	[dreg:$0x4] =	wrdreg $0x50F00  }
0xb1: {  	[dreg:$0x5] =	wrdreg $0x53700  }
0xb2: {  	[dreg:$0x6] =	wrdreg $0x9  }
0xb3: {  	_ =	task.clear_ibuf [dreg:s7], $0x7FFFF;
	_ =	strace $0x90000046  }
0xb4: {  	s29 =	simm.s32 $0x9;
	_ =	strace $0x80000048  }
0xb5: {  	_ =	swait.ge [sflag:s29], $0x1  }
0xb6: {  	[sflag:s29] =	ssyncadd.s32 $0xFFFFFFFF  }
0xb7: {  	_ =	strace $0x90000048  }
0xb8: {  	_ =	sfence  }
0xb9: {  	s30 =	sld [smem:$0x0];
	_ =	sdelay $0x2  }
0xba: {  	s31 =	sshll.u32 s1, $0xD;
	s1 =	sshrl.u32 s1, $0x2  }
0xbb: {  	s3 =	sand.u32 $0x4000, s31;
	s1 =	sadd.s32 s1, s30  }
0xbc: {  	s0 =	sor.u32 s3, s0;
	s1 =	sshll.u32 s1, $0x11  }
0xbd: {  	s0 =	sor.u32 s1, s0  }
0xbe: {  	s0 =	sadd.s32 $0x8F2B, s0  }
0xbf: {  	[sflag:s0] =	ssyncadd.remote.s32 $0x1  }
0xc0: {  	_ =	sfence.sel $0xFFFF  }
0xc1: {  	[dreg:$0x0] =	wrdreg $0xFFFFFFFF;
	(pc) =	sbr.abs _section_cstart, $3  }
0xc2: {  	[dreg:$0x1] =	wrdreg $0xFFFFFFFF  }
0xc3: {  	_ =	task.clear_ibuf [dreg:s7], $0x2FFFF;
	_ =	strace $0x9FFFFFFF  }
0xc4: {  	(tm) =	ssettm $0x7FFFFFFF  }
0xc5: {  	_ =	shalt  }
tec
execute0_lowered:
.L_overlay_start_1:
0x0: {  	(tag) =	ssettag $0x1  }
0x1: {  	s5 =	rddreg [dreg:$0x0]  }
0x2: {  	s6 =	rddreg [dreg:$0x1]  }
0x3: {  	s2 =	rddreg [dreg:$0x2]  }
0x4: {  	s0 =	srdreg.scid;
	s3 =	rddreg [dreg:$0x3]  }
0x5: {  	s1 =	stileid.u32;
	s4 =	simm.s32 $0x0;
	s12 =	simm.s32 $0x3  }
0x6: {  	s13 =	simm.s32 $0x2710;
	s14 =	simm.s32 $0x4E70;
	s15 =	simm.s32 $0x50  }
0x7: {  	s16 =	simm.s32 $0x4E20;
	s17 =	simm.s32 $0x1;
	s18 =	simm.s32 $0x2  }
0x8: {  	s21 =	simm.s32 $0x0;
	s7 =	sand.u32 $0x1, s0;
	s0 =	rddreg [dreg:$0x4]  }
0x9: {  	s8 =	smul.u32 $0x280, s1;
	[smem:$0x7FF] =	sst s4;
	s19 =	sshll.u32 s1, $0x6  }
0xa: {  	s9 =	sshll.u32 s7, $0x4;
	s10 =	smul.u32 $0x5000, s7;
	_ =	strace $0x80000047  }
0xb: {  	s7 =	ssub.s32 $0x2, s7;
	s19 =	sor.u32 $0x1C03, s19;
	s9 =	sor.u32 s1, s9  }
0xc: {  	s31 =	sshrl.u32 s7, $0x1;
	s9 =	smul.u32 $0x2710, s9;
	s10 =	sadd.s32 s8, s10  }
0xd: {  	s11 =	ssub.s32 s7, s31;
	s7 =	sadd.s32 s8, s2;
	s8 =	sadd.s32 s8, s3  }
0xe: {  	s10 =	sshrl.u32 s10, $0x3;
	s11 =	smax.u32 s11, $0x1;
	s9 =	sshrl.u32 s9, $0x3  }
0xf: {  	s20 =	sshrl.u32 s7, $0x3;
	s10 =	sadd.s32 s10, s6;
	s5 =	sadd.s32 s5, s9  }
0x10: {  	v0 =	vimm.f32 $1.000000000e+00;
	v1 =	vimm.f32 $0.0e+00;
	s9 =	sadd.s32 $0x1C00, s10;
	s10 =	sadd.s32 $0x2100, s10;
	s6 =	sadd.s32 $0x9C40, s5  }
.LBB2_1:
0x11: {  	[tilespmem:s4], [sflag:$0x3] =	stream.linear.gather [hbm4b:s5+s4], $0x2710, $0x38;
	[tilespmem:$0x55F0] =	vst v63  }
0x12: {  	_ =	swait.ge [sflag:s12], $0x2710  }
0x13: {  	[sflag:s12] =	ssyncset.done $0x0  }
0x14: {  	[sflag:s12] =	ssyncadd.s32 $0xFFFFD8F0  }
0x15: {  	[tilespmem:s13], [sflag:$0x3] =	stream.linear.gather [hbm4b:s6+s4], $0x2710, $0x38;
	[tilespmem:$0x55F0] =	vst v63  }
0x16: {  	_ =	swait.ge [sflag:s12], $0x2710  }
0x17: {  	[sflag:s12] =	ssyncset.done $0x0  }
0x18: {  	[sflag:s12] =	ssyncadd.s32 $0xFFFFD8F0  }
0x19: {  	[tilespmem:$0x4E20] =	vst v0  }
0x1a: {  	[tilespmem:$0x4E30] =	vst v0  }
0x1b: {  	[tilespmem:$0x4E40] =	vst v0  }
0x1c: {  	[tilespmem:$0x4E50] =	vst v0  }
0x1d: {  	[tilespmem:$0x4E60] =	vst v0  }
0x1e: {  	[tilespmem:$0x4E70] =	vst v1  }
0x1f: {  	[tilespmem:$0x4E80] =	vst v1  }
0x20: {  	[tilespmem:$0x4E90] =	vst v1  }
0x21: {  	[tilespmem:$0x4EA0] =	vst v1  }
0x22: {  	[tilespmem:$0x4EB0] =	vst v1  }
0x23: {  	[tilespmem:$0x4EC0] =	vst v1  }
0x24: {  	[tilespmem:$0x4ED0] =	vst v1  }
0x25: {  	[tilespmem:$0x4EE0] =	vst v1  }
0x26: {  	[tilespmem:$0x4EF0] =	vst v1  }
0x27: {  	[tilespmem:$0x4F00] =	vst v1  }
0x28: {  	[tilespmem:$0x4F10] =	vst v1  }
0x29: {  	[tilespmem:$0x4F20] =	vst v1  }
0x2a: {  	[tilespmem:$0x4F30] =	vst v1  }
0x2b: {  	[tilespmem:$0x4F40] =	vst v1  }
0x2c: {  	[tilespmem:$0x4F50] =	vst v1  }
0x2d: {  	[tilespmem:$0x4F60] =	vst v1  }
0x2e: {  	[tilespmem:$0x4F70] =	vst v1  }
0x2f: {  	[tilespmem:$0x4F80] =	vst v1  }
0x30: {  	[tilespmem:$0x4F90] =	vst v1  }
0x31: {  	[tilespmem:$0x4FA0] =	vst v1  }
0x32: {  	[tilespmem:$0x4FB0] =	vst v1  }
0x33: {  	[tilespmem:$0x4FC0] =	vst v1  }
0x34: {  	[tilespmem:$0x4FD0] =	vst v1  }
0x35: {  	[tilespmem:$0x4FE0] =	vst v1  }
0x36: {  	[tilespmem:$0x4FF0] =	vst v1  }
0x37: {  	[tilespmem:$0x5000] =	vst v1  }
0x38: {  	[tilespmem:$0x5010] =	vst v1  }
0x39: {  	[tilespmem:$0x5020] =	vst v1  }
0x3a: {  	[tilespmem:$0x5030] =	vst v1  }
0x3b: {  	[tilespmem:$0x5040] =	vst v1  }
0x3c: {  	[tilespmem:$0x5050] =	vst v1  }
0x3d: {  	[tilespmem:$0x5060] =	vst v1  }
0x3e: {  	[tilespmem:$0x5070] =	vst v1  }
0x3f: {  	[tilespmem:$0x5080] =	vst v1  }
0x40: {  	[tilespmem:$0x5090] =	vst v1  }
0x41: {  	[tilespmem:$0x50A0] =	vst v1  }
0x42: {  	[tilespmem:$0x50B0] =	vst v1  }
0x43: {  	[tilespmem:$0x50C0] =	vst v1  }
0x44: {  	[tilespmem:$0x50D0] =	vst v1  }
0x45: {  	[tilespmem:$0x50E0] =	vst v1  }
0x46: {  	[spmem:s7] =	stream.linear.scatter [tilespmem:s14], [sflag:$0x3], $0x280, $0x38;
	[tilespmem:$0x55F0] =	vst v63  }
0x47: {  	_ =	swait.ge [sflag:s12], $0x280  }
0x48: {  	[sflag:s12] =	ssyncset.done $0x0  }
0x49: {  	[sflag:s12] =	ssyncadd.s32 $0xFFFFFD80  }
0x4a: {  	[spmem:s8] =	stream.linear.scatter [tilespmem:s14], [sflag:$0x3], $0x280, $0x38;
	[tilespmem:$0x55F0] =	vst v63  }
0x4b: {  	_ =	swait.ge [sflag:s12], $0x280  }
0x4c: {  	[sflag:s12] =	ssyncset.done $0x0  }
0x4d: {  	[sflag:s12] =	ssyncadd.s32 $0xFFFFFD80  }
0x4e: {  	s22 =	simm.s32 $0x0;
	[bflag:$0x0] =	sbarrier.arrive $0xFFFF  }
0x4f: {  	[spmem:s2] =	stream.indirect.scatter.add.f32 [tilespmem:s16], [sflag:$0x1], $0x1, s22, s15, $0xb8;
	[tilespmem:$0x55F0] =	vst v63  }
0x50: {  	s23 =	simm.s32 $0x2710;
	s22 =	simm.s32 $0x140  }
.LBB2_2:
0x51: {  	[spmem:s3] =	stream.indirect.scatter.add.f32 [tilespmem:s16], [sflag:$0x2], $0x1, s23, s15, $0xb8;
	[tilespmem:$0x55F0] =	vst v63  }
0x52: {  	s23 =	smov.u32 s22;
	p0 =	sne.s32 s22, $0x9B00  }
.Ltmp0:
0x53: {  	s22 =	sadd.s32 $0x140, s22;
	(pc) =	sbr.rel @p0 .LBB2_2-.Ltmp0, $4  }
0x54: {  	_ = 	snop  }
0x55: {  	s23 =	sshra.s32 s23, $0x2  }
0x56: {  	[spmem:s2] =	stream.indirect.scatter.add.f32 [tilespmem:s16], [sflag:$0x1], $0x1, s23, s15, $0xb8;
	[tilespmem:$0x55F0] =	vst v63  }
0x57: {  	s23 =	sadd.s32 $0x2710, s23  }
0x58: {  	[spmem:s3] =	stream.indirect.scatter.add.f32 [tilespmem:s16], [sflag:$0x2], $0x1, s23, s15, $0xb8;
	[tilespmem:$0x55F0] =	vst v63  }
0x59: {  	_ =	swait.ge [sflag:s17], $0x50  }
0x5a: {  	[sflag:s17] =	ssyncset.done $0x0  }
0x5b: {  	[sflag:s17] =	ssyncadd.s32 $0xFFFFFFB0  }
0x5c: {  	_ =	swait.ge [sflag:s18], $0x50  }
0x5d: {  	s22 =	simm.s32 $0x7C;
	[sflag:s18] =	ssyncset.done $0x0  }
.LBB2_4:
0x5e: {  	p0 =	sne.s32 s22, $0x1;
	s22 =	sadd.s32 $0xFFFFFFFF, s22;
	[sflag:s18] =	ssyncadd.s32 $0xFFFFFFB0  }
.Ltmp1:
0x5f: {  	_ =	swait.ge [sflag:s17], $0x50;
	(pc) =	sbr.rel @p0 .LBB2_4-.Ltmp1, $4  }
0x60: {  	[sflag:s17] =	ssyncset.done $0x0  }
0x61: {  	[sflag:s17] =	ssyncadd.s32 $0xFFFFFFB0  }
0x62: {  	_ =	swait.ge [sflag:s18], $0x50  }
0x63: {  	[sflag:s18] =	ssyncset.done $0x0  }
0x64: {  	[sflag:s18] =	ssyncadd.s32 $0xFFFFFFB0  }
0x65: {  	[bflag:$0x0] =	sbarrier.arrive $0xFFFF  }
0x66: {  	[hbm:s9], [sflag:s19] =	dma.local [spmem:s20], $0x50  }
0x67: {  	s21 =	sadd.s32 $0x1, s21;
	_ =	swait.ge [sflag:s12], $0x50  }
0x68: {  	p0 =	sne.s32 s21, s11;
	[sflag:s12] =	ssyncset.done $0x0  }
.Ltmp2:
0x69: {  	s22 =	sshrl.u32 s8, $0x3;
	[sflag:s12] =	ssyncadd.s32 $0xFFFFFFB0;
	(pc) =	sbr.rel @p0 .LBB2_1-.Ltmp2, $4  }
0x6a: {  	[hbm:s10], [sflag:s19] =	dma.local [spmem:s22], $0x50  }
0x6b: {  	_ =	swait.ge [sflag:s12], $0x50  }
0x6c: {  	[sflag:s12] =	ssyncset.done $0x0  }
0x6d: {  	[sflag:s12] =	ssyncadd.s32 $0xFFFFFFB0  }
0x6e: {  	_ =	sfence.sel $0x180000  }
0x6f: {  	[bflag:$0x0] =	sbarrier.arrive $0xFFFF  }
0x70: {  	p0 =	sne.s32 s1, $0x0;
	_ =	strace $0x90000047  }
0x71: {  	s0 =	sadd.s32 @!p0 $0x100000, s0;
	[bflag:$0x2] =	sbarrier.arrive $0xFFFF  }
0x72: {  	[sflag:s0] =	ssyncadd.tile.s32 @!p0 $0x1;
	_ =	shalt  }
.Lfunc_end2:
_tile_overlayer_lowered:
.L_overlay_start_2:
0x73: {  	(tag) =	ssettag $0x2  }
0x74: {  	s0 =	rddreg [dreg:$0x0];
	s2 =	stileid.u32  }
0x75: {  	s1 =	rddreg [dreg:$0x1];
	p0 =	sne.s32 s2, $0x0  }
0x76: {  	s3 =	rddreg [dreg:$0x2];
	[bflag:$0x3] =	sbarrier.arrive $0xFFFF;
	s2 =	simm.s32 @!p0 $0x1C03  }
0x77: {  	[timem:s3], [sflag:s2] =	dma.local @!p0 [hbm:s0], s1  }
0x78: {  	s0 =	simm.s32 @!p0 $0x3  }
0x79: {  	_ =	swait.ge @!p0 [sflag:s0], s1  }
0x7a: {  	s1 =	ssub.s32 @!p0 $0x0, s1;
	[sflag:s0] =	ssyncset.done @!p0 $0x0  }
0x7b: {  	[sflag:s0] =	ssyncadd.s32 @!p0 s1  }
0x7c: {  	[bflag:$0x3] =	sbarrier.arrive $0xFFFF  }
0x7d: {  	_ =	shalt  }

// kernel: kernel.9.cloned.1.call-start
scs
__scs_entry_jumppad:
0x0: {  	(pc) =	sbr.rel $0x88, $3  }
0x1: {  	(tag) =	ssettag $0x0;
	lr =	simm.s32 $0x1  }
0x2: {  	[smem:$0x3F9B] =	sst lr;
	_ =	strace $0xD0000000  }
0x3: {  	_ = 	snop  }
0x4: {  	_ = 	snop  }
0x5: {  	_ = 	snop  }
0x6: {  	_ = 	snop  }
0x7: {  	_ = 	snop  }
__scs_overlays_trampoline_lowered:
0x8: {  	[smem:$0x3FAA] =	sst s0  }
0x9: {  	[smem:$0x3FAB] =	sst s1  }
0xa: {  	[smem:$0x3FAC] =	sst s2  }
0xb: {  	[smem:$0x3FAD] =	sst s3  }
0xc: {  	[smem:$0x3FAE] =	sst s4  }
0xd: {  	[smem:$0x3FAF] =	sst s5  }
0xe: {  	[smem:$0x3FB0] =	sst s6  }
0xf: {  	[smem:$0x3FB1] =	sst s7  }
0x10: {  	[smem:$0x3FB2] =	sst s8  }
0x11: {  	[smem:$0x3FB3] =	sst s9;
	s0 =	simm.s32 @!p0 $0x0  }
0x12: {  	s1 =	sld [smem:$0x3F99];
	s0 =	simm.s32 @p0 $0x1  }
0x13: {  	[smem:$0x3FB4] =	sst s0;
	s0 =	simm.s32 @!p1 $0x0  }
0x14: {  	s2 =	sld [smem:$0x3F98];
	s0 =	simm.s32 @p1 $0x1  }
0x15: {  	[smem:$0x3FB5] =	sst s0;
	s0 =	simm.s32 @!p2 $0x0  }
0x16: {  	s3 =	sld [smem:$0x3FDB];
	s0 =	simm.s32 @p2 $0x1  }
0x17: {  	s4 =	simm.s32 $0x1BF5;
	[smem:$0x3FB7] =	sst s0  }
0x18: {  	s0 =	sld [smem:$0x3F9A];
	_ =	swait.ge [sflag:s4], $0x0  }
0x19: {  	s7 =	sld [smem:$0x3F9B]  }
0x1a: {  	s8 =	sadd.s32 $0xFFFFE003, lr  }
0x1b: {  	s9 =	sadd.s32 $0xFFFFFEF7, lr;
	s5 =	simm.s32 $0xFFFFFFFF;
	p2 =	slt.u32 s8, $0xFFFFF086  }
0x1c: {  	p1 =	slt.u32 s9, $0xF7A;
	s5 =	simm.s32 @!p2 $0x0  }
0x1d: {  	s5 =	simm.s32 @p1 $0x1;
	p0 =	seq.s32 s7, s2  }
0x1e: {  	s7 =	smul.u32 @!p0 $0xF7A, s2;
	p2 =	seq.s32 @!p0 s5, $0x0  }
0x1f: {  	s9 =	smul.u32 $0xF7A, s1;
	s8 =	simm.s32 @!p0 $0x1BF5;
	p2 =	por !p2, p0  }
0x20: {  	[sflag:s8] =	ssyncset.s32 @!p0 $0xFFFFF086;
	s6 =	sadd.s32 @!p0 s3, s7;
	s7 =	simm.s32 @!p0 $0x108  }
0x21: {  	s3 =	sadd.s32 s3, s9;
	s6 =	sadd.s32 @!p0 $0x88, s6;
	s7 =	simm.s32 @p2 $0x1082  }
0x22: {  	[simem:s7], [sflag:s8] =	dma.local @!p0 [hbm:s6], $0xF7A  }
0x23: {  	s9 =	sor.u32 $0xD0000000, s2;
	s6 =	simm.s32 $0x108;
	_ =	swait.ge @!p0 [sflag:s8], $0x0  }
0x24: {  	s3 =	sadd.s32 $0x88, s3;
	s6 =	simm.s32 @!p1 $0x1082;
	[sflag:s4] =	ssyncset.s32 $0xFFFFF086  }
0x25: {  	[simem:s6], [sflag:s4] =	dma.local [hbm:s3], $0xF7A  }
0x26: {  	[smem:$0x3F9B] =	sst s1;
	(tag) =	ssettag s2;
	_ =	strace s9  }
0x27: {  	s1 =	sld [smem:$0x3FAB]  }
0x28: {  	s2 =	sld [smem:$0x3FAC]  }
0x29: {  	s4 =	sld [smem:$0x3FAE]  }
0x2a: {  	p0 =	seq.s32 s5, $0x0;
	s5 =	sld [smem:$0x3FAF]  }
0x2b: {  	s6 =	sld [smem:$0x3FB0]  }
0x2c: {  	s7 =	sld [smem:$0x3FB1]  }
0x2d: {  	s3 =	simm.s32 $0x108;
	s8 =	sld [smem:$0x3FB2]  }
0x2e: {  	s3 =	simm.s32 @!p0 $0x1082;
	s9 =	sld [smem:$0x3FB3]  }
0x2f: {  	lr =	sadd.s32 s0, s3;
	s0 =	sld [smem:$0x3FAA]  }
0x30: {  	s3 =	sld [smem:$0x3FAD]  }
0x31: {  	[smem:$0x3FB6] =	sst s10  }
0x32: {  	s10 =	sld [smem:$0x3FB4];
	_ =	sdelay $0x3  }
0x33: {  	p0 =	seq.s32 s10, $0x1;
	s10 =	sld [smem:$0x3FB6];
	_ =	sdelay $0x3  }
0x34: {  	[smem:$0x3FB6] =	sst s10  }
0x35: {  	s10 =	sld [smem:$0x3FB5];
	_ =	sdelay $0x3  }
0x36: {  	p1 =	seq.s32 s10, $0x1;
	s10 =	sld [smem:$0x3FB6];
	_ =	sdelay $0x3  }
0x37: {  	[smem:$0x3FB6] =	sst s10  }
0x38: {  	s10 =	sld [smem:$0x3FB7]  }
0x39: {  	_ = 	snop;
	(pc) =	sbr.ind lr, $3  }
0x3a: {  	_ = 	snop  }
0x3b: {  	_ = 	snop  }
0x3c: {  	p2 =	seq.s32 s10, $0x1;
	s10 =	sld [smem:$0x3FB6]  }
0x3d: {  	_ =	shalt  }
0x3e: {  	_ =	shalt  }
0x3f: {  	_ =	shalt  }
0x40: {  	_ =	shalt  }
0x41: {  	_ =	shalt  }
0x42: {  	_ =	shalt  }
0x43: {  	_ =	shalt  }
0x44: {  	_ =	shalt  }
0x45: {  	_ =	shalt  }
0x46: {  	_ =	shalt  }
0x47: {  	_ =	shalt  }
0x48: {  	_ =	shalt  }
0x49: {  	_ =	shalt  }
0x4a: {  	_ =	shalt  }
0x4b: {  	_ =	shalt  }
0x4c: {  	_ =	shalt  }
0x4d: {  	_ =	shalt  }
0x4e: {  	_ =	shalt  }
0x4f: {  	_ =	shalt  }
0x50: {  	_ =	shalt  }
0x51: {  	_ =	shalt  }
0x52: {  	_ =	shalt  }
0x53: {  	_ =	shalt  }
0x54: {  	_ =	shalt  }
0x55: {  	_ =	shalt  }
0x56: {  	_ =	shalt  }
0x57: {  	_ =	shalt  }
0x58: {  	_ =	shalt  }
0x59: {  	_ =	shalt  }
0x5a: {  	_ =	shalt  }
0x5b: {  	_ =	shalt  }
0x5c: {  	_ =	shalt  }
0x5d: {  	_ =	shalt  }
0x5e: {  	_ =	shalt  }
0x5f: {  	_ =	shalt  }
0x60: {  	_ =	shalt  }
0x61: {  	_ =	shalt  }
0x62: {  	_ =	shalt  }
0x63: {  	_ =	shalt  }
0x64: {  	_ =	shalt  }
0x65: {  	_ =	shalt  }
0x66: {  	_ =	shalt  }
0x67: {  	_ =	shalt  }
0x68: {  	_ =	shalt  }
0x69: {  	_ =	shalt  }
0x6a: {  	_ =	shalt  }
0x6b: {  	_ =	shalt  }
0x6c: {  	_ =	shalt  }
0x6d: {  	_ =	shalt  }
0x6e: {  	_ =	shalt  }
0x6f: {  	_ =	shalt  }
0x70: {  	_ =	shalt  }
0x71: {  	_ =	shalt  }
0x72: {  	_ =	shalt  }
0x73: {  	_ =	shalt  }
0x74: {  	_ =	shalt  }
0x75: {  	_ =	shalt  }
0x76: {  	_ =	shalt  }
0x77: {  	_ =	shalt  }
0x78: {  	_ =	shalt  }
0x79: {  	_ =	shalt  }
0x7a: {  	_ =	shalt  }
0x7b: {  	_ =	shalt  }
0x7c: {  	_ =	shalt  }
0x7d: {  	_ =	shalt  }
0x7e: {  	_ =	shalt  }
0x7f: {  	_ =	shalt  }
0x80: {  	_ =	shalt  }
0x81: {  	_ =	shalt  }
0x82: {  	_ =	shalt  }
0x83: {  	_ =	shalt  }
0x84: {  	_ =	shalt  }
0x85: {  	_ =	shalt  }
0x86: {  	_ =	shalt  }
0x87: {  	_ =	shalt  }
.Lfunc_end0:
.L_simem_size_0:
called_computation.1_lowered:
.L_overlay_start_0:
0x88: {  	s2 =	sld [smem:$0x3FD9]  }
0x89: {  	s3 =	sld [smem:$0x3FFE];
	_ =	sdelay $0x1  }
0x8a: {  	s1 =	srdreg.scid  }
0x8b: {  	s0 =	sand.u32 $0x1, s1  }
0x8c: {  	s17 =	sshll.u32 s0, $0xA;
	s2 =	sadd.s32 s3, s2  }
0x8d: {  	s2 =	sadd.s32 s2, s17  }
0x8e: {  	[smem:$0x3FC2] =	sst s2  }
0x8f: {  	_ = 	snop  }
0x90: {  	s2 =	sld [smem:$0x3FD0];
	(tm) =	ssettm $0x1  }
0x91: {  	s18 =	sld [smem:$0x3FFB];
	_ =	sdelay $0x3  }
0x92: {  	_ =	strace s18  }
0x93: {  	s3 =	sld [smem:$0x3FFC];
	_ =	sdelay $0x3  }
0x94: {  	_ =	strace s3  }
0x95: {  	s3 =	sld [smem:$0x3FFD];
	_ =	sdelay $0x3  }
0x96: {  	_ =	strace s3  }
0x97: {  	_ =	strace $0x8FFFFFFF  }
0x98: {  	s19 =	sld [smem:$0x3FDB];
	_ =	sdelay $0x1  }
0x99: {  	s4 =	simm.s32 $_scs_section_size  }
0x9a: {  	s5 =	simm.s32 $_size__tile_overlayer_lowered;
	s6 =	simm.s32 $_tile_overlayer_lowered  }
0x9b: {  	s22 =	simm.s32 $0x1BFF;
	s21 =	sshll.u32 s6, $0x1;
	s3 =	sadd.s32 s4, s19  }
0x9c: {  	s7 =	simm.s32 $0x0;
	s20 =	sshll.u32 s5, $0x1;
	s5 =	sadd.s32 s21, s3  }
0x9d: {  	[timem:s7], [sflag:s22] =	dma.local [hbm:s5], s20  }
0x9e: {  	_ =	swait.ge [sflag:s22], s20  }
0x9f: {  	s4 =	ssub.s32 $0x0, s20;
	[sflag:s22] =	ssyncset.done $0x0  }
0xa0: {  	[sflag:s22] =	ssyncadd.s32 s4;
	_ =	sdelay $0x1  }
0xa1: {  	s23 =	simm.s32 $0x1B8B  }
0xa2: {  	_ =	swait.ge [sflag:s23], $0x1  }
0xa3: {  	[sflag:s23] =	ssyncset.done $0x0  }
0xa4: {  	s25 =	simm.s32 $0x1B8E;
	s24 =	sld [smem:$0x3FFE];
	[sflag:s23] =	ssyncadd.s32 $0xFFFFFFFF  }
0xa5: {  	s26 =	simm.s32 $execute0_lowered;
	[smem:$0x3FD2] =	sst s25  }
0xa6: {  	s5 =	sshll.u32 s26, $0x1;
	_ =	strace $0x80000049;
	[dreg:$0x1] =	wrdreg $0xFFFFFFFF  }
0xa7: {  	s28 =	simm.s32 $_size_execute0_lowered;
	s3 =	sadd.s32 s3, s5;
	[dreg:$0x0] =	wrdreg $0x0  }
0xa8: {  	s5 =	sshll.u32 s28, $0x1;
	[dreg:$0x2] =	wrdreg s3  }
0xa9: {  	[dreg:$0x3] =	wrdreg s5  }
0xaa: {  	[dreg:$0x4] =	wrdreg $0xC0  }
0xab: {  	_ =	task [dreg:s7], $0x5FFFF  }
0xac: {  	[dreg:$0x1] =	wrdreg $0xFFFFFFFF  }
0xad: {  	[dreg:$0x0] =	wrdreg $0x60  }
0xae: {  	[dreg:$0x2] =	wrdreg s24  }
0xaf: {  	[dreg:$0x3] =	wrdreg s2  }
0xb0: {  	[dreg:$0x4] =	wrdreg $0xB2200  }
0xb1: {  	[dreg:$0x5] =	wrdreg $0x9  }
0xb2: {  	_ =	task.clear_ibuf [dreg:s7], $0x6FFFF;
	_ =	strace $0x90000049  }
0xb3: {  	s29 =	simm.s32 $0x9;
	_ =	strace $0x8000004B  }
0xb4: {  	_ =	swait.ge [sflag:s29], $0x1  }
0xb5: {  	[sflag:s29] =	ssyncadd.s32 $0xFFFFFFFF  }
0xb6: {  	_ =	strace $0x9000004B  }
0xb7: {  	_ =	sfence  }
0xb8: {  	s30 =	sld [smem:$0x0];
	_ =	sdelay $0x2  }
0xb9: {  	s31 =	sshll.u32 s1, $0xD;
	s1 =	sshrl.u32 s1, $0x2  }
0xba: {  	s3 =	sand.u32 $0x4000, s31;
	s1 =	sadd.s32 s1, s30  }
0xbb: {  	s0 =	sor.u32 s3, s0;
	s1 =	sshll.u32 s1, $0x11  }
0xbc: {  	s0 =	sor.u32 s1, s0  }
0xbd: {  	s0 =	sadd.s32 $0x8F2B, s0  }
0xbe: {  	[sflag:s0] =	ssyncadd.remote.s32 $0x1  }
0xbf: {  	_ =	sfence.sel $0xFFFF  }
0xc0: {  	[dreg:$0x0] =	wrdreg $0xFFFFFFFF;
	(pc) =	sbr.abs _section_cstart, $3  }
0xc1: {  	[dreg:$0x1] =	wrdreg $0xFFFFFFFF  }
0xc2: {  	_ =	task.clear_ibuf [dreg:s7], $0x2FFFF;
	_ =	strace $0x9FFFFFFF  }
0xc3: {  	(tm) =	ssettm $0x7FFFFFFF  }
tec
execute0_lowered:
.L_overlay_start_1:
0x0: {  	(tag) =	ssettag $0x1  }
0x1: {  	s3 =	srdreg.scid  }
0x2: {  	s0 =	rddreg [dreg:$0x0];
	s3 =	sand.u32 $0x1, s3  }
0x3: {  	s1 =	rddreg [dreg:$0x1];
	s8 =	stileid.u32;
	s6 =	sshll.u32 s3, $0x4  }
0x4: {  	s2 =	rddreg [dreg:$0x2];
	s5 =	smul.u32 $0x14000, s8;
	s6 =	sor.u32 s8, s6  }
0x5: {  	s7 =	simm.s32 $0x0;
	s28 =	simm.s32 $0x4E20;
	s6 =	smul.u32 $0x2710, s6  }
0x6: {  	s29 =	simm.s32 $0x28;
	s30 =	simm.s32 $0x6220;
	s8 =	smul.u32 $0x50000, s8  }
0x7: {  	s31 =	simm.s32 $0x8A20;
	[smem:$0x7FF] =	sst s7;
	s6 =	sshrl.u32 s6, $0x3  }
0x8: {  	_ =	strace $0x8000004A;
	s12 =	sshrl.u32 s8, $0x2;
	s6 =	sadd.s32 s1, s6  }
0x9: {  	s1 =	sadd.s32 s12, s2;
	[dreg:$0x4] =	wrdreg s6;
	s6 =	sadd.s32 $0x9C40, s6  }
0xa: {  	s9 =	simm.s32 $0x3;
	s13 =	sadd.s32 $0x1400, s1;
	[dreg:$0x5] =	wrdreg s6  }
0xb: {  	s4 =	smul.u32 $0x140000, s3;
	s14 =	sadd.s32 $0x2800, s1;
	[dreg:$0x6] =	wrdreg s13  }
0xc: {  	s3 =	ssub.s32 $0x2, s3;
	s15 =	sadd.s32 $0x3C00, s1;
	[dreg:$0x7] =	wrdreg s14  }
0xd: {  	s11 =	sshrl.u32 s3, $0x1;
	s16 =	sadd.s32 $0x5000, s1;
	[dreg:$0x8] =	wrdreg s15  }
0xe: {  	s10 =	sadd.s32 s5, s4;
	s17 =	sadd.s32 $0x6400, s1;
	[dreg:$0x9] =	wrdreg s16  }
0xf: {  	s4 =	sadd.s32 $0x1C00, s0;
	s18 =	sadd.s32 $0x7800, s1;
	[dreg:$0xa] =	wrdreg s17  }
0x10: {  	s3 =	ssub.s32 s3, s11;
	s19 =	sadd.s32 $0x8C00, s1;
	[dreg:$0xb] =	wrdreg s18  }
0x11: {  	s11 =	simm.s32 $0x4;
	s20 =	sadd.s32 $0xA000, s1;
	[dreg:$0xc] =	wrdreg s19  }
0x12: {  	s7 =	sshrl.u32 s10, $0x3;
	s21 =	sadd.s32 $0xB400, s1;
	[dreg:$0xd] =	wrdreg s20  }
0x13: {  	s8 =	simm.s32 $0x6;
	s22 =	sadd.s32 $0xC800, s1;
	[dreg:$0xe] =	wrdreg s21  }
0x14: {  	s10 =	simm.s32 $0x7;
	s23 =	sadd.s32 $0xDC00, s1;
	[dreg:$0xf] =	wrdreg s22  }
0x15: {  	s0 =	sadd.s32 s7, s0;
	s24 =	sadd.s32 $0xF000, s1;
	[dreg:$0x10] =	wrdreg s23  }
0x16: {  	s7 =	sadd.s32 s5, s2;
	s25 =	sadd.s32 $0x10400, s1;
	[dreg:$0x11] =	wrdreg s24  }
0x17: {  	s5 =	simm.s32 $0x8;
	s26 =	sadd.s32 $0x11800, s1;
	[dreg:$0x12] =	wrdreg s25  }
.Ltmp0:
0x18: {  	s12 =	simm.s32 $0x5;
	[dreg:$0x13] =	wrdreg s26;
	(pc) =	sbr.rel .LBB2_1-.Ltmp0, $4  }
0x19: {  	s22 =	sadd.s32 $0x12C00, s1;
	s23 =	sadd.s32 $0x29C00, s0;
	s24 =	smax.u32 s3, $0x1  }
0x1a: {  	s25 =	simm.s32 $0xB;
	s26 =	simm.s32 $0x2710;
	s0 =	simm.s32 $0x7620  }
0x1b: {  	s1 =	simm.s32 $0x1;
	s3 =	simm.s32 $0x9E20;
	s6 =	simm.s32 $0x2  }
0x1c: {  	v0 =	vimm.f32 $0.0e+00;
	s13 =	simm.s32 $0x9;
	s14 =	simm.s32 $0xA;
	s15 =	simm.s32 $0x0  }
.LBB2_6:
0x1d: {  	_ =	swait.ge [sflag:s12], $0x1400  }
0x1e: {  	[sflag:s12] =	ssyncset.done $0x0  }
0x1f: {  	[sflag:s12] =	ssyncadd.s32 $0xFFFFEC00  }
0x20: {  	[spmem:s2] =	stream.indirect.scatter.add.f32 [tilespmem:s3], [sflag:$0xA], $0x80, s18, s29, $0xb8;
	[tilespmem:$0x1F220] =	vst v63  }
0x21: {  	_ =	swait.ge [sflag:s13], $0x1400  }
0x22: {  	[sflag:s13] =	ssyncset.done $0x0  }
0x23: {  	[sflag:s13] =	ssyncadd.s32 $0xFFFFEC00  }
0x24: {  	s16 =	stileid.u32;
	_ =	swait.ge [sflag:s14], $0x1400  }
0x25: {  	s17 =	sshrl.u32 s7, $0x3;
	s15 =	sadd.s32 $0x1, s15;
	[sflag:s14] =	ssyncset.done $0x0  }
0x26: {  	s16 =	sshll.u32 s16, $0x6;
	p0 =	sne.s32 s15, s24;
	[sflag:s14] =	ssyncadd.s32 $0xFFFFEC00  }
.Ltmp1:
0x27: {  	s16 =	sor.u32 $0x1C0B, s16;
	[bflag:$0x0] =	sbarrier.arrive $0xFFFF;
	(pc) =	sbr.rel @!p0 .LBB2_7-.Ltmp1, $4  }
0x28: {  	[hbm:s23], [sflag:s16] =	dma.local [spmem:s17], $0x2800  }
0x29: {  	_ =	swait.ge [sflag:s25], $0x2800  }
0x2a: {  	[sflag:s25] =	ssyncset.done $0x0  }
0x2b: {  	[sflag:s25] =	ssyncadd.s32 $0xFFFFD800  }
.LBB2_1:
0x2c: {  	s16 =	simm.s32 $0x0;
	s17 =	rddreg [dreg:$0x4]  }
0x2d: {  	[tilespmem:s16], [sflag:$0xB] =	stream.linear.gather [hbm4b:s17+s16], $0x2710, $0x38;
	[tilespmem:$0x1F220] =	vst v63  }
0x2e: {  	_ =	swait.ge [sflag:s25], $0x2710  }
0x2f: {  	[sflag:s25] =	ssyncset.done $0x0  }
0x30: {  	s21 =	rddreg [dreg:$0x5];
	[sflag:s25] =	ssyncadd.s32 $0xFFFFD8F0  }
0x31: {  	[tilespmem:s26], [sflag:$0xB] =	stream.linear.gather [hbm4b:s21+s16], $0x2710, $0x38;
	[tilespmem:$0x1F220] =	vst v63  }
0x32: {  	_ =	swait.ge [sflag:s25], $0x2710  }
0x33: {  	[sflag:s25] =	ssyncset.done $0x0  }
0x34: {  	s17 =	simm.s32 $0x200;
	s16 =	simm.s32 $0x0;
	[sflag:s25] =	ssyncadd.s32 $0xFFFFD8F0  }
.LBB2_2:
0x35: {  	p0 =	sne.s32 s17, $0x4E00;
	[tilespmem:s16+$0x4E90] =	vst v0  }
0x36: {  	[tilespmem:s16+$0x4E20] =	vst v0  }
0x37: {  	[tilespmem:s16+$0x4E30] =	vst v0  }
.Ltmp2:
0x38: {  	[tilespmem:s16+$0x4E40] =	vst v0;
	(pc) =	sbr.rel @p0 .LBB2_2-.Ltmp2, $4  }
0x39: {  	[tilespmem:s16+$0x4E50] =	vst v0  }
0x3a: {  	[tilespmem:s16+$0x4E60] =	vst v0  }
0x3b: {  	[tilespmem:s16+$0x4E70] =	vst v0  }
0x3c: {  	[tilespmem:s16+$0x4E80] =	vst v0;
	s16 =	sshra.s32 s17, $0x2;
	s17 =	sadd.s32 $0x200, s17  }
0x3d: {  	[tilespmem:s16+$0x4E90] =	vst v0  }
0x3e: {  	[tilespmem:s16+$0x4E20] =	vst v0  }
0x3f: {  	[tilespmem:s16+$0x4E30] =	vst v0  }
0x40: {  	[tilespmem:s16+$0x4E40] =	vst v0  }
0x41: {  	[tilespmem:s16+$0x4E50] =	vst v0  }
0x42: {  	[tilespmem:s16+$0x4E60] =	vst v0  }
0x43: {  	[tilespmem:s16+$0x4E70] =	vst v0  }
0x44: {  	[tilespmem:s16+$0x4E80] =	vst v0  }
0x45: {  	[spmem:s7] =	stream.linear.scatter [tilespmem:s28], [sflag:$0xB], $0x1400, $0x38;
	[tilespmem:$0x1F220] =	vst v63  }
0x46: {  	_ =	swait.ge [sflag:s25], $0x1400  }
0x47: {  	[sflag:s25] =	ssyncset.done $0x0  }
0x48: {  	s21 =	rddreg [dreg:$0x6];
	[sflag:s25] =	ssyncadd.s32 $0xFFFFEC00  }
0x49: {  	[spmem:s21] =	stream.linear.scatter [tilespmem:s28], [sflag:$0xB], $0x1400, $0x38;
	[tilespmem:$0x1F220] =	vst v63  }
0x4a: {  	_ =	swait.ge [sflag:s25], $0x1400  }
0x4b: {  	[sflag:s25] =	ssyncset.done $0x0  }
0x4c: {  	s17 =	rddreg [dreg:$0x7];
	[sflag:s25] =	ssyncadd.s32 $0xFFFFEC00  }
0x4d: {  	[spmem:s17] =	stream.linear.scatter [tilespmem:s28], [sflag:$0xB], $0x1400, $0x38;
	[tilespmem:$0x1F220] =	vst v63  }
0x4e: {  	_ =	swait.ge [sflag:s25], $0x1400  }
0x4f: {  	[sflag:s25] =	ssyncset.done $0x0  }
0x50: {  	s18 =	rddreg [dreg:$0x8];
	[sflag:s25] =	ssyncadd.s32 $0xFFFFEC00  }
0x51: {  	[spmem:s18] =	stream.linear.scatter [tilespmem:s28], [sflag:$0xB], $0x1400, $0x38;
	[tilespmem:$0x1F220] =	vst v63  }
0x52: {  	_ =	swait.ge [sflag:s25], $0x1400  }
0x53: {  	[sflag:s25] =	ssyncset.done $0x0  }
0x54: {  	s19 =	rddreg [dreg:$0x9];
	[sflag:s25] =	ssyncadd.s32 $0xFFFFEC00  }
0x55: {  	[spmem:s19] =	stream.linear.scatter [tilespmem:s28], [sflag:$0xB], $0x1400, $0x38;
	[tilespmem:$0x1F220] =	vst v63  }
0x56: {  	_ =	swait.ge [sflag:s25], $0x1400  }
0x57: {  	[sflag:s25] =	ssyncset.done $0x0  }
0x58: {  	s20 =	rddreg [dreg:$0xa];
	[sflag:s25] =	ssyncadd.s32 $0xFFFFEC00  }
0x59: {  	[spmem:s20] =	stream.linear.scatter [tilespmem:s28], [sflag:$0xB], $0x1400, $0x38;
	[tilespmem:$0x1F220] =	vst v63  }
0x5a: {  	_ =	swait.ge [sflag:s25], $0x1400  }
0x5b: {  	[sflag:s25] =	ssyncset.done $0x0  }
0x5c: {  	s21 =	rddreg [dreg:$0xb];
	[sflag:s25] =	ssyncadd.s32 $0xFFFFEC00  }
0x5d: {  	[spmem:s21] =	stream.linear.scatter [tilespmem:s28], [sflag:$0xB], $0x1400, $0x38;
	[tilespmem:$0x1F220] =	vst v63  }
0x5e: {  	_ =	swait.ge [sflag:s25], $0x1400  }
0x5f: {  	[sflag:s25] =	ssyncset.done $0x0  }
0x60: {  	s17 =	rddreg [dreg:$0xc];
	[sflag:s25] =	ssyncadd.s32 $0xFFFFEC00  }
0x61: {  	[spmem:s17] =	stream.linear.scatter [tilespmem:s28], [sflag:$0xB], $0x1400, $0x38;
	[tilespmem:$0x1F220] =	vst v63  }
0x62: {  	_ =	swait.ge [sflag:s25], $0x1400  }
0x63: {  	[sflag:s25] =	ssyncset.done $0x0  }
0x64: {  	s18 =	rddreg [dreg:$0xd];
	[sflag:s25] =	ssyncadd.s32 $0xFFFFEC00  }
0x65: {  	[spmem:s18] =	stream.linear.scatter [tilespmem:s28], [sflag:$0xB], $0x1400, $0x38;
	[tilespmem:$0x1F220] =	vst v63  }
0x66: {  	_ =	swait.ge [sflag:s25], $0x1400  }
0x67: {  	[sflag:s25] =	ssyncset.done $0x0  }
0x68: {  	s19 =	rddreg [dreg:$0xe];
	[sflag:s25] =	ssyncadd.s32 $0xFFFFEC00  }
0x69: {  	[spmem:s19] =	stream.linear.scatter [tilespmem:s28], [sflag:$0xB], $0x1400, $0x38;
	[tilespmem:$0x1F220] =	vst v63  }
0x6a: {  	_ =	swait.ge [sflag:s25], $0x1400  }
0x6b: {  	[sflag:s25] =	ssyncset.done $0x0  }
0x6c: {  	s20 =	rddreg [dreg:$0xf];
	[sflag:s25] =	ssyncadd.s32 $0xFFFFEC00  }
0x6d: {  	[spmem:s20] =	stream.linear.scatter [tilespmem:s28], [sflag:$0xB], $0x1400, $0x38;
	[tilespmem:$0x1F220] =	vst v63  }
0x6e: {  	_ =	swait.ge [sflag:s25], $0x1400  }
0x6f: {  	[sflag:s25] =	ssyncset.done $0x0  }
0x70: {  	s21 =	rddreg [dreg:$0x10];
	[sflag:s25] =	ssyncadd.s32 $0xFFFFEC00  }
0x71: {  	[spmem:s21] =	stream.linear.scatter [tilespmem:s28], [sflag:$0xB], $0x1400, $0x38;
	[tilespmem:$0x1F220] =	vst v63  }
0x72: {  	_ =	swait.ge [sflag:s25], $0x1400  }
0x73: {  	[sflag:s25] =	ssyncset.done $0x0  }
0x74: {  	s17 =	rddreg [dreg:$0x11];
	[sflag:s25] =	ssyncadd.s32 $0xFFFFEC00  }
0x75: {  	[spmem:s17] =	stream.linear.scatter [tilespmem:s28], [sflag:$0xB], $0x1400, $0x38;
	[tilespmem:$0x1F220] =	vst v63  }
0x76: {  	_ =	swait.ge [sflag:s25], $0x1400  }
0x77: {  	[sflag:s25] =	ssyncset.done $0x0  }
0x78: {  	s18 =	rddreg [dreg:$0x12];
	[sflag:s25] =	ssyncadd.s32 $0xFFFFEC00  }
0x79: {  	[spmem:s18] =	stream.linear.scatter [tilespmem:s28], [sflag:$0xB], $0x1400, $0x38;
	[tilespmem:$0x1F220] =	vst v63  }
0x7a: {  	_ =	swait.ge [sflag:s25], $0x1400  }
0x7b: {  	[sflag:s25] =	ssyncset.done $0x0  }
0x7c: {  	s19 =	rddreg [dreg:$0x13];
	[sflag:s25] =	ssyncadd.s32 $0xFFFFEC00  }
0x7d: {  	[spmem:s19] =	stream.linear.scatter [tilespmem:s28], [sflag:$0xB], $0x1400, $0x38;
	[tilespmem:$0x1F220] =	vst v63  }
0x7e: {  	_ =	swait.ge [sflag:s25], $0x1400  }
0x7f: {  	[sflag:s25] =	ssyncset.done $0x0  }
0x80: {  	[sflag:s25] =	ssyncadd.s32 $0xFFFFEC00  }
0x81: {  	[spmem:s22] =	stream.linear.scatter [tilespmem:s28], [sflag:$0xB], $0x1400, $0x38;
	[tilespmem:$0x1F220] =	vst v63  }
0x82: {  	_ =	swait.ge [sflag:s25], $0x1400  }
0x83: {  	[sflag:s25] =	ssyncset.done $0x0  }
0x84: {  	[sflag:s25] =	ssyncadd.s32 $0xFFFFEC00  }
0x85: {  	s16 =	simm.s32 $0x0;
	[bflag:$0x0] =	sbarrier.arrive $0xFFFF  }
0x86: {  	[tilespmem:s28], [sflag:$0x1] =	stream.indirect.gather [hbm4b:s4+s29], $0x80, s16, s29, $0xb8;
	[tilespmem:$0x1F220] =	vst v63  }
0x87: {  	_ = 	snop  }
0x88: {  	[tilespmem:s30], [sflag:$0x2] =	stream.indirect.gather [hbm4b:s4+s29], $0x80, s29, s29, $0xb8;
	[tilespmem:$0x1F220] =	vst v63  }
0x89: {  	s17 =	simm.s32 $0x50  }
0x8a: {  	[tilespmem:s0], [sflag:$0x3] =	stream.indirect.gather [hbm4b:s4+s29], $0x80, s17, s29, $0xb8;
	[tilespmem:$0x1F220] =	vst v63  }
0x8b: {  	s20 =	simm.s32 $0x78  }
0x8c: {  	[tilespmem:s31], [sflag:$0x4] =	stream.indirect.gather [hbm4b:s4+s29], $0x80, s20, s29, $0xb8;
	[tilespmem:$0x1F220] =	vst v63  }
0x8d: {  	_ =	swait.ge [sflag:s1], $0x1400  }
0x8e: {  	[sflag:s1] =	ssyncset.done $0x0  }
0x8f: {  	[sflag:s1] =	ssyncadd.s32 $0xFFFFEC00  }
0x90: {  	[spmem:s2] =	stream.indirect.scatter.add.f32 [tilespmem:s28], [sflag:$0x6], $0x80, s26, s29, $0xb8;
	[tilespmem:$0x1F220] =	vst v63  }
0x91: {  	s21 =	simm.s32 $0xA0  }
0x92: {  	[tilespmem:s3], [sflag:$0x5] =	stream.indirect.gather [hbm4b:s4+s29], $0x80, s21, s29, $0xb8;
	[tilespmem:$0x1F220] =	vst v63  }
0x93: {  	_ =	swait.ge [sflag:s6], $0x1400  }
0x94: {  	[sflag:s6] =	ssyncset.done $0x0  }
0x95: {  	s18 =	simm.s32 $0x2738;
	[sflag:s6] =	ssyncadd.s32 $0xFFFFEC00  }
0x96: {  	[spmem:s2] =	stream.indirect.scatter.add.f32 [tilespmem:s30], [sflag:$0x7], $0x80, s18, s29, $0xb8;
	[tilespmem:$0x1F220] =	vst v63  }
0x97: {  	_ =	swait.ge [sflag:s8], $0x1400  }
0x98: {  	[sflag:s8] =	ssyncset.done $0x0  }
0x99: {  	s19 =	simm.s32 $0xC8;
	[sflag:s8] =	ssyncadd.s32 $0xFFFFEC00  }
0x9a: {  	[tilespmem:s28], [sflag:$0x1] =	stream.indirect.gather [hbm4b:s4+s29], $0x80, s19, s29, $0xb8;
	[tilespmem:$0x1F220] =	vst v63  }
0x9b: {  	_ =	swait.ge [sflag:s9], $0x1400  }
0x9c: {  	[sflag:s9] =	ssyncset.done $0x0  }
0x9d: {  	s20 =	simm.s32 $0x2760;
	[sflag:s9] =	ssyncadd.s32 $0xFFFFEC00  }
0x9e: {  	[spmem:s2] =	stream.indirect.scatter.add.f32 [tilespmem:s0], [sflag:$0x8], $0x80, s20, s29, $0xb8;
	[tilespmem:$0x1F220] =	vst v63  }
0x9f: {  	_ =	swait.ge [sflag:s10], $0x1400  }
0xa0: {  	[sflag:s10] =	ssyncset.done $0x0  }
0xa1: {  	s21 =	simm.s32 $0xF0;
	[sflag:s10] =	ssyncadd.s32 $0xFFFFEC00  }
0xa2: {  	[tilespmem:s30], [sflag:$0x2] =	stream.indirect.gather [hbm4b:s4+s29], $0x80, s21, s29, $0xb8;
	[tilespmem:$0x1F220] =	vst v63  }
0xa3: {  	_ =	swait.ge [sflag:s11], $0x1400  }
0xa4: {  	[sflag:s11] =	ssyncset.done $0x0  }
0xa5: {  	s18 =	simm.s32 $0x2788;
	[sflag:s11] =	ssyncadd.s32 $0xFFFFEC00  }
0xa6: {  	[spmem:s2] =	stream.indirect.scatter.add.f32 [tilespmem:s31], [sflag:$0x9], $0x80, s18, s29, $0xb8;
	[tilespmem:$0x1F220] =	vst v63  }
0xa7: {  	_ =	swait.ge [sflag:s5], $0x1400  }
0xa8: {  	[sflag:s5] =	ssyncset.done $0x0  }
0xa9: {  	s19 =	simm.s32 $0x118;
	[sflag:s5] =	ssyncadd.s32 $0xFFFFEC00  }
0xaa: {  	[tilespmem:s0], [sflag:$0x3] =	stream.indirect.gather [hbm4b:s4+s29], $0x80, s19, s29, $0xb8;
	[tilespmem:$0x1F220] =	vst v63  }
0xab: {  	_ =	swait.ge [sflag:s12], $0x1400  }
0xac: {  	[sflag:s12] =	ssyncset.done $0x0  }
0xad: {  	s20 =	simm.s32 $0x27B0;
	[sflag:s12] =	ssyncadd.s32 $0xFFFFEC00  }
0xae: {  	[spmem:s2] =	stream.indirect.scatter.add.f32 [tilespmem:s3], [sflag:$0xA], $0x80, s20, s29, $0xb8;
	[tilespmem:$0x1F220] =	vst v63  }
0xaf: {  	_ =	swait.ge [sflag:s13], $0x1400  }
0xb0: {  	[sflag:s13] =	ssyncset.done $0x0  }
0xb1: {  	s21 =	simm.s32 $0x140;
	[sflag:s13] =	ssyncadd.s32 $0xFFFFEC00  }
0xb2: {  	[tilespmem:s31], [sflag:$0x4] =	stream.indirect.gather [hbm4b:s4+s29], $0x80, s21, s29, $0xb8;
	[tilespmem:$0x1F220] =	vst v63  }
.LBB2_4:
0xb3: {  	_ =	swait.ge [sflag:s1], $0x1400  }
0xb4: {  	s17 =	sshra.s32 s16, $0x2;
	[sflag:s1] =	ssyncset.done $0x0  }
0xb5: {  	s18 =	sadd.s32 $0x27D8, s17;
	[sflag:s1] =	ssyncadd.s32 $0xFFFFEC00  }
0xb6: {  	[spmem:s2] =	stream.indirect.scatter.add.f32 [tilespmem:s28], [sflag:$0x6], $0x80, s18, s29, $0xb8;
	[tilespmem:$0x1F220] =	vst v63  }
0xb7: {  	_ =	swait.ge [sflag:s14], $0x1400  }
0xb8: {  	[sflag:s14] =	ssyncset.done $0x0  }
0xb9: {  	s19 =	sadd.s32 $0x168, s17;
	[sflag:s14] =	ssyncadd.s32 $0xFFFFEC00  }
0xba: {  	[tilespmem:s3], [sflag:$0x5] =	stream.indirect.gather [hbm4b:s4+s29], $0x80, s19, s29, $0xb8;
	[tilespmem:$0x1F220] =	vst v63  }
0xbb: {  	_ =	swait.ge [sflag:s6], $0x1400  }
0xbc: {  	[sflag:s6] =	ssyncset.done $0x0  }
0xbd: {  	s20 =	sadd.s32 $0x2800, s17;
	[sflag:s6] =	ssyncadd.s32 $0xFFFFEC00  }
0xbe: {  	[spmem:s2] =	stream.indirect.scatter.add.f32 [tilespmem:s30], [sflag:$0x7], $0x80, s20, s29, $0xb8;
	[tilespmem:$0x1F220] =	vst v63  }
0xbf: {  	_ =	swait.ge [sflag:s8], $0x1400  }
0xc0: {  	p0 =	seq.s32 s16, $0x9600;
	[sflag:s8] =	ssyncset.done $0x0  }
0xc1: {  	s18 =	simm.s32 @p0 $0x3;
	[sflag:s8] =	ssyncadd.s32 $0xFFFFEC00  }
0xc2: {  	_ =	swait.ge @p0 [sflag:s18], $0x1400  }
0xc3: {  	[sflag:s18] =	ssyncset.done @p0 $0x0  }
0xc4: {  	[sflag:s18] =	ssyncadd.s32 @p0 $0xFFFFEC00;
	s18 =	sshra.s32 @p0 s16, $0x2  }
0xc5: {  	s19 =	simm.s32 @p0 $0x28;
	s20 =	simm.s32 @p0 $0x7620;
	s18 =	sadd.s32 @p0 $0x2828, s18  }
0xc6: {  	[spmem:s2] =	stream.indirect.scatter.add.f32 @p0 [tilespmem:s20], [sflag:$0x8], $0x80, s18, s19, $0xb8;
	[tilespmem:$0x1F220] =	vst v63  }
0xc7: {  	s18 =	simm.s32 @p0 $0x7  }
0xc8: {  	_ =	swait.ge @p0 [sflag:s18], $0x1400  }
0xc9: {  	[sflag:s18] =	ssyncset.done @p0 $0x0  }
0xca: {  	[sflag:s18] =	ssyncadd.s32 @p0 $0xFFFFEC00;
	s18 =	sshra.s32 @!p0 s16, $0x2  }
0xcb: {  	s21 =	simm.s32 @!p0 $0x4E20;
	s20 =	simm.s32 @!p0 $0x28;
	s19 =	sadd.s32 @!p0 $0x190, s18  }
0xcc: {  	[tilespmem:s21], [sflag:$0x1] =	stream.indirect.gather @!p0 [hbm4b:s4+s20], $0x80, s19, s20, $0xb8;
	[tilespmem:$0x1F220] =	vst v63  }
0xcd: {  	s19 =	simm.s32 @!p0 $0x3  }
0xce: {  	_ =	swait.ge @!p0 [sflag:s19], $0x1400  }
0xcf: {  	[sflag:s19] =	ssyncset.done @!p0 $0x0  }
0xd0: {  	s21 =	simm.s32 @!p0 $0x7620;
	[sflag:s19] =	ssyncadd.s32 @!p0 $0xFFFFEC00;
	s19 =	sadd.s32 @!p0 $0x2828, s18  }
0xd1: {  	[spmem:s2] =	stream.indirect.scatter.add.f32 @!p0 [tilespmem:s21], [sflag:$0x8], $0x80, s19, s20, $0xb8;
	[tilespmem:$0x1F220] =	vst v63  }
0xd2: {  	s19 =	simm.s32 @!p0 $0x7  }
0xd3: {  	_ =	swait.ge @!p0 [sflag:s19], $0x1400  }
0xd4: {  	[sflag:s19] =	ssyncset.done @!p0 $0x0  }
0xd5: {  	s18 =	sadd.s32 @!p0 $0x1B8, s18;
	[sflag:s19] =	ssyncadd.s32 @!p0 $0xFFFFEC00;
	s19 =	simm.s32 @!p0 $0x6220  }
0xd6: {  	[tilespmem:s19], [sflag:$0x2] =	stream.indirect.gather @!p0 [hbm4b:s4+s20], $0x80, s18, s20, $0xb8;
	[tilespmem:$0x1F220] =	vst v63  }
0xd7: {  	_ =	swait.ge [sflag:s11], $0x1400  }
0xd8: {  	[sflag:s11] =	ssyncset.done $0x0  }
.Ltmp3:
0xd9: {  	s21 =	sadd.s32 $0x2850, s17;
	[sflag:s11] =	ssyncadd.s32 $0xFFFFEC00;
	(pc) =	sbr.rel @p0 .LBB2_6-.Ltmp3, $4  }
0xda: {  	[spmem:s2] =	stream.indirect.scatter.add.f32 [tilespmem:s31], [sflag:$0x9], $0x80, s21, s29, $0xb8;
	[tilespmem:$0x1F220] =	vst v63  }
0xdb: {  	_ =	swait.ge [sflag:s5], $0x1400  }
0xdc: {  	[sflag:s5] =	ssyncset.done $0x0  }
0xdd: {  	s18 =	sadd.s32 $0x2878, s17;
	[sflag:s5] =	ssyncadd.s32 $0xFFFFEC00  }
0xde: {  	s19 =	sadd.s32 $0x1E0, s17  }
0xdf: {  	[tilespmem:s0], [sflag:$0x3] =	stream.indirect.gather [hbm4b:s4+s29], $0x80, s19, s29, $0xb8;
	[tilespmem:$0x1F220] =	vst v63  }
0xe0: {  	_ =	swait.ge [sflag:s12], $0x1400  }
0xe1: {  	[sflag:s12] =	ssyncset.done $0x0  }
0xe2: {  	[sflag:s12] =	ssyncadd.s32 $0xFFFFEC00  }
0xe3: {  	[spmem:s2] =	stream.indirect.scatter.add.f32 [tilespmem:s3], [sflag:$0xA], $0x80, s18, s29, $0xb8;
	[tilespmem:$0x1F220] =	vst v63  }
.Ltmp4:
0xe4: {  	_ = 	snop;
	(pc) =	sbr.rel .LBB2_4-.Ltmp4, $4  }
0xe5: {  	_ =	swait.ge [sflag:s13], $0x1400  }
0xe6: {  	[sflag:s13] =	ssyncset.done $0x0  }
0xe7: {  	s21 =	sadd.s32 $0x208, s17;
	s16 =	sadd.s32 $0x320, s16;
	[sflag:s13] =	ssyncadd.s32 $0xFFFFEC00  }
0xe8: {  	[tilespmem:s31], [sflag:$0x4] =	stream.indirect.gather [hbm4b:s4+s29], $0x80, s21, s29, $0xb8;
	[tilespmem:$0x1F220] =	vst v63  }
.LBB2_7:
0xe9: {  	_ =	sfence.sel $0x180000  }
0xea: {  	[bflag:$0x0] =	sbarrier.arrive $0xFFFF  }
0xeb: {  	_ =	strace $0x9000004A  }
0xec: {  	s0 =	stileid.u32;
	[bflag:$0x2] =	sbarrier.arrive $0xFFFF  }
0xed: {  	p0 =	sne.s32 s0, $0x0;
	s0 =	rddreg [dreg:$0x3]  }
0xee: {  	s0 =	sadd.s32 @!p0 $0x100000, s0  }
0xef: {  	[sflag:s0] =	ssyncadd.tile.s32 @!p0 $0x1;
	_ =	shalt  }
.Lfunc_end2:
_tile_overlayer_lowered:
.L_overlay_start_2:
0xf0: {  	(tag) =	ssettag $0x2  }
0xf1: {  	s0 =	rddreg [dreg:$0x0];
	s2 =	stileid.u32  }
0xf2: {  	s1 =	rddreg [dreg:$0x1];
	p0 =	sne.s32 s2, $0x0  }
0xf3: {  	s3 =	rddreg [dreg:$0x2];
	[bflag:$0x3] =	sbarrier.arrive $0xFFFF;
	s2 =	simm.s32 @!p0 $0x1C0B  }
0xf4: {  	[timem:s3], [sflag:s2] =	dma.local @!p0 [hbm:s0], s1  }
0xf5: {  	s0 =	simm.s32 @!p0 $0xB  }
0xf6: {  	_ =	swait.ge @!p0 [sflag:s0], s1  }
0xf7: {  	s1 =	ssub.s32 @!p0 $0x0, s1;
	[sflag:s0] =	ssyncset.done @!p0 $0x0  }
0xf8: {  	[sflag:s0] =	ssyncadd.s32 @!p0 s1  }
0xf9: {  	[bflag:$0x3] =	sbarrier.arrive $0xFFFF  }
0xfa: {  	_ =	shalt  }

</sc_bundles>
